<compile_context>
chip_gen: v7x
topology: tpu7x:2x2x1
jax: 0.10.2.dev20260603
libtpu: 0.0.44.dev20260713+nightly
codegen_flags: <defaults>
</compile_context>

<pallas_src>
import functools

import jax
import jax.numpy as jnp
from jax import lax
from jax.experimental import pallas as pl
from jax.experimental.pallas import tpu as pltpu
from jax.experimental.pallas import tpu_sc as plsc

N_CORES = 2
N_SUB = 16
N_WORKERS = N_CORES * N_SUB
ROW_GRP = 128


def _gemm_batch(xin, W):
    K, Cin, Cout = W.shape
    N = xin.shape[0]
    BN = 2048
    nj = N // BN

    def body(x_ref, w_ref, o_ref):
        o_ref[0] = jnp.dot(x_ref[...], w_ref[0],
                           preferred_element_type=jnp.float32)

    return pl.pallas_call(
        body,
        grid=(nj, K),
        in_specs=[
            pl.BlockSpec((BN, Cin), lambda j, k: (j, 0)),
            pl.BlockSpec((1, Cin, Cout), lambda j, k: (k, 0, 0)),
        ],
        out_specs=pl.BlockSpec((1, BN, Cout), lambda j, k: (k, j, 0)),
        out_shape=jax.ShapeDtypeStruct((K, N, Cout), jnp.float32),
    )(xin, W)


def _sc_gather_scatter_add(z_flat, gidx, sidx, n_out, n_k):
    C = z_flat.shape[1]
    M = gidx.shape[0]
    per_w = M // N_WORKERS
    grp_rows = n_k * ROW_GRP
    n_chunks = per_w // grp_rows
    assert n_chunks * grp_rows == per_w
    gidx2 = gidx.reshape(M // ROW_GRP, 1, ROW_GRP)
    sidx2 = sidx.reshape(M // ROW_GRP, 1, ROW_GRP)
    rows_per_sub = n_out // N_SUB

    mesh = plsc.VectorSubcoreMesh(core_axis_name="c", subcore_axis_name="s")

    @functools.partial(
        pl.kernel,
        out_type=jax.ShapeDtypeStruct((N_CORES * n_out, C), jnp.float32),
        mesh=mesh,
        scratch_types=[
            pltpu.VMEM((n_k, 1, ROW_GRP), jnp.int32),
            pltpu.VMEM((n_k, 1, ROW_GRP), jnp.int32),
            pltpu.VMEM((grp_rows, C), jnp.float32),
            pltpu.VMEM_SHARED((n_out, C), jnp.float32),
            pltpu.SemaphoreType.DMA,
        ],
        compiler_params=pltpu.CompilerParams(use_tc_tiling_on_sc=False),
    )
    def scatter_kernel(z_hbm, gidx_hbm, sidx_hbm, out_hbm,
                       gidx_v, sidx_v, rows_v, acc_sh, sem):
        cid = lax.axis_index("c")
        sid = lax.axis_index("s")
        wid = sid * N_CORES + cid

        zero16 = jnp.zeros((16,), jnp.float32)

        def zrow(r, carry):
            for c in range(C // 16):
                rows_v[r, pl.ds(c * 16, 16)] = zero16
            return carry

        zrows = min(512, grp_rows)
        lax.fori_loop(0, zrows, zrow, 0)
        for z in range(rows_per_sub // zrows):
            pltpu.sync_copy(
                rows_v.at[pl.ds(0, zrows)],
                acc_sh.at[pl.ds(sid * rows_per_sub + z * zrows, zrows)],
            )
        plsc.subcore_barrier()

        def body(i, carry):
            grp0 = (wid * per_w + i * grp_rows) // ROW_GRP
            pltpu.sync_copy(gidx_hbm.at[pl.ds(grp0, n_k)], gidx_v)
            pltpu.sync_copy(sidx_hbm.at[pl.ds(grp0, n_k)], sidx_v)
            cps = [
                pltpu.async_copy(z_hbm.at[gidx_v.at[j, 0]],
                                 rows_v.at[pl.ds(j * ROW_GRP, ROW_GRP)], sem)
                for j in range(n_k)
            ]
            for cp in cps:
                cp.wait()
            for j in range(n_k):
                pltpu.sync_copy(rows_v.at[pl.ds(j * ROW_GRP, ROW_GRP)],
                                acc_sh.at[sidx_v.at[j, 0]], add=True)
            return carry

        lax.fori_loop(0, n_chunks, body, 0)

        plsc.subcore_barrier()
        pltpu.sync_copy(
            acc_sh.at[pl.ds(sid * rows_per_sub, rows_per_sub)],
            out_hbm.at[pl.ds(cid * n_out + sid * rows_per_sub, rows_per_sub)],
        )

    return scatter_kernel(z_flat, gidx2, sidx2)


LOG2E = 1.4426950408889634
LN2_HI = 0.693359375
LN2_LO = -2.12194440e-4


def _exp_accurate(y):
    yc = jnp.maximum(y, -80.0)
    k = jnp.floor(yc * LOG2E + 0.5)
    r = (yc - k * LN2_HI) - k * LN2_LO
    p = 1.0 + r * (1.0 + r * (0.5 + r * (
        0.16666666666666666 + r * (0.041666666666666664 + r * (
            0.008333333333333333 + r * 0.001388888888888889)))))
    two_k = jax.lax.bitcast_convert_type(
        (k.astype(jnp.int32) + 127) << 23, jnp.float32)
    return p * two_k


def _expm1_accurate(y):
    t = y * (1.0 + y * (0.5 + y * (0.16666666666666666 + y * (
        0.041666666666666664 + y * (0.008333333333333333 + y * (
            0.001388888888888889 + y * 0.0001984126984126984))))))
    return jnp.where(y > -0.34657359, t, _exp_accurate(y) - 1.0)


def _rsqrt_accurate(u):
    s = lax.rsqrt(u)
    s = s * (1.5 - 0.5 * u * s * s)
    s = s * (1.5 - 0.5 * u * s * s)
    return s


def _sum_partials(parts):
    two_n, C = parts.shape
    n = two_n // 2

    def body(p_ref, o_ref):
        o_ref[...] = p_ref[0:n, :] + p_ref[n:two_n, :]

    return pl.pallas_call(
        body, out_shape=jax.ShapeDtypeStruct((n, C), jnp.float32),
    )(parts)


def _stats(h):
    m = jnp.mean(h, axis=0, keepdims=True)
    v = jnp.var(h, axis=0, keepdims=True)
    return m, jnp.sqrt(v + 1e-5)


def _norm_elu(parts, g, b, enc=None):
    two_n, C = parts.shape
    n = two_n // 2
    h = _sum_partials(parts)
    m, rec = _stats(h)

    def body(h_ref, m_ref, r_ref, g_ref, b_ref, *rest):
        o_ref = rest[-1]
        y = (h_ref[...] - m_ref[...]) / r_ref[...] * g_ref[...] + b_ref[...]
        y = jnp.where(y > 0.0, y, _expm1_accurate(jnp.minimum(y, 0.0)))
        if enc is not None:
            y = y + rest[0][...]
        o_ref[...] = y

    args = [h, m, rec, g.reshape(1, C), b.reshape(1, C)]
    if enc is not None:
        args.append(enc)
    return pl.pallas_call(
        body,
        out_shape=jax.ShapeDtypeStruct((n, C), jnp.float32),
    )(*args)


def _norm_elu_prune(parts, g, b, Wp, bp):
    two_n, C = parts.shape
    n = two_n // 2
    h = _sum_partials(parts)
    m, rec = _stats(h)

    def body(h_ref, m_ref, r_ref, g_ref, b_ref, wp_ref, bp_ref, o_ref):
        y = (h_ref[...] - m_ref[...]) / r_ref[...] * g_ref[...] + b_ref[...]
        y = jnp.where(y > 0.0, y, _expm1_accurate(jnp.minimum(y, 0.0)))
        pr_full = jnp.dot(y, wp_ref[...], preferred_element_type=jnp.float32)
        pr = pr_full[:, 0:1] + bp_ref[...]
        o_ref[...] = jnp.where(pr > 0.0, y, 0.0)

    wp_pad = jnp.pad(Wp, ((0, 0), (0, 127)))
    return pl.pallas_call(
        body,
        out_shape=jax.ShapeDtypeStruct((n, C), jnp.float32),
    )(h, m, rec, g.reshape(1, C), b.reshape(1, C), wp_pad,
      bp.reshape(1, 1))


def _sparse_conv_layer(h, W, km_in, km_out, n_out, n_k):
    K, N = km_in.shape
    Z = _gemm_batch(h, W)
    gidx = (km_in + jnp.arange(K, dtype=jnp.int32)[:, None] * N).reshape(-1)
    return _sc_gather_scatter_add(Z.reshape(K * N, W.shape[2]), gidx,
                                  km_out.reshape(-1), n_out, n_k)


def kernel(x, enc_feat, km1_in, km1_out, km2_in, km2_out, km3_in, km3_out,
           W1, W2, W3, Wp, bp, g1, b1, g2, b2, g3, b3):
    n_out = enc_feat.shape[0]
    p1 = _sparse_conv_layer(x, W1, km1_in, km1_out, n_out, n_k=6)
    h1 = _norm_elu(p1, g1, b1)
    p2 = _sparse_conv_layer(h1, W2, km2_in, km2_out, n_out, n_k=6)
    h2 = _norm_elu(p2, g2, b2, enc=enc_feat)
    p3 = _sparse_conv_layer(h2, W3, km3_in, km3_out, n_out, n_k=4)
    return _norm_elu_prune(p3, g3, b3, Wp, bp)

# --- scband reference (transcript-rebuilt; emitter-appended) ---
"""Pipeline reference for scband-decoder-block-45114336477867 (READ-ONLY COPY).

The authoritative reference and input builder live on the scoring server;
editing this copy changes nothing except your own understanding.
"""

import jax, jax.numpy as jnp
import numpy as np

N_IN = 8192
N_OUT = 16384
C_IN = 128
C_OUT = 64
K1 = 27
K2 = 27
K3 = 16
ALPHA = 0.0


def setup_inputs(seed: int = 0) -> dict:
    key = jax.random.key(seed)
    ks = jax.random.split(key, 16)
    inp = {}
    inp["x"] = jax.random.normal(ks[0], (N_IN, C_IN), dtype=jnp.float32)
    inp["enc_feat"] = jax.random.normal(ks[1], (N_OUT, C_OUT), dtype=jnp.float32)
    inp["km1_in"] = jax.random.randint(ks[2], (K1, N_IN), 0, N_IN, dtype=jnp.int32)
    inp["km1_out"] = jax.random.randint(ks[3], (K1, N_IN), 0, N_OUT, dtype=jnp.int32)
    inp["km2_in"] = jax.random.randint(ks[4], (K2, N_OUT), 0, N_OUT, dtype=jnp.int32)
    inp["km2_out"] = jax.random.randint(ks[5], (K2, N_OUT), 0, N_OUT, dtype=jnp.int32)
    inp["km3_in"] = jax.random.randint(ks[6], (K3, N_OUT), 0, N_OUT, dtype=jnp.int32)
    inp["km3_out"] = jax.random.randint(ks[7], (K3, N_OUT), 0, N_OUT, dtype=jnp.int32)
    inp["W1"] = jax.random.normal(ks[8], (K1, C_IN, C_OUT), dtype=jnp.float32) * (1.0 / np.sqrt(C_IN * K1))
    inp["W2"] = jax.random.normal(ks[9], (K2, C_OUT, C_OUT), dtype=jnp.float32) * (1.0 / np.sqrt(C_OUT * K2))
    inp["W3"] = jax.random.normal(ks[10], (K3, C_OUT, C_OUT), dtype=jnp.float32) * (1.0 / np.sqrt(C_OUT * K3))
    inp["Wp"] = jax.random.normal(ks[11], (C_OUT, 1), dtype=jnp.float32) * (1.0 / np.sqrt(C_OUT))
    inp["bp"] = jnp.zeros((1,), dtype=jnp.float32)
    inp["g1"] = jnp.ones((C_OUT,), dtype=jnp.float32)
    inp["b1"] = jnp.zeros((C_OUT,), dtype=jnp.float32)
    inp["g2"] = jnp.ones((C_OUT,), dtype=jnp.float32)
    inp["b2"] = jnp.zeros((C_OUT,), dtype=jnp.float32)
    inp["g3"] = jnp.ones((C_OUT,), dtype=jnp.float32)
    inp["b3"] = jnp.zeros((C_OUT,), dtype=jnp.float32)
    return inp


def sparse_conv(x, W, km_in, km_out, n_out):
    # gather-GEMM-scatter sparse convolution, one GEMM per kernel tap
    out = jnp.zeros((n_out, W.shape[2]), dtype=x.dtype)
    for k in range(W.shape[0]):
        contrib = jnp.take(x, km_in[k], axis=0) @ W[k]
        out = out.at[km_out[k]].add(contrib)
    return out


def inorm(x, g, b):
    # MinkowskiInstanceNorm with batch size 1: normalize per channel over all active voxels
    m = jnp.mean(x, axis=0, keepdims=True)
    v = jnp.var(x, axis=0, keepdims=True)
    return (x - m) / jnp.sqrt(v + 1e-5) * g + b


def reference(x, enc_feat, km1_in, km1_out, km2_in, km2_out, km3_in, km3_out, W1, W2, W3, Wp, bp, g1, b1, g2, b2, g3, b3):
    # dec_block_1: generative transpose conv (stride 2 upsample) + IN + ELU + conv + IN + ELU
    h = sparse_conv(x, W1, km1_in, km1_out, N_OUT)
    h = jax.nn.elu(inorm(h, g1, b1))
    h = sparse_conv(h, W2, km2_in, km2_out, N_OUT)
    h = jax.nn.elu(inorm(h, g2, b2))
    # skip connection with encoder features
    h = h + enc_feat
    # dec_block_2: conv (kernel 2, stride [1,1,1,2]) + IN + ELU
    h = sparse_conv(h, W3, km3_in, km3_out, N_OUT)
    h = jax.nn.elu(inorm(h, g3, b3))
    # pruning head (1x1 conv) and pruning mask (kept as dense zero-mask for static shapes)
    pruning = h @ Wp + bp
    keep = pruning[:, 0] > ALPHA
    out = jnp.where(keep[:, None], h, 0.0)
    return out

if __name__ == "__main__":
    import jax
    _d = setup_inputs()
    print(jax.jit(kernel)(*tuple(_d.values())))

</pallas_src>

<mosaic_0001>
#map = affine_map<(d0, d1) -> (0, 0)>
#map1 = affine_map<(d0, d1) -> (0, 0, 0)>
module attributes {stable_mosaic.version = 14 : i64} {
  func.func @scatter_kernel(%arg0: i32, %arg1: i32, %arg2: memref<221184x64xf32, #tpu.memory_space<hbm>>, %arg3: memref<1728x1x128xi32, #tpu.memory_space<hbm>>, %arg4: memref<1728x1x128xi32, #tpu.memory_space<hbm>>, %arg5: memref<32768x64xf32, #tpu.memory_space<hbm>>, %arg6: memref<6x1x128xi32, #tpu.memory_space<vmem>>, %arg7: memref<6x1x128xi32, #tpu.memory_space<vmem>>, %arg8: memref<768x64xf32, #tpu.memory_space<vmem>>, %arg9: memref<16384x64xf32, #tpu.memory_space<vmem_shared>>, %arg10: memref<!tpu.dma_semaphore, #tpu.memory_space<semaphore_mem>>) attributes {dimension_semantics = [#tpu.dimension_semantics<core_parallel>, #tpu.dimension_semantics<subcore_parallel>], iteration_bounds = array<i64: 2, 16>, scalar_prefetch = 0 : i64, scratch_operands = 5 : i64, tpu.core_type = #tpu.core_type<sc_vector_subcore>, window_params = [{transform_indices = #map}, {transform_indices = #map1}, {transform_indices = #map1}, {transform_indices = #map}]} {
    %mul3A = arith.constant 2 : i32
    %mul3A_0 = arith.muli %arg1, %mul3A : i32
    %add3A = arith.addi %mul3A_0, %arg0 : i32
    %broadcast_in_dim3A = arith.constant 0.000000e+00 : f32
    %broadcast_in_dim3A_1 = vector.broadcast %broadcast_in_dim3A : f32 to vector<16xf32>
    %scan3A = arith.constant 0 : i32
    %scan3A_2 = arith.constant 0 : i32
    %scan3A_3 = arith.constant 512 : i32
    %scan3A_4 = arith.addi %scan3A_2, %scan3A_3 : i32
    %scan3A_5 = arith.constant 1 : i32
    scf.for %scan3A_29 = %scan3A_2 to %scan3A_4 step %scan3A_5  : i32 {
      %swap3A = arith.index_cast %scan3A_29 : i32 to index
      %swap3A_30 = arith.constant 0 : index
      %swap3A_31 = tpu.vector_load %arg8[%swap3A, %swap3A_30] {strides = array<i32>} : memref<768x64xf32, #tpu.memory_space<vmem>>, vector<1x16xf32>,
      %swap3A_32 = vector.shape_cast %swap3A_31 : vector<1x16xf32> to vector<16xf32>
      %swap3A_33 = vector.shape_cast %broadcast_in_dim3A_1 : vector<16xf32> to vector<1x16xf32>
      tpu.vector_store %arg8[%swap3A, %swap3A_30], %swap3A_33 {strides = array<i32>} : memref<768x64xf32, #tpu.memory_space<vmem>>, vector<1x16xf32>,
      %swap3A_34 = arith.index_cast %scan3A_29 : i32 to index
      %swap3A_35 = arith.constant 16 : index
      %swap3A_36 = tpu.vector_load %arg8[%swap3A_34, %swap3A_35] {strides = array<i32>} : memref<768x64xf32, #tpu.memory_space<vmem>>, vector<1x16xf32>,
      %swap3A_37 = vector.shape_cast %swap3A_36 : vector<1x16xf32> to vector<16xf32>
      %swap3A_38 = vector.shape_cast %broadcast_in_dim3A_1 : vector<16xf32> to vector<1x16xf32>
      tpu.vector_store %arg8[%swap3A_34, %swap3A_35], %swap3A_38 {strides = array<i32>} : memref<768x64xf32, #tpu.memory_space<vmem>>, vector<1x16xf32>,
      %swap3A_39 = arith.index_cast %scan3A_29 : i32 to index
      %swap3A_40 = arith.constant 32 : index
      %swap3A_41 = tpu.vector_load %arg8[%swap3A_39, %swap3A_40] {strides = array<i32>} : memref<768x64xf32, #tpu.memory_space<vmem>>, vector<1x16xf32>,
      %swap3A_42 = vector.shape_cast %swap3A_41 : vector<1x16xf32> to vector<16xf32>
      %swap3A_43 = vector.shape_cast %broadcast_in_dim3A_1 : vector<16xf32> to vector<1x16xf32>
      tpu.vector_store %arg8[%swap3A_39, %swap3A_40], %swap3A_43 {strides = array<i32>} : memref<768x64xf32, #tpu.memory_space<vmem>>, vector<1x16xf32>,
      %swap3A_44 = arith.index_cast %scan3A_29 : i32 to index
      %swap3A_45 = arith.constant 48 : index
      %swap3A_46 = tpu.vector_load %arg8[%swap3A_44, %swap3A_45] {strides = array<i32>} : memref<768x64xf32, #tpu.memory_space<vmem>>, vector<1x16xf32>,
      %swap3A_47 = vector.shape_cast %swap3A_46 : vector<1x16xf32> to vector<16xf32>
      %swap3A_48 = vector.shape_cast %broadcast_in_dim3A_1 : vector<16xf32> to vector<1x16xf32>
      tpu.vector_store %arg8[%swap3A_44, %swap3A_45], %swap3A_48 {strides = array<i32>} : memref<768x64xf32, #tpu.memory_space<vmem>>, vector<1x16xf32>,
    }
    %scan3A_6 = arith.constant 512 : i32
    %mul3A_7 = arith.constant 1024 : i32
    %mul3A_8 = arith.muli %arg1, %mul3A_7 : i32
    %add3A_9 = arith.constant 0 : i32
    %add3A_10 = arith.addi %mul3A_8, %add3A_9 : i32
    "tpu.region"() ({
      %run_scoped3A = tpu.sem_alloc : memref<!tpu.dma_semaphore, #tpu.memory_space<semaphore_mem>>
      %dma_start3A = arith.constant 0 : i32
      %dma_start3A_29 = arith.constant 0 : i32
      %dma_start3A_30 = tpu.memref_slice %arg8[%dma_start3A, %dma_start3A_29] : memref<768x64xf32, #tpu.memory_space<vmem>> -> memref<512x64xf32, #tpu.memory_space<vmem>>
      %dma_start3A_31 = arith.constant 0 : i32
      %dma_start3A_32 = tpu.memref_slice %arg9[%add3A_10, %dma_start3A_31] : memref<16384x64xf32, #tpu.memory_space<vmem_shared>> -> memref<512x64xf32, #tpu.memory_space<vmem_shared>>
      %dma_start3A_33 = arith.constant 0 : i32
      %dma_start3A_34 = tpu.memref_slice %arg9[%add3A_10, %dma_start3A_33] : memref<16384x64xf32, #tpu.memory_space<vmem_shared>> -> memref<512x64xf32, #tpu.memory_space<vmem_shared>>
      %dma_start3A_35 = arith.constant 0 : i32
      %dma_start3A_36 = arith.constant 0 : i32
      %dma_start3A_37 = tpu.memref_slice %arg8[%dma_start3A_35, %dma_start3A_36] : memref<768x64xf32, #tpu.memory_space<vmem>> -> memref<512x64xf32, #tpu.memory_space<vmem>>
      tpu.enqueue_dma source(%dma_start3A_37 : memref<512x64xf32, #tpu.memory_space<vmem>>) target(%dma_start3A_34 : memref<512x64xf32, #tpu.memory_space<vmem_shared>>) target_semaphore(%run_scoped3A : memref<!tpu.dma_semaphore, #tpu.memory_space<semaphore_mem>>)
      %dma_wait3A = arith.constant 0 : i32
      %dma_wait3A_38 = arith.constant 0 : i32
      %dma_wait3A_39 = tpu.memref_slice %arg8[%dma_wait3A, %dma_wait3A_38] : memref<768x64xf32, #tpu.memory_space<vmem>> -> memref<512x64xf32, #tpu.memory_space<vmem>>
      %dma_wait3A_40 = arith.constant 0 : i32
      %dma_wait3A_41 = tpu.memref_slice %arg9[%add3A_10, %dma_wait3A_40] : memref<16384x64xf32, #tpu.memory_space<vmem_shared>> -> memref<512x64xf32, #tpu.memory_space<vmem_shared>>
      %dma_wait3A_42 = arith.constant 0 : i32
      %dma_wait3A_43 = tpu.memref_slice %arg9[%add3A_10, %dma_wait3A_42] : memref<16384x64xf32, #tpu.memory_space<vmem_shared>> -> memref<512x64xf32, #tpu.memory_space<vmem_shared>>
      %dma_wait3A_44 = arith.constant 0 : i32
      %dma_wait3A_45 = arith.constant 0 : i32
      %dma_wait3A_46 = tpu.memref_slice %arg8[%dma_wait3A_44, %dma_wait3A_45] : memref<768x64xf32, #tpu.memory_space<vmem>> -> memref<512x64xf32, #tpu.memory_space<vmem>>
      tpu.wait_dma2 semaphore(%run_scoped3A : memref<!tpu.dma_semaphore, #tpu.memory_space<semaphore_mem>>) src(%dma_wait3A_46 : memref<512x64xf32, #tpu.memory_space<vmem>>) dst(%dma_wait3A_43 : memref<512x64xf32, #tpu.memory_space<vmem_shared>>)
      tpu.yield
    }) : () -> ()
    %mul3A_11 = arith.constant 1024 : i32
    %mul3A_12 = arith.muli %arg1, %mul3A_11 : i32
    %add3A_13 = arith.constant 512 : i32
    %add3A_14 = arith.addi %mul3A_12, %add3A_13 : i32
    "tpu.region"() ({
      %run_scoped3A = tpu.sem_alloc : memref<!tpu.dma_semaphore, #tpu.memory_space<semaphore_mem>>
      %dma_start3A = arith.constant 0 : i32
      %dma_start3A_29 = arith.constant 0 : i32
      %dma_start3A_30 = tpu.memref_slice %arg8[%dma_start3A, %dma_start3A_29] : memref<768x64xf32, #tpu.memory_space<vmem>> -> memref<512x64xf32, #tpu.memory_space<vmem>>
      %dma_start3A_31 = arith.constant 0 : i32
      %dma_start3A_32 = tpu.memref_slice %arg9[%add3A_14, %dma_start3A_31] : memref<16384x64xf32, #tpu.memory_space<vmem_shared>> -> memref<512x64xf32, #tpu.memory_space<vmem_shared>>
      %dma_start3A_33 = arith.constant 0 : i32
      %dma_start3A_34 = tpu.memref_slice %arg9[%add3A_14, %dma_start3A_33] : memref<16384x64xf32, #tpu.memory_space<vmem_shared>> -> memref<512x64xf32, #tpu.memory_space<vmem_shared>>
      %dma_start3A_35 = arith.constant 0 : i32
      %dma_start3A_36 = arith.constant 0 : i32
      %dma_start3A_37 = tpu.memref_slice %arg8[%dma_start3A_35, %dma_start3A_36] : memref<768x64xf32, #tpu.memory_space<vmem>> -> memref<512x64xf32, #tpu.memory_space<vmem>>
      tpu.enqueue_dma source(%dma_start3A_37 : memref<512x64xf32, #tpu.memory_space<vmem>>) target(%dma_start3A_34 : memref<512x64xf32, #tpu.memory_space<vmem_shared>>) target_semaphore(%run_scoped3A : memref<!tpu.dma_semaphore, #tpu.memory_space<semaphore_mem>>)
      %dma_wait3A = arith.constant 0 : i32
      %dma_wait3A_38 = arith.constant 0 : i32
      %dma_wait3A_39 = tpu.memref_slice %arg8[%dma_wait3A, %dma_wait3A_38] : memref<768x64xf32, #tpu.memory_space<vmem>> -> memref<512x64xf32, #tpu.memory_space<vmem>>
      %dma_wait3A_40 = arith.constant 0 : i32
      %dma_wait3A_41 = tpu.memref_slice %arg9[%add3A_14, %dma_wait3A_40] : memref<16384x64xf32, #tpu.memory_space<vmem_shared>> -> memref<512x64xf32, #tpu.memory_space<vmem_shared>>
      %dma_wait3A_42 = arith.constant 0 : i32
      %dma_wait3A_43 = tpu.memref_slice %arg9[%add3A_14, %dma_wait3A_42] : memref<16384x64xf32, #tpu.memory_space<vmem_shared>> -> memref<512x64xf32, #tpu.memory_space<vmem_shared>>
      %dma_wait3A_44 = arith.constant 0 : i32
      %dma_wait3A_45 = arith.constant 0 : i32
      %dma_wait3A_46 = tpu.memref_slice %arg8[%dma_wait3A_44, %dma_wait3A_45] : memref<768x64xf32, #tpu.memory_space<vmem>> -> memref<512x64xf32, #tpu.memory_space<vmem>>
      tpu.wait_dma2 semaphore(%run_scoped3A : memref<!tpu.dma_semaphore, #tpu.memory_space<semaphore_mem>>) src(%dma_wait3A_46 : memref<512x64xf32, #tpu.memory_space<vmem>>) dst(%dma_wait3A_43 : memref<512x64xf32, #tpu.memory_space<vmem_shared>>)
      tpu.yield
    }) : () -> ()
    %barrier3A = arith.constant 0 : index
    tpu.barrier barrier_id(%barrier3A)
    %scan3A_15 = arith.constant 0 : i32
    %scan3A_16 = arith.constant 0 : i32
    %scan3A_17 = arith.constant 9 : i32
    %scan3A_18 = arith.addi %scan3A_16, %scan3A_17 : i32
    %scan3A_19 = arith.constant 1 : i32
    scf.for %scan3A_29 = %scan3A_16 to %scan3A_18 step %scan3A_19  : i32 {
      %mul3A_30 = arith.constant 6912 : i32
      %mul3A_31 = arith.muli %add3A, %mul3A_30 : i32
      %mul3A_32 = arith.constant 768 : i32
      %mul3A_33 = arith.muli %scan3A_29, %mul3A_32 : i32
      %add3A_34 = arith.addi %mul3A_31, %mul3A_33 : i32
      %jit3A = arith.constant 128 : i32
      %div3A = arith.divsi %add3A_34, %jit3A : i32
      %sign3A = arith.constant 0 : i32
      %sign3A_35 = arith.cmpi sgt, %add3A_34, %sign3A : i32
      %sign3A_36 = arith.extui %sign3A_35 : i1 to i32
      %sign3A_37 = arith.constant 0 : i32
      %sign3A_38 = arith.cmpi slt, %add3A_34, %sign3A_37 : i32
      %sign3A_39 = arith.extui %sign3A_38 : i1 to i32
      %sign3A_40 = arith.subi %sign3A_36, %sign3A_39 : i32
      %sign3A_41 = arith.constant 0 : i32
      %sign3A_42 = arith.cmpi sgt, %jit3A, %sign3A_41 : i32
      %sign3A_43 = arith.extui %sign3A_42 : i1 to i32
      %sign3A_44 = arith.constant 0 : i32
      %sign3A_45 = arith.cmpi slt, %jit3A, %sign3A_44 : i32
      %sign3A_46 = arith.extui %sign3A_45 : i1 to i32
      %sign3A_47 = arith.subi %sign3A_43, %sign3A_46 : i32
      %ne3A = arith.cmpi ne, %sign3A_40, %sign3A_47 : i32
      %rem3A = arith.remsi %add3A_34, %jit3A : i32
      %ne3A_48 = arith.constant 0 : i32
      %ne3A_49 = arith.cmpi ne, %rem3A, %ne3A_48 : i32
      %and3A = arith.andi %ne3A, %ne3A_49 : i1
      %sub3A = arith.constant 1 : i32
      %sub3A_50 = arith.subi %div3A, %sub3A : i32
      %select_n3A = arith.select %and3A, %sub3A_50, %div3A : i32
      "tpu.region"() ({
        %run_scoped3A_192 = tpu.sem_alloc : memref<!tpu.dma_semaphore, #tpu.memory_space<semaphore_mem>>
        %dma_start3A_193 = arith.constant 0 : i32
        %dma_start3A_194 = arith.constant 0 : i32
        %dma_start3A_195 = tpu.memref_slice %arg3[%select_n3A, %dma_start3A_193, %dma_start3A_194] : memref<1728x1x128xi32, #tpu.memory_space<hbm>> -> memref<6x1x128xi32, #tpu.memory_space<hbm>>
        %dma_start3A_196 = arith.constant 0 : i32
        %dma_start3A_197 = arith.constant 0 : i32
        %dma_start3A_198 = tpu.memref_slice %arg3[%select_n3A, %dma_start3A_196, %dma_start3A_197] : memref<1728x1x128xi32, #tpu.memory_space<hbm>> -> memref<6x1x128xi32, #tpu.memory_space<hbm>>
        tpu.enqueue_dma source(%dma_start3A_198 : memref<6x1x128xi32, #tpu.memory_space<hbm>>) target(%arg6 : memref<6x1x128xi32, #tpu.memory_space<vmem>>) target_semaphore(%run_scoped3A_192 : memref<!tpu.dma_semaphore, #tpu.memory_space<semaphore_mem>>)
        %dma_wait3A_199 = arith.constant 0 : i32
        %dma_wait3A_200 = arith.constant 0 : i32
        %dma_wait3A_201 = tpu.memref_slice %arg3[%select_n3A, %dma_wait3A_199, %dma_wait3A_200] : memref<1728x1x128xi32, #tpu.memory_space<hbm>> -> memref<6x1x128xi32, #tpu.memory_space<hbm>>
        %dma_wait3A_202 = arith.constant 0 : i32
        %dma_wait3A_203 = arith.constant 0 : i32
        %dma_wait3A_204 = tpu.memref_slice %arg3[%select_n3A, %dma_wait3A_202, %dma_wait3A_203] : memref<1728x1x128xi32, #tpu.memory_space<hbm>> -> memref<6x1x128xi32, #tpu.memory_space<hbm>>
        tpu.wait_dma2 semaphore(%run_scoped3A_192 : memref<!tpu.dma_semaphore, #tpu.memory_space<semaphore_mem>>) src(%dma_wait3A_204 : memref<6x1x128xi32, #tpu.memory_space<hbm>>) dst(%arg6 : memref<6x1x128xi32, #tpu.memory_space<vmem>>)
        tpu.yield
      }) : () -> ()
      "tpu.region"() ({
        %run_scoped3A_192 = tpu.sem_alloc : memref<!tpu.dma_semaphore, #tpu.memory_space<semaphore_mem>>
        %dma_start3A_193 = arith.constant 0 : i32
        %dma_start3A_194 = arith.constant 0 : i32
        %dma_start3A_195 = tpu.memref_slice %arg4[%select_n3A, %dma_start3A_193, %dma_start3A_194] : memref<1728x1x128xi32, #tpu.memory_space<hbm>> -> memref<6x1x128xi32, #tpu.memory_space<hbm>>
        %dma_start3A_196 = arith.constant 0 : i32
        %dma_start3A_197 = arith.constant 0 : i32
        %dma_start3A_198 = tpu.memref_slice %arg4[%select_n3A, %dma_start3A_196, %dma_start3A_197] : memref<1728x1x128xi32, #tpu.memory_space<hbm>> -> memref<6x1x128xi32, #tpu.memory_space<hbm>>
        tpu.enqueue_dma source(%dma_start3A_198 : memref<6x1x128xi32, #tpu.memory_space<hbm>>) target(%arg7 : memref<6x1x128xi32, #tpu.memory_space<vmem>>) target_semaphore(%run_scoped3A_192 : memref<!tpu.dma_semaphore, #tpu.memory_space<semaphore_mem>>)
        %dma_wait3A_199 = arith.constant 0 : i32
        %dma_wait3A_200 = arith.constant 0 : i32
        %dma_wait3A_201 = tpu.memref_slice %arg4[%select_n3A, %dma_wait3A_199, %dma_wait3A_200] : memref<1728x1x128xi32, #tpu.memory_space<hbm>> -> memref<6x1x128xi32, #tpu.memory_space<hbm>>
        %dma_wait3A_202 = arith.constant 0 : i32
        %dma_wait3A_203 = arith.constant 0 : i32
        %dma_wait3A_204 = tpu.memref_slice %arg4[%select_n3A, %dma_wait3A_202, %dma_wait3A_203] : memref<1728x1x128xi32, #tpu.memory_space<hbm>> -> memref<6x1x128xi32, #tpu.memory_space<hbm>>
        tpu.wait_dma2 semaphore(%run_scoped3A_192 : memref<!tpu.dma_semaphore, #tpu.memory_space<semaphore_mem>>) src(%dma_wait3A_204 : memref<6x1x128xi32, #tpu.memory_space<hbm>>) dst(%arg7 : memref<6x1x128xi32, #tpu.memory_space<vmem>>)
        tpu.yield
      }) : () -> ()
      %dma_start3A = arith.constant 0 : i32
      %dma_start3A_51 = arith.constant 0 : i32
      %dma_start3A_52 = arith.constant 0 : i32
      %dma_start3A_53 = arith.constant 0 : i32
      %dma_start3A_54 = tpu.memref_slice %arg8[%dma_start3A_52, %dma_start3A_53] : memref<768x64xf32, #tpu.memory_space<vmem>> -> memref<128x64xf32, #tpu.memory_space<vmem>>
      %dma_start3A_55 = arith.constant 0 : i32
      %dma_start3A_56 = tpu.memref_slice %arg6[%dma_start3A, %dma_start3A_51, %dma_start3A_55] : memref<6x1x128xi32, #tpu.memory_space<vmem>> -> memref<1x1x128xi32, #tpu.memory_space<vmem>>
      %dma_start3A_57 = tpu.memref_squeeze %dma_start3A_56 : memref<1x1x128xi32, #tpu.memory_space<vmem>> -> memref<128xi32, #tpu.memory_space<vmem>>
      %dma_start3A_58 = arith.constant 0 : i32
      %dma_start3A_59 = arith.constant 0 : i32
      %dma_start3A_60 = tpu.memref_slice %arg2[%dma_start3A_58, %dma_start3A_59] : memref<221184x64xf32, #tpu.memory_space<hbm>> -> memref<221184x64xf32, #tpu.memory_space<hbm>>
      tpu.enqueue_indirect_dma source(%dma_start3A_60 : memref<221184x64xf32, #tpu.memory_space<hbm>>) target(%dma_start3A_54 : memref<128x64xf32, #tpu.memory_space<vmem>>) offsets(%dma_start3A_57 : memref<128xi32, #tpu.memory_space<vmem>>) semaphore(%arg10 : memref<!tpu.dma_semaphore, #tpu.memory_space<semaphore_mem>>)
      %dma_start3A_61 = arith.constant 1 : i32
      %dma_start3A_62 = arith.constant 0 : i32
      %dma_start3A_63 = arith.constant 128 : i32
      %dma_start3A_64 = arith.constant 0 : i32
      %dma_start3A_65 = tpu.memref_slice %arg8[%dma_start3A_63, %dma_start3A_64] : memref<768x64xf32, #tpu.memory_space<vmem>> -> memref<128x64xf32, #tpu.memory_space<vmem>>
      %dma_start3A_66 = arith.constant 0 : i32
      %dma_start3A_67 = tpu.memref_slice %arg6[%dma_start3A_61, %dma_start3A_62, %dma_start3A_66] : memref<6x1x128xi32, #tpu.memory_space<vmem>> -> memref<1x1x128xi32, #tpu.memory_space<vmem>>
      %dma_start3A_68 = tpu.memref_squeeze %dma_start3A_67 : memref<1x1x128xi32, #tpu.memory_space<vmem>> -> memref<128xi32, #tpu.memory_space<vmem>>
      %dma_start3A_69 = arith.constant 0 : i32
      %dma_start3A_70 = arith.constant 0 : i32
      %dma_start3A_71 = tpu.memref_slice %arg2[%dma_start3A_69, %dma_start3A_70] : memref<221184x64xf32, #tpu.memory_space<hbm>> -> memref<221184x64xf32, #tpu.memory_space<hbm>>
      tpu.enqueue_indirect_dma source(%dma_start3A_71 : memref<221184x64xf32, #tpu.memory_space<hbm>>) target(%dma_start3A_65 : memref<128x64xf32, #tpu.memory_space<vmem>>) offsets(%dma_start3A_68 : memref<128xi32, #tpu.memory_space<vmem>>) semaphore(%arg10 : memref<!tpu.dma_semaphore, #tpu.memory_space<semaphore_mem>>)
      %dma_start3A_72 = arith.constant 2 : i32
      %dma_start3A_73 = arith.constant 0 : i32
      %dma_start3A_74 = arith.constant 256 : i32
      %dma_start3A_75 = arith.constant 0 : i32
      %dma_start3A_76 = tpu.memref_slice %arg8[%dma_start3A_74, %dma_start3A_75] : memref<768x64xf32, #tpu.memory_space<vmem>> -> memref<128x64xf32, #tpu.memory_space<vmem>>
      %dma_start3A_77 = arith.constant 0 : i32
      %dma_start3A_78 = tpu.memref_slice %arg6[%dma_start3A_72, %dma_start3A_73, %dma_start3A_77] : memref<6x1x128xi32, #tpu.memory_space<vmem>> -> memref<1x1x128xi32, #tpu.memory_space<vmem>>
      %dma_start3A_79 = tpu.memref_squeeze %dma_start3A_78 : memref<1x1x128xi32, #tpu.memory_space<vmem>> -> memref<128xi32, #tpu.memory_space<vmem>>
      %dma_start3A_80 = arith.constant 0 : i32
      %dma_start3A_81 = arith.constant 0 : i32
      %dma_start3A_82 = tpu.memref_slice %arg2[%dma_start3A_80, %dma_start3A_81] : memref<221184x64xf32, #tpu.memory_space<hbm>> -> memref<221184x64xf32, #tpu.memory_space<hbm>>
      tpu.enqueue_indirect_dma source(%dma_start3A_82 : memref<221184x64xf32, #tpu.memory_space<hbm>>) target(%dma_start3A_76 : memref<128x64xf32, #tpu.memory_space<vmem>>) offsets(%dma_start3A_79 : memref<128xi32, #tpu.memory_space<vmem>>) semaphore(%arg10 : memref<!tpu.dma_semaphore, #tpu.memory_space<semaphore_mem>>)
      %dma_start3A_83 = arith.constant 3 : i32
      %dma_start3A_84 = arith.constant 0 : i32
      %dma_start3A_85 = arith.constant 384 : i32
      %dma_start3A_86 = arith.constant 0 : i32
      %dma_start3A_87 = tpu.memref_slice %arg8[%dma_start3A_85, %dma_start3A_86] : memref<768x64xf32, #tpu.memory_space<vmem>> -> memref<128x64xf32, #tpu.memory_space<vmem>>
      %dma_start3A_88 = arith.constant 0 : i32
      %dma_start3A_89 = tpu.memref_slice %arg6[%dma_start3A_83, %dma_start3A_84, %dma_start3A_88] : memref<6x1x128xi32, #tpu.memory_space<vmem>> -> memref<1x1x128xi32, #tpu.memory_space<vmem>>
      %dma_start3A_90 = tpu.memref_squeeze %dma_start3A_89 : memref<1x1x128xi32, #tpu.memory_space<vmem>> -> memref<128xi32, #tpu.memory_space<vmem>>
      %dma_start3A_91 = arith.constant 0 : i32
      %dma_start3A_92 = arith.constant 0 : i32
      %dma_start3A_93 = tpu.memref_slice %arg2[%dma_start3A_91, %dma_start3A_92] : memref<221184x64xf32, #tpu.memory_space<hbm>> -> memref<221184x64xf32, #tpu.memory_space<hbm>>
      tpu.enqueue_indirect_dma source(%dma_start3A_93 : memref<221184x64xf32, #tpu.memory_space<hbm>>) target(%dma_start3A_87 : memref<128x64xf32, #tpu.memory_space<vmem>>) offsets(%dma_start3A_90 : memref<128xi32, #tpu.memory_space<vmem>>) semaphore(%arg10 : memref<!tpu.dma_semaphore, #tpu.memory_space<semaphore_mem>>)
      %dma_start3A_94 = arith.constant 4 : i32
      %dma_start3A_95 = arith.constant 0 : i32
      %dma_start3A_96 = arith.constant 512 : i32
      %dma_start3A_97 = arith.constant 0 : i32
      %dma_start3A_98 = tpu.memref_slice %arg8[%dma_start3A_96, %dma_start3A_97] : memref<768x64xf32, #tpu.memory_space<vmem>> -> memref<128x64xf32, #tpu.memory_space<vmem>>
      %dma_start3A_99 = arith.constant 0 : i32
      %dma_start3A_100 = tpu.memref_slice %arg6[%dma_start3A_94, %dma_start3A_95, %dma_start3A_99] : memref<6x1x128xi32, #tpu.memory_space<vmem>> -> memref<1x1x128xi32, #tpu.memory_space<vmem>>
      %dma_start3A_101 = tpu.memref_squeeze %dma_start3A_100 : memref<1x1x128xi32, #tpu.memory_space<vmem>> -> memref<128xi32, #tpu.memory_space<vmem>>
      %dma_start3A_102 = arith.constant 0 : i32
      %dma_start3A_103 = arith.constant 0 : i32
      %dma_start3A_104 = tpu.memref_slice %arg2[%dma_start3A_102, %dma_start3A_103] : memref<221184x64xf32, #tpu.memory_space<hbm>> -> memref<221184x64xf32, #tpu.memory_space<hbm>>
      tpu.enqueue_indirect_dma source(%dma_start3A_104 : memref<221184x64xf32, #tpu.memory_space<hbm>>) target(%dma_start3A_98 : memref<128x64xf32, #tpu.memory_space<vmem>>) offsets(%dma_start3A_101 : memref<128xi32, #tpu.memory_space<vmem>>) semaphore(%arg10 : memref<!tpu.dma_semaphore, #tpu.memory_space<semaphore_mem>>)
      %dma_start3A_105 = arith.constant 5 : i32
      %dma_start3A_106 = arith.constant 0 : i32
      %dma_start3A_107 = arith.constant 640 : i32
      %dma_start3A_108 = arith.constant 0 : i32
      %dma_start3A_109 = tpu.memref_slice %arg8[%dma_start3A_107, %dma_start3A_108] : memref<768x64xf32, #tpu.memory_space<vmem>> -> memref<128x64xf32, #tpu.memory_space<vmem>>
      %dma_start3A_110 = arith.constant 0 : i32
      %dma_start3A_111 = tpu.memref_slice %arg6[%dma_start3A_105, %dma_start3A_106, %dma_start3A_110] : memref<6x1x128xi32, #tpu.memory_space<vmem>> -> memref<1x1x128xi32, #tpu.memory_space<vmem>>
      %dma_start3A_112 = tpu.memref_squeeze %dma_start3A_111 : memref<1x1x128xi32, #tpu.memory_space<vmem>> -> memref<128xi32, #tpu.memory_space<vmem>>
      %dma_start3A_113 = arith.constant 0 : i32
      %dma_start3A_114 = arith.constant 0 : i32
      %dma_start3A_115 = tpu.memref_slice %arg2[%dma_start3A_113, %dma_start3A_114] : memref<221184x64xf32, #tpu.memory_space<hbm>> -> memref<221184x64xf32, #tpu.memory_space<hbm>>
      tpu.enqueue_indirect_dma source(%dma_start3A_115 : memref<221184x64xf32, #tpu.memory_space<hbm>>) target(%dma_start3A_109 : memref<128x64xf32, #tpu.memory_space<vmem>>) offsets(%dma_start3A_112 : memref<128xi32, #tpu.memory_space<vmem>>) semaphore(%arg10 : memref<!tpu.dma_semaphore, #tpu.memory_space<semaphore_mem>>)
      %dma_wait3A = arith.constant 0 : i32
      %dma_wait3A_116 = arith.constant 0 : i32
      %dma_wait3A_117 = arith.constant 0 : i32
      %dma_wait3A_118 = arith.constant 0 : i32
      %dma_wait3A_119 = tpu.memref_slice %arg8[%dma_wait3A_117, %dma_wait3A_118] : memref<768x64xf32, #tpu.memory_space<vmem>> -> memref<128x64xf32, #tpu.memory_space<vmem>>
      %dma_wait3A_120 = arith.constant 0 : i32
      %dma_wait3A_121 = tpu.memref_slice %arg6[%dma_wait3A, %dma_wait3A_116, %dma_wait3A_120] : memref<6x1x128xi32, #tpu.memory_space<vmem>> -> memref<1x1x128xi32, #tpu.memory_space<vmem>>
      %dma_wait3A_122 = tpu.memref_squeeze %dma_wait3A_121 : memref<1x1x128xi32, #tpu.memory_space<vmem>> -> memref<128xi32, #tpu.memory_space<vmem>>
      %dma_wait3A_123 = arith.constant 0 : i32
      %dma_wait3A_124 = arith.constant 0 : i32
      %dma_wait3A_125 = tpu.memref_slice %arg2[%dma_wait3A_123, %dma_wait3A_124] : memref<221184x64xf32, #tpu.memory_space<hbm>> -> memref<221184x64xf32, #tpu.memory_space<hbm>>
      tpu.wait_indirect_dma semaphore(%arg10 : memref<!tpu.dma_semaphore, #tpu.memory_space<semaphore_mem>>) src(%dma_wait3A_125 : memref<221184x64xf32, #tpu.memory_space<hbm>>) dst(%dma_wait3A_119 : memref<128x64xf32, #tpu.memory_space<vmem>>)
      %dma_wait3A_126 = arith.constant 1 : i32
      %dma_wait3A_127 = arith.constant 0 : i32
      %dma_wait3A_128 = arith.constant 128 : i32
      %dma_wait3A_129 = arith.constant 0 : i32
      %dma_wait3A_130 = tpu.memref_slice %arg8[%dma_wait3A_128, %dma_wait3A_129] : memref<768x64xf32, #tpu.memory_space<vmem>> -> memref<128x64xf32, #tpu.memory_space<vmem>>
      %dma_wait3A_131 = arith.constant 0 : i32
      %dma_wait3A_132 = tpu.memref_slice %arg6[%dma_wait3A_126, %dma_wait3A_127, %dma_wait3A_131] : memref<6x1x128xi32, #tpu.memory_space<vmem>> -> memref<1x1x128xi32, #tpu.memory_space<vmem>>
      %dma_wait3A_133 = tpu.memref_squeeze %dma_wait3A_132 : memref<1x1x128xi32, #tpu.memory_space<vmem>> -> memref<128xi32, #tpu.memory_space<vmem>>
      %dma_wait3A_134 = arith.constant 0 : i32
      %dma_wait3A_135 = arith.constant 0 : i32
      %dma_wait3A_136 = tpu.memref_slice %arg2[%dma_wait3A_134, %dma_wait3A_135] : memref<221184x64xf32, #tpu.memory_space<hbm>> -> memref<221184x64xf32, #tpu.memory_space<hbm>>
      tpu.wait_indirect_dma semaphore(%arg10 : memref<!tpu.dma_semaphore, #tpu.memory_space<semaphore_mem>>) src(%dma_wait3A_136 : memref<221184x64xf32, #tpu.memory_space<hbm>>) dst(%dma_wait3A_130 : memref<128x64xf32, #tpu.memory_space<vmem>>)
      %dma_wait3A_137 = arith.constant 2 : i32
      %dma_wait3A_138 = arith.constant 0 : i32
      %dma_wait3A_139 = arith.constant 256 : i32
      %dma_wait3A_140 = arith.constant 0 : i32
      %dma_wait3A_141 = tpu.memref_slice %arg8[%dma_wait3A_139, %dma_wait3A_140] : memref<768x64xf32, #tpu.memory_space<vmem>> -> memref<128x64xf32, #tpu.memory_space<vmem>>
      %dma_wait3A_142 = arith.constant 0 : i32
      %dma_wait3A_143 = tpu.memref_slice %arg6[%dma_wait3A_137, %dma_wait3A_138, %dma_wait3A_142] : memref<6x1x128xi32, #tpu.memory_space<vmem>> -> memref<1x1x128xi32, #tpu.memory_space<vmem>>
      %dma_wait3A_144 = tpu.memref_squeeze %dma_wait3A_143 : memref<1x1x128xi32, #tpu.memory_space<vmem>> -> memref<128xi32, #tpu.memory_space<vmem>>
      %dma_wait3A_145 = arith.constant 0 : i32
      %dma_wait3A_146 = arith.constant 0 : i32
      %dma_wait3A_147 = tpu.memref_slice %arg2[%dma_wait3A_145, %dma_wait3A_146] : memref<221184x64xf32, #tpu.memory_space<hbm>> -> memref<221184x64xf32, #tpu.memory_space<hbm>>
      tpu.wait_indirect_dma semaphore(%arg10 : memref<!tpu.dma_semaphore, #tpu.memory_space<semaphore_mem>>) src(%dma_wait3A_147 : memref<221184x64xf32, #tpu.memory_space<hbm>>) dst(%dma_wait3A_141 : memref<128x64xf32, #tpu.memory_space<vmem>>)
      %dma_wait3A_148 = arith.constant 3 : i32
      %dma_wait3A_149 = arith.constant 0 : i32
      %dma_wait3A_150 = arith.constant 384 : i32
      %dma_wait3A_151 = arith.constant 0 : i32
      %dma_wait3A_152 = tpu.memref_slice %arg8[%dma_wait3A_150, %dma_wait3A_151] : memref<768x64xf32, #tpu.memory_space<vmem>> -> memref<128x64xf32, #tpu.memory_space<vmem>>
      %dma_wait3A_153 = arith.constant 0 : i32
      %dma_wait3A_154 = tpu.memref_slice %arg6[%dma_wait3A_148, %dma_wait3A_149, %dma_wait3A_153] : memref<6x1x128xi32, #tpu.memory_space<vmem>> -> memref<1x1x128xi32, #tpu.memory_space<vmem>>
      %dma_wait3A_155 = tpu.memref_squeeze %dma_wait3A_154 : memref<1x1x128xi32, #tpu.memory_space<vmem>> -> memref<128xi32, #tpu.memory_space<vmem>>
      %dma_wait3A_156 = arith.constant 0 : i32
      %dma_wait3A_157 = arith.constant 0 : i32
      %dma_wait3A_158 = tpu.memref_slice %arg2[%dma_wait3A_156, %dma_wait3A_157] : memref<221184x64xf32, #tpu.memory_space<hbm>> -> memref<221184x64xf32, #tpu.memory_space<hbm>>
      tpu.wait_indirect_dma semaphore(%arg10 : memref<!tpu.dma_semaphore, #tpu.memory_space<semaphore_mem>>) src(%dma_wait3A_158 : memref<221184x64xf32, #tpu.memory_space<hbm>>) dst(%dma_wait3A_152 : memref<128x64xf32, #tpu.memory_space<vmem>>)
      %dma_wait3A_159 = arith.constant 4 : i32
      %dma_wait3A_160 = arith.constant 0 : i32
      %dma_wait3A_161 = arith.constant 512 : i32
      %dma_wait3A_162 = arith.constant 0 : i32
      %dma_wait3A_163 = tpu.memref_slice %arg8[%dma_wait3A_161, %dma_wait3A_162] : memref<768x64xf32, #tpu.memory_space<vmem>> -> memref<128x64xf32, #tpu.memory_space<vmem>>
      %dma_wait3A_164 = arith.constant 0 : i32
      %dma_wait3A_165 = tpu.memref_slice %arg6[%dma_wait3A_159, %dma_wait3A_160, %dma_wait3A_164] : memref<6x1x128xi32, #tpu.memory_space<vmem>> -> memref<1x1x128xi32, #tpu.memory_space<vmem>>
      %dma_wait3A_166 = tpu.memref_squeeze %dma_wait3A_165 : memref<1x1x128xi32, #tpu.memory_space<vmem>> -> memref<128xi32, #tpu.memory_space<vmem>>
      %dma_wait3A_167 = arith.constant 0 : i32
      %dma_wait3A_168 = arith.constant 0 : i32
      %dma_wait3A_169 = tpu.memref_slice %arg2[%dma_wait3A_167, %dma_wait3A_168] : memref<221184x64xf32, #tpu.memory_space<hbm>> -> memref<221184x64xf32, #tpu.memory_space<hbm>>
      tpu.wait_indirect_dma semaphore(%arg10 : memref<!tpu.dma_semaphore, #tpu.memory_space<semaphore_mem>>) src(%dma_wait3A_169 : memref<221184x64xf32, #tpu.memory_space<hbm>>) dst(%dma_wait3A_163 : memref<128x64xf32, #tpu.memory_space<vmem>>)
      %dma_wait3A_170 = arith.constant 5 : i32
      %dma_wait3A_171 = arith.constant 0 : i32
      %dma_wait3A_172 = arith.constant 640 : i32
      %dma_wait3A_173 = arith.constant 0 : i32
      %dma_wait3A_174 = tpu.memref_slice %arg8[%dma_wait3A_172, %dma_wait3A_173] : memref<768x64xf32, #tpu.memory_space<vmem>> -> memref<128x64xf32, #tpu.memory_space<vmem>>
      %dma_wait3A_175 = arith.constant 0 : i32
      %dma_wait3A_176 = tpu.memref_slice %arg6[%dma_wait3A_170, %dma_wait3A_171, %dma_wait3A_175] : memref<6x1x128xi32, #tpu.memory_space<vmem>> -> memref<1x1x128xi32, #tpu.memory_space<vmem>>
      %dma_wait3A_177 = tpu.memref_squeeze %dma_wait3A_176 : memref<1x1x128xi32, #tpu.memory_space<vmem>> -> memref<128xi32, #tpu.memory_space<vmem>>
      %dma_wait3A_178 = arith.constant 0 : i32
      %dma_wait3A_179 = arith.constant 0 : i32
      %dma_wait3A_180 = tpu.memref_slice %arg2[%dma_wait3A_178, %dma_wait3A_179] : memref<221184x64xf32, #tpu.memory_space<hbm>> -> memref<221184x64xf32, #tpu.memory_space<hbm>>
      tpu.wait_indirect_dma semaphore(%arg10 : memref<!tpu.dma_semaphore, #tpu.memory_space<semaphore_mem>>) src(%dma_wait3A_180 : memref<221184x64xf32, #tpu.memory_space<hbm>>) dst(%dma_wait3A_174 : memref<128x64xf32, #tpu.memory_space<vmem>>)
      %run_scoped3A = arith.constant 0 : i32
      %run_scoped3A_181 = arith.constant 0 : i32
      "tpu.region"() ({
        %run_scoped3A_192 = tpu.sem_alloc : memref<!tpu.dma_semaphore, #tpu.memory_space<semaphore_mem>>
        %dma_start3A_193 = arith.constant 0 : i32
        %dma_start3A_194 = arith.constant 0 : i32
        %dma_start3A_195 = tpu.memref_slice %arg8[%dma_start3A_193, %dma_start3A_194] : memref<768x64xf32, #tpu.memory_space<vmem>> -> memref<128x64xf32, #tpu.memory_space<vmem>>
        %dma_start3A_196 = arith.constant 0 : i32
        %dma_start3A_197 = tpu.memref_slice %arg7[%run_scoped3A, %run_scoped3A_181, %dma_start3A_196] : memref<6x1x128xi32, #tpu.memory_space<vmem>> -> memref<1x1x128xi32, #tpu.memory_space<vmem>>
        %dma_start3A_198 = tpu.memref_squeeze %dma_start3A_197 : memref<1x1x128xi32, #tpu.memory_space<vmem>> -> memref<128xi32, #tpu.memory_space<vmem>>
        %dma_start3A_199 = arith.constant 0 : i32
        %dma_start3A_200 = arith.constant 0 : i32
        %dma_start3A_201 = tpu.memref_slice %arg9[%dma_start3A_199, %dma_start3A_200] : memref<16384x64xf32, #tpu.memory_space<vmem_shared>> -> memref<16384x64xf32, #tpu.memory_space<vmem_shared>>
        tpu.enqueue_indirect_dma source(%dma_start3A_195 : memref<128x64xf32, #tpu.memory_space<vmem>>) target(%dma_start3A_201 : memref<16384x64xf32, #tpu.memory_space<vmem_shared>>) offsets(%dma_start3A_198 : memref<128xi32, #tpu.memory_space<vmem>>) semaphore(%run_scoped3A_192 : memref<!tpu.dma_semaphore, #tpu.memory_space<semaphore_mem>>) {add = true}
        %dma_wait3A_202 = arith.constant 0 : i32
        %dma_wait3A_203 = arith.constant 0 : i32
        %dma_wait3A_204 = tpu.memref_slice %arg8[%dma_wait3A_202, %dma_wait3A_203] : memref<768x64xf32, #tpu.memory_space<vmem>> -> memref<128x64xf32, #tpu.memory_space<vmem>>
        %dma_wait3A_205 = arith.constant 0 : i32
        %dma_wait3A_206 = tpu.memref_slice %arg7[%run_scoped3A, %run_scoped3A_181, %dma_wait3A_205] : memref<6x1x128xi32, #tpu.memory_space<vmem>> -> memref<1x1x128xi32, #tpu.memory_space<vmem>>
        %dma_wait3A_207 = tpu.memref_squeeze %dma_wait3A_206 : memref<1x1x128xi32, #tpu.memory_space<vmem>> -> memref<128xi32, #tpu.memory_space<vmem>>
        %dma_wait3A_208 = arith.constant 0 : i32
        %dma_wait3A_209 = arith.constant 0 : i32
        %dma_wait3A_210 = tpu.memref_slice %arg9[%dma_wait3A_208, %dma_wait3A_209] : memref<16384x64xf32, #tpu.memory_space<vmem_shared>> -> memref<16384x64xf32, #tpu.memory_space<vmem_shared>>
        tpu.wait_indirect_dma semaphore(%run_scoped3A_192 : memref<!tpu.dma_semaphore, #tpu.memory_space<semaphore_mem>>) src(%dma_wait3A_204 : memref<128x64xf32, #tpu.memory_space<vmem>>) dst(%dma_wait3A_210 : memref<16384x64xf32, #tpu.memory_space<vmem_shared>>)
        tpu.yield
      }) : () -> ()
      %run_scoped3A_182 = arith.constant 1 : i32
      %run_scoped3A_183 = arith.constant 0 : i32
      "tpu.region"() ({
        %run_scoped3A_192 = tpu.sem_alloc : memref<!tpu.dma_semaphore, #tpu.memory_space<semaphore_mem>>
        %dma_start3A_193 = arith.constant 128 : i32
        %dma_start3A_194 = arith.constant 0 : i32
        %dma_start3A_195 = tpu.memref_slice %arg8[%dma_start3A_193, %dma_start3A_194] : memref<768x64xf32, #tpu.memory_space<vmem>> -> memref<128x64xf32, #tpu.memory_space<vmem>>
        %dma_start3A_196 = arith.constant 0 : i32
        %dma_start3A_197 = tpu.memref_slice %arg7[%run_scoped3A_182, %run_scoped3A_183, %dma_start3A_196] : memref<6x1x128xi32, #tpu.memory_space<vmem>> -> memref<1x1x128xi32, #tpu.memory_space<vmem>>
        %dma_start3A_198 = tpu.memref_squeeze %dma_start3A_197 : memref<1x1x128xi32, #tpu.memory_space<vmem>> -> memref<128xi32, #tpu.memory_space<vmem>>
        %dma_start3A_199 = arith.constant 0 : i32
        %dma_start3A_200 = arith.constant 0 : i32
        %dma_start3A_201 = tpu.memref_slice %arg9[%dma_start3A_199, %dma_start3A_200] : memref<16384x64xf32, #tpu.memory_space<vmem_shared>> -> memref<16384x64xf32, #tpu.memory_space<vmem_shared>>
        tpu.enqueue_indirect_dma source(%dma_start3A_195 : memref<128x64xf32, #tpu.memory_space<vmem>>) target(%dma_start3A_201 : memref<16384x64xf32, #tpu.memory_space<vmem_shared>>) offsets(%dma_start3A_198 : memref<128xi32, #tpu.memory_space<vmem>>) semaphore(%run_scoped3A_192 : memref<!tpu.dma_semaphore, #tpu.memory_space<semaphore_mem>>) {add = true}
        %dma_wait3A_202 = arith.constant 128 : i32
        %dma_wait3A_203 = arith.constant 0 : i32
        %dma_wait3A_204 = tpu.memref_slice %arg8[%dma_wait3A_202, %dma_wait3A_203] : memref<768x64xf32, #tpu.memory_space<vmem>> -> memref<128x64xf32, #tpu.memory_space<vmem>>
        %dma_wait3A_205 = arith.constant 0 : i32
        %dma_wait3A_206 = tpu.memref_slice %arg7[%run_scoped3A_182, %run_scoped3A_183, %dma_wait3A_205] : memref<6x1x128xi32, #tpu.memory_space<vmem>> -> memref<1x1x128xi32, #tpu.memory_space<vmem>>
        %dma_wait3A_207 = tpu.memref_squeeze %dma_wait3A_206 : memref<1x1x128xi32, #tpu.memory_space<vmem>> -> memref<128xi32, #tpu.memory_space<vmem>>
        %dma_wait3A_208 = arith.constant 0 : i32
        %dma_wait3A_209 = arith.constant 0 : i32
        %dma_wait3A_210 = tpu.memref_slice %arg9[%dma_wait3A_208, %dma_wait3A_209] : memref<16384x64xf32, #tpu.memory_space<vmem_shared>> -> memref<16384x64xf32, #tpu.memory_space<vmem_shared>>
        tpu.wait_indirect_dma semaphore(%run_scoped3A_192 : memref<!tpu.dma_semaphore, #tpu.memory_space<semaphore_mem>>) src(%dma_wait3A_204 : memref<128x64xf32, #tpu.memory_space<vmem>>) dst(%dma_wait3A_210 : memref<16384x64xf32, #tpu.memory_space<vmem_shared>>)
        tpu.yield
      }) : () -> ()
      %run_scoped3A_184 = arith.constant 2 : i32
      %run_scoped3A_185 = arith.constant 0 : i32
      "tpu.region"() ({
        %run_scoped3A_192 = tpu.sem_alloc : memref<!tpu.dma_semaphore, #tpu.memory_space<semaphore_mem>>
        %dma_start3A_193 = arith.constant 256 : i32
        %dma_start3A_194 = arith.constant 0 : i32
        %dma_start3A_195 = tpu.memref_slice %arg8[%dma_start3A_193, %dma_start3A_194] : memref<768x64xf32, #tpu.memory_space<vmem>> -> memref<128x64xf32, #tpu.memory_space<vmem>>
        %dma_start3A_196 = arith.constant 0 : i32
        %dma_start3A_197 = tpu.memref_slice %arg7[%run_scoped3A_184, %run_scoped3A_185, %dma_start3A_196] : memref<6x1x128xi32, #tpu.memory_space<vmem>> -> memref<1x1x128xi32, #tpu.memory_space<vmem>>
        %dma_start3A_198 = tpu.memref_squeeze %dma_start3A_197 : memref<1x1x128xi32, #tpu.memory_space<vmem>> -> memref<128xi32, #tpu.memory_space<vmem>>
        %dma_start3A_199 = arith.constant 0 : i32
        %dma_start3A_200 = arith.constant 0 : i32
        %dma_start3A_201 = tpu.memref_slice %arg9[%dma_start3A_199, %dma_start3A_200] : memref<16384x64xf32, #tpu.memory_space<vmem_shared>> -> memref<16384x64xf32, #tpu.memory_space<vmem_shared>>
        tpu.enqueue_indirect_dma source(%dma_start3A_195 : memref<128x64xf32, #tpu.memory_space<vmem>>) target(%dma_start3A_201 : memref<16384x64xf32, #tpu.memory_space<vmem_shared>>) offsets(%dma_start3A_198 : memref<128xi32, #tpu.memory_space<vmem>>) semaphore(%run_scoped3A_192 : memref<!tpu.dma_semaphore, #tpu.memory_space<semaphore_mem>>) {add = true}
        %dma_wait3A_202 = arith.constant 256 : i32
        %dma_wait3A_203 = arith.constant 0 : i32
        %dma_wait3A_204 = tpu.memref_slice %arg8[%dma_wait3A_202, %dma_wait3A_203] : memref<768x64xf32, #tpu.memory_space<vmem>> -> memref<128x64xf32, #tpu.memory_space<vmem>>
        %dma_wait3A_205 = arith.constant 0 : i32
        %dma_wait3A_206 = tpu.memref_slice %arg7[%run_scoped3A_184, %run_scoped3A_185, %dma_wait3A_205] : memref<6x1x128xi32, #tpu.memory_space<vmem>> -> memref<1x1x128xi32, #tpu.memory_space<vmem>>
        %dma_wait3A_207 = tpu.memref_squeeze %dma_wait3A_206 : memref<1x1x128xi32, #tpu.memory_space<vmem>> -> memref<128xi32, #tpu.memory_space<vmem>>
        %dma_wait3A_208 = arith.constant 0 : i32
        %dma_wait3A_209 = arith.constant 0 : i32
        %dma_wait3A_210 = tpu.memref_slice %arg9[%dma_wait3A_208, %dma_wait3A_209] : memref<16384x64xf32, #tpu.memory_space<vmem_shared>> -> memref<16384x64xf32, #tpu.memory_space<vmem_shared>>
        tpu.wait_indirect_dma semaphore(%run_scoped3A_192 : memref<!tpu.dma_semaphore, #tpu.memory_space<semaphore_mem>>) src(%dma_wait3A_204 : memref<128x64xf32, #tpu.memory_space<vmem>>) dst(%dma_wait3A_210 : memref<16384x64xf32, #tpu.memory_space<vmem_shared>>)
        tpu.yield
      }) : () -> ()
      %run_scoped3A_186 = arith.constant 3 : i32
      %run_scoped3A_187 = arith.constant 0 : i32
      "tpu.region"() ({
        %run_scoped3A_192 = tpu.sem_alloc : memref<!tpu.dma_semaphore, #tpu.memory_space<semaphore_mem>>
        %dma_start3A_193 = arith.constant 384 : i32
        %dma_start3A_194 = arith.constant 0 : i32
        %dma_start3A_195 = tpu.memref_slice %arg8[%dma_start3A_193, %dma_start3A_194] : memref<768x64xf32, #tpu.memory_space<vmem>> -> memref<128x64xf32, #tpu.memory_space<vmem>>
        %dma_start3A_196 = arith.constant 0 : i32
        %dma_start3A_197 = tpu.memref_slice %arg7[%run_scoped3A_186, %run_scoped3A_187, %dma_start3A_196] : memref<6x1x128xi32, #tpu.memory_space<vmem>> -> memref<1x1x128xi32, #tpu.memory_space<vmem>>
        %dma_start3A_198 = tpu.memref_squeeze %dma_start3A_197 : memref<1x1x128xi32, #tpu.memory_space<vmem>> -> memref<128xi32, #tpu.memory_space<vmem>>
        %dma_start3A_199 = arith.constant 0 : i32
        %dma_start3A_200 = arith.constant 0 : i32
        %dma_start3A_201 = tpu.memref_slice %arg9[%dma_start3A_199, %dma_start3A_200] : memref<16384x64xf32, #tpu.memory_space<vmem_shared>> -> memref<16384x64xf32, #tpu.memory_space<vmem_shared>>
        tpu.enqueue_indirect_dma source(%dma_start3A_195 : memref<128x64xf32, #tpu.memory_space<vmem>>) target(%dma_start3A_201 : memref<16384x64xf32, #tpu.memory_space<vmem_shared>>) offsets(%dma_start3A_198 : memref<128xi32, #tpu.memory_space<vmem>>) semaphore(%run_scoped3A_192 : memref<!tpu.dma_semaphore, #tpu.memory_space<semaphore_mem>>) {add = true}
        %dma_wait3A_202 = arith.constant 384 : i32
        %dma_wait3A_203 = arith.constant 0 : i32
        %dma_wait3A_204 = tpu.memref_slice %arg8[%dma_wait3A_202, %dma_wait3A_203] : memref<768x64xf32, #tpu.memory_space<vmem>> -> memref<128x64xf32, #tpu.memory_space<vmem>>
        %dma_wait3A_205 = arith.constant 0 : i32
        %dma_wait3A_206 = tpu.memref_slice %arg7[%run_scoped3A_186, %run_scoped3A_187, %dma_wait3A_205] : memref<6x1x128xi32, #tpu.memory_space<vmem>> -> memref<1x1x128xi32, #tpu.memory_space<vmem>>
        %dma_wait3A_207 = tpu.memref_squeeze %dma_wait3A_206 : memref<1x1x128xi32, #tpu.memory_space<vmem>> -> memref<128xi32, #tpu.memory_space<vmem>>
        %dma_wait3A_208 = arith.constant 0 : i32
        %dma_wait3A_209 = arith.constant 0 : i32
        %dma_wait3A_210 = tpu.memref_slice %arg9[%dma_wait3A_208, %dma_wait3A_209] : memref<16384x64xf32, #tpu.memory_space<vmem_shared>> -> memref<16384x64xf32, #tpu.memory_space<vmem_shared>>
        tpu.wait_indirect_dma semaphore(%run_scoped3A_192 : memref<!tpu.dma_semaphore, #tpu.memory_space<semaphore_mem>>) src(%dma_wait3A_204 : memref<128x64xf32, #tpu.memory_space<vmem>>) dst(%dma_wait3A_210 : memref<16384x64xf32, #tpu.memory_space<vmem_shared>>)
        tpu.yield
      }) : () -> ()
      %run_scoped3A_188 = arith.constant 4 : i32
      %run_scoped3A_189 = arith.constant 0 : i32
      "tpu.region"() ({
        %run_scoped3A_192 = tpu.sem_alloc : memref<!tpu.dma_semaphore, #tpu.memory_space<semaphore_mem>>
        %dma_start3A_193 = arith.constant 512 : i32
        %dma_start3A_194 = arith.constant 0 : i32
        %dma_start3A_195 = tpu.memref_slice %arg8[%dma_start3A_193, %dma_start3A_194] : memref<768x64xf32, #tpu.memory_space<vmem>> -> memref<128x64xf32, #tpu.memory_space<vmem>>
        %dma_start3A_196 = arith.constant 0 : i32
        %dma_start3A_197 = tpu.memref_slice %arg7[%run_scoped3A_188, %run_scoped3A_189, %dma_start3A_196] : memref<6x1x128xi32, #tpu.memory_space<vmem>> -> memref<1x1x128xi32, #tpu.memory_space<vmem>>
        %dma_start3A_198 = tpu.memref_squeeze %dma_start3A_197 : memref<1x1x128xi32, #tpu.memory_space<vmem>> -> memref<128xi32, #tpu.memory_space<vmem>>
        %dma_start3A_199 = arith.constant 0 : i32
        %dma_start3A_200 = arith.constant 0 : i32
        %dma_start3A_201 = tpu.memref_slice %arg9[%dma_start3A_199, %dma_start3A_200] : memref<16384x64xf32, #tpu.memory_space<vmem_shared>> -> memref<16384x64xf32, #tpu.memory_space<vmem_shared>>
        tpu.enqueue_indirect_dma source(%dma_start3A_195 : memref<128x64xf32, #tpu.memory_space<vmem>>) target(%dma_start3A_201 : memref<16384x64xf32, #tpu.memory_space<vmem_shared>>) offsets(%dma_start3A_198 : memref<128xi32, #tpu.memory_space<vmem>>) semaphore(%run_scoped3A_192 : memref<!tpu.dma_semaphore, #tpu.memory_space<semaphore_mem>>) {add = true}
        %dma_wait3A_202 = arith.constant 512 : i32
        %dma_wait3A_203 = arith.constant 0 : i32
        %dma_wait3A_204 = tpu.memref_slice %arg8[%dma_wait3A_202, %dma_wait3A_203] : memref<768x64xf32, #tpu.memory_space<vmem>> -> memref<128x64xf32, #tpu.memory_space<vmem>>
        %dma_wait3A_205 = arith.constant 0 : i32
        %dma_wait3A_206 = tpu.memref_slice %arg7[%run_scoped3A_188, %run_scoped3A_189, %dma_wait3A_205] : memref<6x1x128xi32, #tpu.memory_space<vmem>> -> memref<1x1x128xi32, #tpu.memory_space<vmem>>
        %dma_wait3A_207 = tpu.memref_squeeze %dma_wait3A_206 : memref<1x1x128xi32, #tpu.memory_space<vmem>> -> memref<128xi32, #tpu.memory_space<vmem>>
        %dma_wait3A_208 = arith.constant 0 : i32
        %dma_wait3A_209 = arith.constant 0 : i32
        %dma_wait3A_210 = tpu.memref_slice %arg9[%dma_wait3A_208, %dma_wait3A_209] : memref<16384x64xf32, #tpu.memory_space<vmem_shared>> -> memref<16384x64xf32, #tpu.memory_space<vmem_shared>>
        tpu.wait_indirect_dma semaphore(%run_scoped3A_192 : memref<!tpu.dma_semaphore, #tpu.memory_space<semaphore_mem>>) src(%dma_wait3A_204 : memref<128x64xf32, #tpu.memory_space<vmem>>) dst(%dma_wait3A_210 : memref<16384x64xf32, #tpu.memory_space<vmem_shared>>)
        tpu.yield
      }) : () -> ()
      %run_scoped3A_190 = arith.constant 5 : i32
      %run_scoped3A_191 = arith.constant 0 : i32
      "tpu.region"() ({
        %run_scoped3A_192 = tpu.sem_alloc : memref<!tpu.dma_semaphore, #tpu.memory_space<semaphore_mem>>
        %dma_start3A_193 = arith.constant 640 : i32
        %dma_start3A_194 = arith.constant 0 : i32
        %dma_start3A_195 = tpu.memref_slice %arg8[%dma_start3A_193, %dma_start3A_194] : memref<768x64xf32, #tpu.memory_space<vmem>> -> memref<128x64xf32, #tpu.memory_space<vmem>>
        %dma_start3A_196 = arith.constant 0 : i32
        %dma_start3A_197 = tpu.memref_slice %arg7[%run_scoped3A_190, %run_scoped3A_191, %dma_start3A_196] : memref<6x1x128xi32, #tpu.memory_space<vmem>> -> memref<1x1x128xi32, #tpu.memory_space<vmem>>
        %dma_start3A_198 = tpu.memref_squeeze %dma_start3A_197 : memref<1x1x128xi32, #tpu.memory_space<vmem>> -> memref<128xi32, #tpu.memory_space<vmem>>
        %dma_start3A_199 = arith.constant 0 : i32
        %dma_start3A_200 = arith.constant 0 : i32
        %dma_start3A_201 = tpu.memref_slice %arg9[%dma_start3A_199, %dma_start3A_200] : memref<16384x64xf32, #tpu.memory_space<vmem_shared>> -> memref<16384x64xf32, #tpu.memory_space<vmem_shared>>
        tpu.enqueue_indirect_dma source(%dma_start3A_195 : memref<128x64xf32, #tpu.memory_space<vmem>>) target(%dma_start3A_201 : memref<16384x64xf32, #tpu.memory_space<vmem_shared>>) offsets(%dma_start3A_198 : memref<128xi32, #tpu.memory_space<vmem>>) semaphore(%run_scoped3A_192 : memref<!tpu.dma_semaphore, #tpu.memory_space<semaphore_mem>>) {add = true}
        %dma_wait3A_202 = arith.constant 640 : i32
        %dma_wait3A_203 = arith.constant 0 : i32
        %dma_wait3A_204 = tpu.memref_slice %arg8[%dma_wait3A_202, %dma_wait3A_203] : memref<768x64xf32, #tpu.memory_space<vmem>> -> memref<128x64xf32, #tpu.memory_space<vmem>>
        %dma_wait3A_205 = arith.constant 0 : i32
        %dma_wait3A_206 = tpu.memref_slice %arg7[%run_scoped3A_190, %run_scoped3A_191, %dma_wait3A_205] : memref<6x1x128xi32, #tpu.memory_space<vmem>> -> memref<1x1x128xi32, #tpu.memory_space<vmem>>
        %dma_wait3A_207 = tpu.memref_squeeze %dma_wait3A_206 : memref<1x1x128xi32, #tpu.memory_space<vmem>> -> memref<128xi32, #tpu.memory_space<vmem>>
        %dma_wait3A_208 = arith.constant 0 : i32
        %dma_wait3A_209 = arith.constant 0 : i32
        %dma_wait3A_210 = tpu.memref_slice %arg9[%dma_wait3A_208, %dma_wait3A_209] : memref<16384x64xf32, #tpu.memory_space<vmem_shared>> -> memref<16384x64xf32, #tpu.memory_space<vmem_shared>>
        tpu.wait_indirect_dma semaphore(%run_scoped3A_192 : memref<!tpu.dma_semaphore, #tpu.memory_space<semaphore_mem>>) src(%dma_wait3A_204 : memref<128x64xf32, #tpu.memory_space<vmem>>) dst(%dma_wait3A_210 : memref<16384x64xf32, #tpu.memory_space<vmem_shared>>)
        tpu.yield
      }) : () -> ()
    }
    %scan3A_20 = arith.constant 9 : i32
    %barrier3A_21 = arith.constant 0 : index
    tpu.barrier barrier_id(%barrier3A_21)
    %mul3A_22 = arith.constant 1024 : i32
    %mul3A_23 = arith.muli %arg1, %mul3A_22 : i32
    %mul3A_24 = arith.constant 16384 : i32
    %mul3A_25 = arith.muli %arg0, %mul3A_24 : i32
    %mul3A_26 = arith.constant 1024 : i32
    %mul3A_27 = arith.muli %arg1, %mul3A_26 : i32
    %add3A_28 = arith.addi %mul3A_25, %mul3A_27 : i32
    "tpu.region"() ({
      %run_scoped3A = tpu.sem_alloc : memref<!tpu.dma_semaphore, #tpu.memory_space<semaphore_mem>>
      %dma_start3A = arith.constant 0 : i32
      %dma_start3A_29 = tpu.memref_slice %arg5[%add3A_28, %dma_start3A] : memref<32768x64xf32, #tpu.memory_space<hbm>> -> memref<1024x64xf32, #tpu.memory_space<hbm>>
      %dma_start3A_30 = arith.constant 0 : i32
      %dma_start3A_31 = tpu.memref_slice %arg9[%mul3A_23, %dma_start3A_30] : memref<16384x64xf32, #tpu.memory_space<vmem_shared>> -> memref<1024x64xf32, #tpu.memory_space<vmem_shared>>
      tpu.enqueue_dma source(%dma_start3A_31 : memref<1024x64xf32, #tpu.memory_space<vmem_shared>>) target(%dma_start3A_29 : memref<1024x64xf32, #tpu.memory_space<hbm>>) target_semaphore(%run_scoped3A : memref<!tpu.dma_semaphore, #tpu.memory_space<semaphore_mem>>)
      %dma_wait3A = arith.constant 0 : i32
      %dma_wait3A_32 = tpu.memref_slice %arg5[%add3A_28, %dma_wait3A] : memref<32768x64xf32, #tpu.memory_space<hbm>> -> memref<1024x64xf32, #tpu.memory_space<hbm>>
      %dma_wait3A_33 = arith.constant 0 : i32
      %dma_wait3A_34 = tpu.memref_slice %arg9[%mul3A_23, %dma_wait3A_33] : memref<16384x64xf32, #tpu.memory_space<vmem_shared>> -> memref<1024x64xf32, #tpu.memory_space<vmem_shared>>
      tpu.wait_dma2 semaphore(%run_scoped3A : memref<!tpu.dma_semaphore, #tpu.memory_space<semaphore_mem>>) src(%dma_wait3A_34 : memref<1024x64xf32, #tpu.memory_space<vmem_shared>>) dst(%dma_wait3A_32 : memref<1024x64xf32, #tpu.memory_space<hbm>>)
      tpu.yield
    }) : () -> ()
    return
  }
}

#map = affine_map<(d0, d1) -> (0, 0)>
#map1 = affine_map<(d0, d1) -> (0, 0, 0)>
module attributes {stable_mosaic.version = 14 : i64} {
  func.func @scatter_kernel(%arg0: i32, %arg1: i32, %arg2: memref<262144x64xf32, #tpu.memory_space<hbm>>, %arg3: memref<2048x1x128xi32, #tpu.memory_space<hbm>>, %arg4: memref<2048x1x128xi32, #tpu.memory_space<hbm>>, %arg5: memref<32768x64xf32, #tpu.memory_space<hbm>>, %arg6: memref<4x1x128xi32, #tpu.memory_space<vmem>>, %arg7: memref<4x1x128xi32, #tpu.memory_space<vmem>>, %arg8: memref<512x64xf32, #tpu.memory_space<vmem>>, %arg9: memref<16384x64xf32, #tpu.memory_space<vmem_shared>>, %arg10: memref<!tpu.dma_semaphore, #tpu.memory_space<semaphore_mem>>) attributes {dimension_semantics = [#tpu.dimension_semantics<core_parallel>, #tpu.dimension_semantics<subcore_parallel>], iteration_bounds = array<i64: 2, 16>, scalar_prefetch = 0 : i64, scratch_operands = 5 : i64, tpu.core_type = #tpu.core_type<sc_vector_subcore>, window_params = [{transform_indices = #map}, {transform_indices = #map1}, {transform_indices = #map1}, {transform_indices = #map}]} {
    %mul3A = arith.constant 2 : i32
    %mul3A_0 = arith.muli %arg1, %mul3A : i32
    %add3A = arith.addi %mul3A_0, %arg0 : i32
    %broadcast_in_dim3A = arith.constant 0.000000e+00 : f32
    %broadcast_in_dim3A_1 = vector.broadcast %broadcast_in_dim3A : f32 to vector<16xf32>
    %scan3A = arith.constant 0 : i32
    %scan3A_2 = arith.constant 0 : i32
    %scan3A_3 = arith.constant 512 : i32
    %scan3A_4 = arith.addi %scan3A_2, %scan3A_3 : i32
    %scan3A_5 = arith.constant 1 : i32
    scf.for %scan3A_29 = %scan3A_2 to %scan3A_4 step %scan3A_5  : i32 {
      %swap3A = arith.index_cast %scan3A_29 : i32 to index
      %swap3A_30 = arith.constant 0 : index
      %swap3A_31 = tpu.vector_load %arg8[%swap3A, %swap3A_30] {strides = array<i32>} : memref<512x64xf32, #tpu.memory_space<vmem>>, vector<1x16xf32>,
      %swap3A_32 = vector.shape_cast %swap3A_31 : vector<1x16xf32> to vector<16xf32>
      %swap3A_33 = vector.shape_cast %broadcast_in_dim3A_1 : vector<16xf32> to vector<1x16xf32>
      tpu.vector_store %arg8[%swap3A, %swap3A_30], %swap3A_33 {strides = array<i32>} : memref<512x64xf32, #tpu.memory_space<vmem>>, vector<1x16xf32>,
      %swap3A_34 = arith.index_cast %scan3A_29 : i32 to index
      %swap3A_35 = arith.constant 16 : index
      %swap3A_36 = tpu.vector_load %arg8[%swap3A_34, %swap3A_35] {strides = array<i32>} : memref<512x64xf32, #tpu.memory_space<vmem>>, vector<1x16xf32>,
      %swap3A_37 = vector.shape_cast %swap3A_36 : vector<1x16xf32> to vector<16xf32>
      %swap3A_38 = vector.shape_cast %broadcast_in_dim3A_1 : vector<16xf32> to vector<1x16xf32>
      tpu.vector_store %arg8[%swap3A_34, %swap3A_35], %swap3A_38 {strides = array<i32>} : memref<512x64xf32, #tpu.memory_space<vmem>>, vector<1x16xf32>,
      %swap3A_39 = arith.index_cast %scan3A_29 : i32 to index
      %swap3A_40 = arith.constant 32 : index
      %swap3A_41 = tpu.vector_load %arg8[%swap3A_39, %swap3A_40] {strides = array<i32>} : memref<512x64xf32, #tpu.memory_space<vmem>>, vector<1x16xf32>,
      %swap3A_42 = vector.shape_cast %swap3A_41 : vector<1x16xf32> to vector<16xf32>
      %swap3A_43 = vector.shape_cast %broadcast_in_dim3A_1 : vector<16xf32> to vector<1x16xf32>
      tpu.vector_store %arg8[%swap3A_39, %swap3A_40], %swap3A_43 {strides = array<i32>} : memref<512x64xf32, #tpu.memory_space<vmem>>, vector<1x16xf32>,
      %swap3A_44 = arith.index_cast %scan3A_29 : i32 to index
      %swap3A_45 = arith.constant 48 : index
      %swap3A_46 = tpu.vector_load %arg8[%swap3A_44, %swap3A_45] {strides = array<i32>} : memref<512x64xf32, #tpu.memory_space<vmem>>, vector<1x16xf32>,
      %swap3A_47 = vector.shape_cast %swap3A_46 : vector<1x16xf32> to vector<16xf32>
      %swap3A_48 = vector.shape_cast %broadcast_in_dim3A_1 : vector<16xf32> to vector<1x16xf32>
      tpu.vector_store %arg8[%swap3A_44, %swap3A_45], %swap3A_48 {strides = array<i32>} : memref<512x64xf32, #tpu.memory_space<vmem>>, vector<1x16xf32>,
    }
    %scan3A_6 = arith.constant 512 : i32
    %mul3A_7 = arith.constant 1024 : i32
    %mul3A_8 = arith.muli %arg1, %mul3A_7 : i32
    %add3A_9 = arith.constant 0 : i32
    %add3A_10 = arith.addi %mul3A_8, %add3A_9 : i32
    "tpu.region"() ({
      %run_scoped3A = tpu.sem_alloc : memref<!tpu.dma_semaphore, #tpu.memory_space<semaphore_mem>>
      %dma_start3A = arith.constant 0 : i32
      %dma_start3A_29 = arith.constant 0 : i32
      %dma_start3A_30 = tpu.memref_slice %arg8[%dma_start3A, %dma_start3A_29] : memref<512x64xf32, #tpu.memory_space<vmem>> -> memref<512x64xf32, #tpu.memory_space<vmem>>
      %dma_start3A_31 = arith.constant 0 : i32
      %dma_start3A_32 = tpu.memref_slice %arg9[%add3A_10, %dma_start3A_31] : memref<16384x64xf32, #tpu.memory_space<vmem_shared>> -> memref<512x64xf32, #tpu.memory_space<vmem_shared>>
      %dma_start3A_33 = arith.constant 0 : i32
      %dma_start3A_34 = tpu.memref_slice %arg9[%add3A_10, %dma_start3A_33] : memref<16384x64xf32, #tpu.memory_space<vmem_shared>> -> memref<512x64xf32, #tpu.memory_space<vmem_shared>>
      %dma_start3A_35 = arith.constant 0 : i32
      %dma_start3A_36 = arith.constant 0 : i32
      %dma_start3A_37 = tpu.memref_slice %arg8[%dma_start3A_35, %dma_start3A_36] : memref<512x64xf32, #tpu.memory_space<vmem>> -> memref<512x64xf32, #tpu.memory_space<vmem>>
      tpu.enqueue_dma source(%dma_start3A_37 : memref<512x64xf32, #tpu.memory_space<vmem>>) target(%dma_start3A_34 : memref<512x64xf32, #tpu.memory_space<vmem_shared>>) target_semaphore(%run_scoped3A : memref<!tpu.dma_semaphore, #tpu.memory_space<semaphore_mem>>)
      %dma_wait3A = arith.constant 0 : i32
      %dma_wait3A_38 = arith.constant 0 : i32
      %dma_wait3A_39 = tpu.memref_slice %arg8[%dma_wait3A, %dma_wait3A_38] : memref<512x64xf32, #tpu.memory_space<vmem>> -> memref<512x64xf32, #tpu.memory_space<vmem>>
      %dma_wait3A_40 = arith.constant 0 : i32
      %dma_wait3A_41 = tpu.memref_slice %arg9[%add3A_10, %dma_wait3A_40] : memref<16384x64xf32, #tpu.memory_space<vmem_shared>> -> memref<512x64xf32, #tpu.memory_space<vmem_shared>>
      %dma_wait3A_42 = arith.constant 0 : i32
      %dma_wait3A_43 = tpu.memref_slice %arg9[%add3A_10, %dma_wait3A_42] : memref<16384x64xf32, #tpu.memory_space<vmem_shared>> -> memref<512x64xf32, #tpu.memory_space<vmem_shared>>
      %dma_wait3A_44 = arith.constant 0 : i32
      %dma_wait3A_45 = arith.constant 0 : i32
      %dma_wait3A_46 = tpu.memref_slice %arg8[%dma_wait3A_44, %dma_wait3A_45] : memref<512x64xf32, #tpu.memory_space<vmem>> -> memref<512x64xf32, #tpu.memory_space<vmem>>
      tpu.wait_dma2 semaphore(%run_scoped3A : memref<!tpu.dma_semaphore, #tpu.memory_space<semaphore_mem>>) src(%dma_wait3A_46 : memref<512x64xf32, #tpu.memory_space<vmem>>) dst(%dma_wait3A_43 : memref<512x64xf32, #tpu.memory_space<vmem_shared>>)
      tpu.yield
    }) : () -> ()
    %mul3A_11 = arith.constant 1024 : i32
    %mul3A_12 = arith.muli %arg1, %mul3A_11 : i32
    %add3A_13 = arith.constant 512 : i32
    %add3A_14 = arith.addi %mul3A_12, %add3A_13 : i32
    "tpu.region"() ({
      %run_scoped3A = tpu.sem_alloc : memref<!tpu.dma_semaphore, #tpu.memory_space<semaphore_mem>>
      %dma_start3A = arith.constant 0 : i32
      %dma_start3A_29 = arith.constant 0 : i32
      %dma_start3A_30 = tpu.memref_slice %arg8[%dma_start3A, %dma_start3A_29] : memref<512x64xf32, #tpu.memory_space<vmem>> -> memref<512x64xf32, #tpu.memory_space<vmem>>
      %dma_start3A_31 = arith.constant 0 : i32
      %dma_start3A_32 = tpu.memref_slice %arg9[%add3A_14, %dma_start3A_31] : memref<16384x64xf32, #tpu.memory_space<vmem_shared>> -> memref<512x64xf32, #tpu.memory_space<vmem_shared>>
      %dma_start3A_33 = arith.constant 0 : i32
      %dma_start3A_34 = tpu.memref_slice %arg9[%add3A_14, %dma_start3A_33] : memref<16384x64xf32, #tpu.memory_space<vmem_shared>> -> memref<512x64xf32, #tpu.memory_space<vmem_shared>>
      %dma_start3A_35 = arith.constant 0 : i32
      %dma_start3A_36 = arith.constant 0 : i32
      %dma_start3A_37 = tpu.memref_slice %arg8[%dma_start3A_35, %dma_start3A_36] : memref<512x64xf32, #tpu.memory_space<vmem>> -> memref<512x64xf32, #tpu.memory_space<vmem>>
      tpu.enqueue_dma source(%dma_start3A_37 : memref<512x64xf32, #tpu.memory_space<vmem>>) target(%dma_start3A_34 : memref<512x64xf32, #tpu.memory_space<vmem_shared>>) target_semaphore(%run_scoped3A : memref<!tpu.dma_semaphore, #tpu.memory_space<semaphore_mem>>)
      %dma_wait3A = arith.constant 0 : i32
      %dma_wait3A_38 = arith.constant 0 : i32
      %dma_wait3A_39 = tpu.memref_slice %arg8[%dma_wait3A, %dma_wait3A_38] : memref<512x64xf32, #tpu.memory_space<vmem>> -> memref<512x64xf32, #tpu.memory_space<vmem>>
      %dma_wait3A_40 = arith.constant 0 : i32
      %dma_wait3A_41 = tpu.memref_slice %arg9[%add3A_14, %dma_wait3A_40] : memref<16384x64xf32, #tpu.memory_space<vmem_shared>> -> memref<512x64xf32, #tpu.memory_space<vmem_shared>>
      %dma_wait3A_42 = arith.constant 0 : i32
      %dma_wait3A_43 = tpu.memref_slice %arg9[%add3A_14, %dma_wait3A_42] : memref<16384x64xf32, #tpu.memory_space<vmem_shared>> -> memref<512x64xf32, #tpu.memory_space<vmem_shared>>
      %dma_wait3A_44 = arith.constant 0 : i32
      %dma_wait3A_45 = arith.constant 0 : i32
      %dma_wait3A_46 = tpu.memref_slice %arg8[%dma_wait3A_44, %dma_wait3A_45] : memref<512x64xf32, #tpu.memory_space<vmem>> -> memref<512x64xf32, #tpu.memory_space<vmem>>
      tpu.wait_dma2 semaphore(%run_scoped3A : memref<!tpu.dma_semaphore, #tpu.memory_space<semaphore_mem>>) src(%dma_wait3A_46 : memref<512x64xf32, #tpu.memory_space<vmem>>) dst(%dma_wait3A_43 : memref<512x64xf32, #tpu.memory_space<vmem_shared>>)
      tpu.yield
    }) : () -> ()
    %barrier3A = arith.constant 0 : index
    tpu.barrier barrier_id(%barrier3A)
    %scan3A_15 = arith.constant 0 : i32
    %scan3A_16 = arith.constant 0 : i32
    %scan3A_17 = arith.constant 16 : i32
    %scan3A_18 = arith.addi %scan3A_16, %scan3A_17 : i32
    %scan3A_19 = arith.constant 1 : i32
    scf.for %scan3A_29 = %scan3A_16 to %scan3A_18 step %scan3A_19  : i32 {
      %mul3A_30 = arith.constant 8192 : i32
      %mul3A_31 = arith.muli %add3A, %mul3A_30 : i32
      %mul3A_32 = arith.constant 512 : i32
      %mul3A_33 = arith.muli %scan3A_29, %mul3A_32 : i32
      %add3A_34 = arith.addi %mul3A_31, %mul3A_33 : i32
      %jit3A = arith.constant 128 : i32
      %div3A = arith.divsi %add3A_34, %jit3A : i32
      %sign3A = arith.constant 0 : i32
      %sign3A_35 = arith.cmpi sgt, %add3A_34, %sign3A : i32
      %sign3A_36 = arith.extui %sign3A_35 : i1 to i32
      %sign3A_37 = arith.constant 0 : i32
      %sign3A_38 = arith.cmpi slt, %add3A_34, %sign3A_37 : i32
      %sign3A_39 = arith.extui %sign3A_38 : i1 to i32
      %sign3A_40 = arith.subi %sign3A_36, %sign3A_39 : i32
      %sign3A_41 = arith.constant 0 : i32
      %sign3A_42 = arith.cmpi sgt, %jit3A, %sign3A_41 : i32
      %sign3A_43 = arith.extui %sign3A_42 : i1 to i32
      %sign3A_44 = arith.constant 0 : i32
      %sign3A_45 = arith.cmpi slt, %jit3A, %sign3A_44 : i32
      %sign3A_46 = arith.extui %sign3A_45 : i1 to i32
      %sign3A_47 = arith.subi %sign3A_43, %sign3A_46 : i32
      %ne3A = arith.cmpi ne, %sign3A_40, %sign3A_47 : i32
      %rem3A = arith.remsi %add3A_34, %jit3A : i32
      %ne3A_48 = arith.constant 0 : i32
      %ne3A_49 = arith.cmpi ne, %rem3A, %ne3A_48 : i32
      %and3A = arith.andi %ne3A, %ne3A_49 : i1
      %sub3A = arith.constant 1 : i32
      %sub3A_50 = arith.subi %div3A, %sub3A : i32
      %select_n3A = arith.select %and3A, %sub3A_50, %div3A : i32
      "tpu.region"() ({
        %run_scoped3A_144 = tpu.sem_alloc : memref<!tpu.dma_semaphore, #tpu.memory_space<semaphore_mem>>
        %dma_start3A_145 = arith.constant 0 : i32
        %dma_start3A_146 = arith.constant 0 : i32
        %dma_start3A_147 = tpu.memref_slice %arg3[%select_n3A, %dma_start3A_145, %dma_start3A_146] : memref<2048x1x128xi32, #tpu.memory_space<hbm>> -> memref<4x1x128xi32, #tpu.memory_space<hbm>>
        %dma_start3A_148 = arith.constant 0 : i32
        %dma_start3A_149 = arith.constant 0 : i32
        %dma_start3A_150 = tpu.memref_slice %arg3[%select_n3A, %dma_start3A_148, %dma_start3A_149] : memref<2048x1x128xi32, #tpu.memory_space<hbm>> -> memref<4x1x128xi32, #tpu.memory_space<hbm>>
        tpu.enqueue_dma source(%dma_start3A_150 : memref<4x1x128xi32, #tpu.memory_space<hbm>>) target(%arg6 : memref<4x1x128xi32, #tpu.memory_space<vmem>>) target_semaphore(%run_scoped3A_144 : memref<!tpu.dma_semaphore, #tpu.memory_space<semaphore_mem>>)
        %dma_wait3A_151 = arith.constant 0 : i32
        %dma_wait3A_152 = arith.constant 0 : i32
        %dma_wait3A_153 = tpu.memref_slice %arg3[%select_n3A, %dma_wait3A_151, %dma_wait3A_152] : memref<2048x1x128xi32, #tpu.memory_space<hbm>> -> memref<4x1x128xi32, #tpu.memory_space<hbm>>
        %dma_wait3A_154 = arith.constant 0 : i32
        %dma_wait3A_155 = arith.constant 0 : i32
        %dma_wait3A_156 = tpu.memref_slice %arg3[%select_n3A, %dma_wait3A_154, %dma_wait3A_155] : memref<2048x1x128xi32, #tpu.memory_space<hbm>> -> memref<4x1x128xi32, #tpu.memory_space<hbm>>
        tpu.wait_dma2 semaphore(%run_scoped3A_144 : memref<!tpu.dma_semaphore, #tpu.memory_space<semaphore_mem>>) src(%dma_wait3A_156 : memref<4x1x128xi32, #tpu.memory_space<hbm>>) dst(%arg6 : memref<4x1x128xi32, #tpu.memory_space<vmem>>)
        tpu.yield
      }) : () -> ()
      "tpu.region"() ({
        %run_scoped3A_144 = tpu.sem_alloc : memref<!tpu.dma_semaphore, #tpu.memory_space<semaphore_mem>>
        %dma_start3A_145 = arith.constant 0 : i32
        %dma_start3A_146 = arith.constant 0 : i32
        %dma_start3A_147 = tpu.memref_slice %arg4[%select_n3A, %dma_start3A_145, %dma_start3A_146] : memref<2048x1x128xi32, #tpu.memory_space<hbm>> -> memref<4x1x128xi32, #tpu.memory_space<hbm>>
        %dma_start3A_148 = arith.constant 0 : i32
        %dma_start3A_149 = arith.constant 0 : i32
        %dma_start3A_150 = tpu.memref_slice %arg4[%select_n3A, %dma_start3A_148, %dma_start3A_149] : memref<2048x1x128xi32, #tpu.memory_space<hbm>> -> memref<4x1x128xi32, #tpu.memory_space<hbm>>
        tpu.enqueue_dma source(%dma_start3A_150 : memref<4x1x128xi32, #tpu.memory_space<hbm>>) target(%arg7 : memref<4x1x128xi32, #tpu.memory_space<vmem>>) target_semaphore(%run_scoped3A_144 : memref<!tpu.dma_semaphore, #tpu.memory_space<semaphore_mem>>)
        %dma_wait3A_151 = arith.constant 0 : i32
        %dma_wait3A_152 = arith.constant 0 : i32
        %dma_wait3A_153 = tpu.memref_slice %arg4[%select_n3A, %dma_wait3A_151, %dma_wait3A_152] : memref<2048x1x128xi32, #tpu.memory_space<hbm>> -> memref<4x1x128xi32, #tpu.memory_space<hbm>>
        %dma_wait3A_154 = arith.constant 0 : i32
        %dma_wait3A_155 = arith.constant 0 : i32
        %dma_wait3A_156 = tpu.memref_slice %arg4[%select_n3A, %dma_wait3A_154, %dma_wait3A_155] : memref<2048x1x128xi32, #tpu.memory_space<hbm>> -> memref<4x1x128xi32, #tpu.memory_space<hbm>>
        tpu.wait_dma2 semaphore(%run_scoped3A_144 : memref<!tpu.dma_semaphore, #tpu.memory_space<semaphore_mem>>) src(%dma_wait3A_156 : memref<4x1x128xi32, #tpu.memory_space<hbm>>) dst(%arg7 : memref<4x1x128xi32, #tpu.memory_space<vmem>>)
        tpu.yield
      }) : () -> ()
      %dma_start3A = arith.constant 0 : i32
      %dma_start3A_51 = arith.constant 0 : i32
      %dma_start3A_52 = arith.constant 0 : i32
      %dma_start3A_53 = arith.constant 0 : i32
      %dma_start3A_54 = tpu.memref_slice %arg8[%dma_start3A_52, %dma_start3A_53] : memref<512x64xf32, #tpu.memory_space<vmem>> -> memref<128x64xf32, #tpu.memory_space<vmem>>
      %dma_start3A_55 = arith.constant 0 : i32
      %dma_start3A_56 = tpu.memref_slice %arg6[%dma_start3A, %dma_start3A_51, %dma_start3A_55] : memref<4x1x128xi32, #tpu.memory_space<vmem>> -> memref<1x1x128xi32, #tpu.memory_space<vmem>>
      %dma_start3A_57 = tpu.memref_squeeze %dma_start3A_56 : memref<1x1x128xi32, #tpu.memory_space<vmem>> -> memref<128xi32, #tpu.memory_space<vmem>>
      %dma_start3A_58 = arith.constant 0 : i32
      %dma_start3A_59 = arith.constant 0 : i32
      %dma_start3A_60 = tpu.memref_slice %arg2[%dma_start3A_58, %dma_start3A_59] : memref<262144x64xf32, #tpu.memory_space<hbm>> -> memref<262144x64xf32, #tpu.memory_space<hbm>>
      tpu.enqueue_indirect_dma source(%dma_start3A_60 : memref<262144x64xf32, #tpu.memory_space<hbm>>) target(%dma_start3A_54 : memref<128x64xf32, #tpu.memory_space<vmem>>) offsets(%dma_start3A_57 : memref<128xi32, #tpu.memory_space<vmem>>) semaphore(%arg10 : memref<!tpu.dma_semaphore, #tpu.memory_space<semaphore_mem>>)
      %dma_start3A_61 = arith.constant 1 : i32
      %dma_start3A_62 = arith.constant 0 : i32
      %dma_start3A_63 = arith.constant 128 : i32
      %dma_start3A_64 = arith.constant 0 : i32
      %dma_start3A_65 = tpu.memref_slice %arg8[%dma_start3A_63, %dma_start3A_64] : memref<512x64xf32, #tpu.memory_space<vmem>> -> memref<128x64xf32, #tpu.memory_space<vmem>>
      %dma_start3A_66 = arith.constant 0 : i32
      %dma_start3A_67 = tpu.memref_slice %arg6[%dma_start3A_61, %dma_start3A_62, %dma_start3A_66] : memref<4x1x128xi32, #tpu.memory_space<vmem>> -> memref<1x1x128xi32, #tpu.memory_space<vmem>>
      %dma_start3A_68 = tpu.memref_squeeze %dma_start3A_67 : memref<1x1x128xi32, #tpu.memory_space<vmem>> -> memref<128xi32, #tpu.memory_space<vmem>>
      %dma_start3A_69 = arith.constant 0 : i32
      %dma_start3A_70 = arith.constant 0 : i32
      %dma_start3A_71 = tpu.memref_slice %arg2[%dma_start3A_69, %dma_start3A_70] : memref<262144x64xf32, #tpu.memory_space<hbm>> -> memref<262144x64xf32, #tpu.memory_space<hbm>>
      tpu.enqueue_indirect_dma source(%dma_start3A_71 : memref<262144x64xf32, #tpu.memory_space<hbm>>) target(%dma_start3A_65 : memref<128x64xf32, #tpu.memory_space<vmem>>) offsets(%dma_start3A_68 : memref<128xi32, #tpu.memory_space<vmem>>) semaphore(%arg10 : memref<!tpu.dma_semaphore, #tpu.memory_space<semaphore_mem>>)
      %dma_start3A_72 = arith.constant 2 : i32
      %dma_start3A_73 = arith.constant 0 : i32
      %dma_start3A_74 = arith.constant 256 : i32
      %dma_start3A_75 = arith.constant 0 : i32
      %dma_start3A_76 = tpu.memref_slice %arg8[%dma_start3A_74, %dma_start3A_75] : memref<512x64xf32, #tpu.memory_space<vmem>> -> memref<128x64xf32, #tpu.memory_space<vmem>>
      %dma_start3A_77 = arith.constant 0 : i32
      %dma_start3A_78 = tpu.memref_slice %arg6[%dma_start3A_72, %dma_start3A_73, %dma_start3A_77] : memref<4x1x128xi32, #tpu.memory_space<vmem>> -> memref<1x1x128xi32, #tpu.memory_space<vmem>>
      %dma_start3A_79 = tpu.memref_squeeze %dma_start3A_78 : memref<1x1x128xi32, #tpu.memory_space<vmem>> -> memref<128xi32, #tpu.memory_space<vmem>>
      %dma_start3A_80 = arith.constant 0 : i32
      %dma_start3A_81 = arith.constant 0 : i32
      %dma_start3A_82 = tpu.memref_slice %arg2[%dma_start3A_80, %dma_start3A_81] : memref<262144x64xf32, #tpu.memory_space<hbm>> -> memref<262144x64xf32, #tpu.memory_space<hbm>>
      tpu.enqueue_indirect_dma source(%dma_start3A_82 : memref<262144x64xf32, #tpu.memory_space<hbm>>) target(%dma_start3A_76 : memref<128x64xf32, #tpu.memory_space<vmem>>) offsets(%dma_start3A_79 : memref<128xi32, #tpu.memory_space<vmem>>) semaphore(%arg10 : memref<!tpu.dma_semaphore, #tpu.memory_space<semaphore_mem>>)
      %dma_start3A_83 = arith.constant 3 : i32
      %dma_start3A_84 = arith.constant 0 : i32
      %dma_start3A_85 = arith.constant 384 : i32
      %dma_start3A_86 = arith.constant 0 : i32
      %dma_start3A_87 = tpu.memref_slice %arg8[%dma_start3A_85, %dma_start3A_86] : memref<512x64xf32, #tpu.memory_space<vmem>> -> memref<128x64xf32, #tpu.memory_space<vmem>>
      %dma_start3A_88 = arith.constant 0 : i32
      %dma_start3A_89 = tpu.memref_slice %arg6[%dma_start3A_83, %dma_start3A_84, %dma_start3A_88] : memref<4x1x128xi32, #tpu.memory_space<vmem>> -> memref<1x1x128xi32, #tpu.memory_space<vmem>>
      %dma_start3A_90 = tpu.memref_squeeze %dma_start3A_89 : memref<1x1x128xi32, #tpu.memory_space<vmem>> -> memref<128xi32, #tpu.memory_space<vmem>>
      %dma_start3A_91 = arith.constant 0 : i32
      %dma_start3A_92 = arith.constant 0 : i32
      %dma_start3A_93 = tpu.memref_slice %arg2[%dma_start3A_91, %dma_start3A_92] : memref<262144x64xf32, #tpu.memory_space<hbm>> -> memref<262144x64xf32, #tpu.memory_space<hbm>>
      tpu.enqueue_indirect_dma source(%dma_start3A_93 : memref<262144x64xf32, #tpu.memory_space<hbm>>) target(%dma_start3A_87 : memref<128x64xf32, #tpu.memory_space<vmem>>) offsets(%dma_start3A_90 : memref<128xi32, #tpu.memory_space<vmem>>) semaphore(%arg10 : memref<!tpu.dma_semaphore, #tpu.memory_space<semaphore_mem>>)
      %dma_wait3A = arith.constant 0 : i32
      %dma_wait3A_94 = arith.constant 0 : i32
      %dma_wait3A_95 = arith.constant 0 : i32
      %dma_wait3A_96 = arith.constant 0 : i32
      %dma_wait3A_97 = tpu.memref_slice %arg8[%dma_wait3A_95, %dma_wait3A_96] : memref<512x64xf32, #tpu.memory_space<vmem>> -> memref<128x64xf32, #tpu.memory_space<vmem>>
      %dma_wait3A_98 = arith.constant 0 : i32
      %dma_wait3A_99 = tpu.memref_slice %arg6[%dma_wait3A, %dma_wait3A_94, %dma_wait3A_98] : memref<4x1x128xi32, #tpu.memory_space<vmem>> -> memref<1x1x128xi32, #tpu.memory_space<vmem>>
      %dma_wait3A_100 = tpu.memref_squeeze %dma_wait3A_99 : memref<1x1x128xi32, #tpu.memory_space<vmem>> -> memref<128xi32, #tpu.memory_space<vmem>>
      %dma_wait3A_101 = arith.constant 0 : i32
      %dma_wait3A_102 = arith.constant 0 : i32
      %dma_wait3A_103 = tpu.memref_slice %arg2[%dma_wait3A_101, %dma_wait3A_102] : memref<262144x64xf32, #tpu.memory_space<hbm>> -> memref<262144x64xf32, #tpu.memory_space<hbm>>
      tpu.wait_indirect_dma semaphore(%arg10 : memref<!tpu.dma_semaphore, #tpu.memory_space<semaphore_mem>>) src(%dma_wait3A_103 : memref<262144x64xf32, #tpu.memory_space<hbm>>) dst(%dma_wait3A_97 : memref<128x64xf32, #tpu.memory_space<vmem>>)
      %dma_wait3A_104 = arith.constant 1 : i32
      %dma_wait3A_105 = arith.constant 0 : i32
      %dma_wait3A_106 = arith.constant 128 : i32
      %dma_wait3A_107 = arith.constant 0 : i32
      %dma_wait3A_108 = tpu.memref_slice %arg8[%dma_wait3A_106, %dma_wait3A_107] : memref<512x64xf32, #tpu.memory_space<vmem>> -> memref<128x64xf32, #tpu.memory_space<vmem>>
      %dma_wait3A_109 = arith.constant 0 : i32
      %dma_wait3A_110 = tpu.memref_slice %arg6[%dma_wait3A_104, %dma_wait3A_105, %dma_wait3A_109] : memref<4x1x128xi32, #tpu.memory_space<vmem>> -> memref<1x1x128xi32, #tpu.memory_space<vmem>>
      %dma_wait3A_111 = tpu.memref_squeeze %dma_wait3A_110 : memref<1x1x128xi32, #tpu.memory_space<vmem>> -> memref<128xi32, #tpu.memory_space<vmem>>
      %dma_wait3A_112 = arith.constant 0 : i32
      %dma_wait3A_113 = arith.constant 0 : i32
      %dma_wait3A_114 = tpu.memref_slice %arg2[%dma_wait3A_112, %dma_wait3A_113] : memref<262144x64xf32, #tpu.memory_space<hbm>> -> memref<262144x64xf32, #tpu.memory_space<hbm>>
      tpu.wait_indirect_dma semaphore(%arg10 : memref<!tpu.dma_semaphore, #tpu.memory_space<semaphore_mem>>) src(%dma_wait3A_114 : memref<262144x64xf32, #tpu.memory_space<hbm>>) dst(%dma_wait3A_108 : memref<128x64xf32, #tpu.memory_space<vmem>>)
      %dma_wait3A_115 = arith.constant 2 : i32
      %dma_wait3A_116 = arith.constant 0 : i32
      %dma_wait3A_117 = arith.constant 256 : i32
      %dma_wait3A_118 = arith.constant 0 : i32
      %dma_wait3A_119 = tpu.memref_slice %arg8[%dma_wait3A_117, %dma_wait3A_118] : memref<512x64xf32, #tpu.memory_space<vmem>> -> memref<128x64xf32, #tpu.memory_space<vmem>>
      %dma_wait3A_120 = arith.constant 0 : i32
      %dma_wait3A_121 = tpu.memref_slice %arg6[%dma_wait3A_115, %dma_wait3A_116, %dma_wait3A_120] : memref<4x1x128xi32, #tpu.memory_space<vmem>> -> memref<1x1x128xi32, #tpu.memory_space<vmem>>
      %dma_wait3A_122 = tpu.memref_squeeze %dma_wait3A_121 : memref<1x1x128xi32, #tpu.memory_space<vmem>> -> memref<128xi32, #tpu.memory_space<vmem>>
      %dma_wait3A_123 = arith.constant 0 : i32
      %dma_wait3A_124 = arith.constant 0 : i32
      %dma_wait3A_125 = tpu.memref_slice %arg2[%dma_wait3A_123, %dma_wait3A_124] : memref<262144x64xf32, #tpu.memory_space<hbm>> -> memref<262144x64xf32, #tpu.memory_space<hbm>>
      tpu.wait_indirect_dma semaphore(%arg10 : memref<!tpu.dma_semaphore, #tpu.memory_space<semaphore_mem>>) src(%dma_wait3A_125 : memref<262144x64xf32, #tpu.memory_space<hbm>>) dst(%dma_wait3A_119 : memref<128x64xf32, #tpu.memory_space<vmem>>)
      %dma_wait3A_126 = arith.constant 3 : i32
      %dma_wait3A_127 = arith.constant 0 : i32
      %dma_wait3A_128 = arith.constant 384 : i32
      %dma_wait3A_129 = arith.constant 0 : i32
      %dma_wait3A_130 = tpu.memref_slice %arg8[%dma_wait3A_128, %dma_wait3A_129] : memref<512x64xf32, #tpu.memory_space<vmem>> -> memref<128x64xf32, #tpu.memory_space<vmem>>
      %dma_wait3A_131 = arith.constant 0 : i32
      %dma_wait3A_132 = tpu.memref_slice %arg6[%dma_wait3A_126, %dma_wait3A_127, %dma_wait3A_131] : memref<4x1x128xi32, #tpu.memory_space<vmem>> -> memref<1x1x128xi32, #tpu.memory_space<vmem>>
      %dma_wait3A_133 = tpu.memref_squeeze %dma_wait3A_132 : memref<1x1x128xi32, #tpu.memory_space<vmem>> -> memref<128xi32, #tpu.memory_space<vmem>>
      %dma_wait3A_134 = arith.constant 0 : i32
      %dma_wait3A_135 = arith.constant 0 : i32
      %dma_wait3A_136 = tpu.memref_slice %arg2[%dma_wait3A_134, %dma_wait3A_135] : memref<262144x64xf32, #tpu.memory_space<hbm>> -> memref<262144x64xf32, #tpu.memory_space<hbm>>
      tpu.wait_indirect_dma semaphore(%arg10 : memref<!tpu.dma_semaphore, #tpu.memory_space<semaphore_mem>>) src(%dma_wait3A_136 : memref<262144x64xf32, #tpu.memory_space<hbm>>) dst(%dma_wait3A_130 : memref<128x64xf32, #tpu.memory_space<vmem>>)
      %run_scoped3A = arith.constant 0 : i32
      %run_scoped3A_137 = arith.constant 0 : i32
      "tpu.region"() ({
        %run_scoped3A_144 = tpu.sem_alloc : memref<!tpu.dma_semaphore, #tpu.memory_space<semaphore_mem>>
        %dma_start3A_145 = arith.constant 0 : i32
        %dma_start3A_146 = arith.constant 0 : i32
        %dma_start3A_147 = tpu.memref_slice %arg8[%dma_start3A_145, %dma_start3A_146] : memref<512x64xf32, #tpu.memory_space<vmem>> -> memref<128x64xf32, #tpu.memory_space<vmem>>
        %dma_start3A_148 = arith.constant 0 : i32
        %dma_start3A_149 = tpu.memref_slice %arg7[%run_scoped3A, %run_scoped3A_137, %dma_start3A_148] : memref<4x1x128xi32, #tpu.memory_space<vmem>> -> memref<1x1x128xi32, #tpu.memory_space<vmem>>
        %dma_start3A_150 = tpu.memref_squeeze %dma_start3A_149 : memref<1x1x128xi32, #tpu.memory_space<vmem>> -> memref<128xi32, #tpu.memory_space<vmem>>
        %dma_start3A_151 = arith.constant 0 : i32
        %dma_start3A_152 = arith.constant 0 : i32
        %dma_start3A_153 = tpu.memref_slice %arg9[%dma_start3A_151, %dma_start3A_152] : memref<16384x64xf32, #tpu.memory_space<vmem_shared>> -> memref<16384x64xf32, #tpu.memory_space<vmem_shared>>
        tpu.enqueue_indirect_dma source(%dma_start3A_147 : memref<128x64xf32, #tpu.memory_space<vmem>>) target(%dma_start3A_153 : memref<16384x64xf32, #tpu.memory_space<vmem_shared>>) offsets(%dma_start3A_150 : memref<128xi32, #tpu.memory_space<vmem>>) semaphore(%run_scoped3A_144 : memref<!tpu.dma_semaphore, #tpu.memory_space<semaphore_mem>>) {add = true}
        %dma_wait3A_154 = arith.constant 0 : i32
        %dma_wait3A_155 = arith.constant 0 : i32
        %dma_wait3A_156 = tpu.memref_slice %arg8[%dma_wait3A_154, %dma_wait3A_155] : memref<512x64xf32, #tpu.memory_space<vmem>> -> memref<128x64xf32, #tpu.memory_space<vmem>>
        %dma_wait3A_157 = arith.constant 0 : i32
        %dma_wait3A_158 = tpu.memref_slice %arg7[%run_scoped3A, %run_scoped3A_137, %dma_wait3A_157] : memref<4x1x128xi32, #tpu.memory_space<vmem>> -> memref<1x1x128xi32, #tpu.memory_space<vmem>>
        %dma_wait3A_159 = tpu.memref_squeeze %dma_wait3A_158 : memref<1x1x128xi32, #tpu.memory_space<vmem>> -> memref<128xi32, #tpu.memory_space<vmem>>
        %dma_wait3A_160 = arith.constant 0 : i32
        %dma_wait3A_161 = arith.constant 0 : i32
        %dma_wait3A_162 = tpu.memref_slice %arg9[%dma_wait3A_160, %dma_wait3A_161] : memref<16384x64xf32, #tpu.memory_space<vmem_shared>> -> memref<16384x64xf32, #tpu.memory_space<vmem_shared>>
        tpu.wait_indirect_dma semaphore(%run_scoped3A_144 : memref<!tpu.dma_semaphore, #tpu.memory_space<semaphore_mem>>) src(%dma_wait3A_156 : memref<128x64xf32, #tpu.memory_space<vmem>>) dst(%dma_wait3A_162 : memref<16384x64xf32, #tpu.memory_space<vmem_shared>>)
        tpu.yield
      }) : () -> ()
      %run_scoped3A_138 = arith.constant 1 : i32
      %run_scoped3A_139 = arith.constant 0 : i32
      "tpu.region"() ({
        %run_scoped3A_144 = tpu.sem_alloc : memref<!tpu.dma_semaphore, #tpu.memory_space<semaphore_mem>>
        %dma_start3A_145 = arith.constant 128 : i32
        %dma_start3A_146 = arith.constant 0 : i32
        %dma_start3A_147 = tpu.memref_slice %arg8[%dma_start3A_145, %dma_start3A_146] : memref<512x64xf32, #tpu.memory_space<vmem>> -> memref<128x64xf32, #tpu.memory_space<vmem>>
        %dma_start3A_148 = arith.constant 0 : i32
        %dma_start3A_149 = tpu.memref_slice %arg7[%run_scoped3A_138, %run_scoped3A_139, %dma_start3A_148] : memref<4x1x128xi32, #tpu.memory_space<vmem>> -> memref<1x1x128xi32, #tpu.memory_space<vmem>>
        %dma_start3A_150 = tpu.memref_squeeze %dma_start3A_149 : memref<1x1x128xi32, #tpu.memory_space<vmem>> -> memref<128xi32, #tpu.memory_space<vmem>>
        %dma_start3A_151 = arith.constant 0 : i32
        %dma_start3A_152 = arith.constant 0 : i32
        %dma_start3A_153 = tpu.memref_slice %arg9[%dma_start3A_151, %dma_start3A_152] : memref<16384x64xf32, #tpu.memory_space<vmem_shared>> -> memref<16384x64xf32, #tpu.memory_space<vmem_shared>>
        tpu.enqueue_indirect_dma source(%dma_start3A_147 : memref<128x64xf32, #tpu.memory_space<vmem>>) target(%dma_start3A_153 : memref<16384x64xf32, #tpu.memory_space<vmem_shared>>) offsets(%dma_start3A_150 : memref<128xi32, #tpu.memory_space<vmem>>) semaphore(%run_scoped3A_144 : memref<!tpu.dma_semaphore, #tpu.memory_space<semaphore_mem>>) {add = true}
        %dma_wait3A_154 = arith.constant 128 : i32
        %dma_wait3A_155 = arith.constant 0 : i32
        %dma_wait3A_156 = tpu.memref_slice %arg8[%dma_wait3A_154, %dma_wait3A_155] : memref<512x64xf32, #tpu.memory_space<vmem>> -> memref<128x64xf32, #tpu.memory_space<vmem>>
        %dma_wait3A_157 = arith.constant 0 : i32
        %dma_wait3A_158 = tpu.memref_slice %arg7[%run_scoped3A_138, %run_scoped3A_139, %dma_wait3A_157] : memref<4x1x128xi32, #tpu.memory_space<vmem>> -> memref<1x1x128xi32, #tpu.memory_space<vmem>>
        %dma_wait3A_159 = tpu.memref_squeeze %dma_wait3A_158 : memref<1x1x128xi32, #tpu.memory_space<vmem>> -> memref<128xi32, #tpu.memory_space<vmem>>
        %dma_wait3A_160 = arith.constant 0 : i32
        %dma_wait3A_161 = arith.constant 0 : i32
        %dma_wait3A_162 = tpu.memref_slice %arg9[%dma_wait3A_160, %dma_wait3A_161] : memref<16384x64xf32, #tpu.memory_space<vmem_shared>> -> memref<16384x64xf32, #tpu.memory_space<vmem_shared>>
        tpu.wait_indirect_dma semaphore(%run_scoped3A_144 : memref<!tpu.dma_semaphore, #tpu.memory_space<semaphore_mem>>) src(%dma_wait3A_156 : memref<128x64xf32, #tpu.memory_space<vmem>>) dst(%dma_wait3A_162 : memref<16384x64xf32, #tpu.memory_space<vmem_shared>>)
        tpu.yield
      }) : () -> ()
      %run_scoped3A_140 = arith.constant 2 : i32
      %run_scoped3A_141 = arith.constant 0 : i32
      "tpu.region"() ({
        %run_scoped3A_144 = tpu.sem_alloc : memref<!tpu.dma_semaphore, #tpu.memory_space<semaphore_mem>>
        %dma_start3A_145 = arith.constant 256 : i32
        %dma_start3A_146 = arith.constant 0 : i32
        %dma_start3A_147 = tpu.memref_slice %arg8[%dma_start3A_145, %dma_start3A_146] : memref<512x64xf32, #tpu.memory_space<vmem>> -> memref<128x64xf32, #tpu.memory_space<vmem>>
        %dma_start3A_148 = arith.constant 0 : i32
        %dma_start3A_149 = tpu.memref_slice %arg7[%run_scoped3A_140, %run_scoped3A_141, %dma_start3A_148] : memref<4x1x128xi32, #tpu.memory_space<vmem>> -> memref<1x1x128xi32, #tpu.memory_space<vmem>>
        %dma_start3A_150 = tpu.memref_squeeze %dma_start3A_149 : memref<1x1x128xi32, #tpu.memory_space<vmem>> -> memref<128xi32, #tpu.memory_space<vmem>>
        %dma_start3A_151 = arith.constant 0 : i32
        %dma_start3A_152 = arith.constant 0 : i32
        %dma_start3A_153 = tpu.memref_slice %arg9[%dma_start3A_151, %dma_start3A_152] : memref<16384x64xf32, #tpu.memory_space<vmem_shared>> -> memref<16384x64xf32, #tpu.memory_space<vmem_shared>>
        tpu.enqueue_indirect_dma source(%dma_start3A_147 : memref<128x64xf32, #tpu.memory_space<vmem>>) target(%dma_start3A_153 : memref<16384x64xf32, #tpu.memory_space<vmem_shared>>) offsets(%dma_start3A_150 : memref<128xi32, #tpu.memory_space<vmem>>) semaphore(%run_scoped3A_144 : memref<!tpu.dma_semaphore, #tpu.memory_space<semaphore_mem>>) {add = true}
        %dma_wait3A_154 = arith.constant 256 : i32
        %dma_wait3A_155 = arith.constant 0 : i32
        %dma_wait3A_156 = tpu.memref_slice %arg8[%dma_wait3A_154, %dma_wait3A_155] : memref<512x64xf32, #tpu.memory_space<vmem>> -> memref<128x64xf32, #tpu.memory_space<vmem>>
        %dma_wait3A_157 = arith.constant 0 : i32
        %dma_wait3A_158 = tpu.memref_slice %arg7[%run_scoped3A_140, %run_scoped3A_141, %dma_wait3A_157] : memref<4x1x128xi32, #tpu.memory_space<vmem>> -> memref<1x1x128xi32, #tpu.memory_space<vmem>>
        %dma_wait3A_159 = tpu.memref_squeeze %dma_wait3A_158 : memref<1x1x128xi32, #tpu.memory_space<vmem>> -> memref<128xi32, #tpu.memory_space<vmem>>
        %dma_wait3A_160 = arith.constant 0 : i32
        %dma_wait3A_161 = arith.constant 0 : i32
        %dma_wait3A_162 = tpu.memref_slice %arg9[%dma_wait3A_160, %dma_wait3A_161] : memref<16384x64xf32, #tpu.memory_space<vmem_shared>> -> memref<16384x64xf32, #tpu.memory_space<vmem_shared>>
        tpu.wait_indirect_dma semaphore(%run_scoped3A_144 : memref<!tpu.dma_semaphore, #tpu.memory_space<semaphore_mem>>) src(%dma_wait3A_156 : memref<128x64xf32, #tpu.memory_space<vmem>>) dst(%dma_wait3A_162 : memref<16384x64xf32, #tpu.memory_space<vmem_shared>>)
        tpu.yield
      }) : () -> ()
      %run_scoped3A_142 = arith.constant 3 : i32
      %run_scoped3A_143 = arith.constant 0 : i32
      "tpu.region"() ({
        %run_scoped3A_144 = tpu.sem_alloc : memref<!tpu.dma_semaphore, #tpu.memory_space<semaphore_mem>>
        %dma_start3A_145 = arith.constant 384 : i32
        %dma_start3A_146 = arith.constant 0 : i32
        %dma_start3A_147 = tpu.memref_slice %arg8[%dma_start3A_145, %dma_start3A_146] : memref<512x64xf32, #tpu.memory_space<vmem>> -> memref<128x64xf32, #tpu.memory_space<vmem>>
        %dma_start3A_148 = arith.constant 0 : i32
        %dma_start3A_149 = tpu.memref_slice %arg7[%run_scoped3A_142, %run_scoped3A_143, %dma_start3A_148] : memref<4x1x128xi32, #tpu.memory_space<vmem>> -> memref<1x1x128xi32, #tpu.memory_space<vmem>>
        %dma_start3A_150 = tpu.memref_squeeze %dma_start3A_149 : memref<1x1x128xi32, #tpu.memory_space<vmem>> -> memref<128xi32, #tpu.memory_space<vmem>>
        %dma_start3A_151 = arith.constant 0 : i32
        %dma_start3A_152 = arith.constant 0 : i32
        %dma_start3A_153 = tpu.memref_slice %arg9[%dma_start3A_151, %dma_start3A_152] : memref<16384x64xf32, #tpu.memory_space<vmem_shared>> -> memref<16384x64xf32, #tpu.memory_space<vmem_shared>>
        tpu.enqueue_indirect_dma source(%dma_start3A_147 : memref<128x64xf32, #tpu.memory_space<vmem>>) target(%dma_start3A_153 : memref<16384x64xf32, #tpu.memory_space<vmem_shared>>) offsets(%dma_start3A_150 : memref<128xi32, #tpu.memory_space<vmem>>) semaphore(%run_scoped3A_144 : memref<!tpu.dma_semaphore, #tpu.memory_space<semaphore_mem>>) {add = true}
        %dma_wait3A_154 = arith.constant 384 : i32
        %dma_wait3A_155 = arith.constant 0 : i32
        %dma_wait3A_156 = tpu.memref_slice %arg8[%dma_wait3A_154, %dma_wait3A_155] : memref<512x64xf32, #tpu.memory_space<vmem>> -> memref<128x64xf32, #tpu.memory_space<vmem>>
        %dma_wait3A_157 = arith.constant 0 : i32
        %dma_wait3A_158 = tpu.memref_slice %arg7[%run_scoped3A_142, %run_scoped3A_143, %dma_wait3A_157] : memref<4x1x128xi32, #tpu.memory_space<vmem>> -> memref<1x1x128xi32, #tpu.memory_space<vmem>>
        %dma_wait3A_159 = tpu.memref_squeeze %dma_wait3A_158 : memref<1x1x128xi32, #tpu.memory_space<vmem>> -> memref<128xi32, #tpu.memory_space<vmem>>
        %dma_wait3A_160 = arith.constant 0 : i32
        %dma_wait3A_161 = arith.constant 0 : i32
        %dma_wait3A_162 = tpu.memref_slice %arg9[%dma_wait3A_160, %dma_wait3A_161] : memref<16384x64xf32, #tpu.memory_space<vmem_shared>> -> memref<16384x64xf32, #tpu.memory_space<vmem_shared>>
        tpu.wait_indirect_dma semaphore(%run_scoped3A_144 : memref<!tpu.dma_semaphore, #tpu.memory_space<semaphore_mem>>) src(%dma_wait3A_156 : memref<128x64xf32, #tpu.memory_space<vmem>>) dst(%dma_wait3A_162 : memref<16384x64xf32, #tpu.memory_space<vmem_shared>>)
        tpu.yield
      }) : () -> ()
    }
    %scan3A_20 = arith.constant 16 : i32
    %barrier3A_21 = arith.constant 0 : index
    tpu.barrier barrier_id(%barrier3A_21)
    %mul3A_22 = arith.constant 1024 : i32
    %mul3A_23 = arith.muli %arg1, %mul3A_22 : i32
    %mul3A_24 = arith.constant 16384 : i32
    %mul3A_25 = arith.muli %arg0, %mul3A_24 : i32
    %mul3A_26 = arith.constant 1024 : i32
    %mul3A_27 = arith.muli %arg1, %mul3A_26 : i32
    %add3A_28 = arith.addi %mul3A_25, %mul3A_27 : i32
    "tpu.region"() ({
      %run_scoped3A = tpu.sem_alloc : memref<!tpu.dma_semaphore, #tpu.memory_space<semaphore_mem>>
      %dma_start3A = arith.constant 0 : i32
      %dma_start3A_29 = tpu.memref_slice %arg5[%add3A_28, %dma_start3A] : memref<32768x64xf32, #tpu.memory_space<hbm>> -> memref<1024x64xf32, #tpu.memory_space<hbm>>
      %dma_start3A_30 = arith.constant 0 : i32
      %dma_start3A_31 = tpu.memref_slice %arg9[%mul3A_23, %dma_start3A_30] : memref<16384x64xf32, #tpu.memory_space<vmem_shared>> -> memref<1024x64xf32, #tpu.memory_space<vmem_shared>>
      tpu.enqueue_dma source(%dma_start3A_31 : memref<1024x64xf32, #tpu.memory_space<vmem_shared>>) target(%dma_start3A_29 : memref<1024x64xf32, #tpu.memory_space<hbm>>) target_semaphore(%run_scoped3A : memref<!tpu.dma_semaphore, #tpu.memory_space<semaphore_mem>>)
      %dma_wait3A = arith.constant 0 : i32
      %dma_wait3A_32 = tpu.memref_slice %arg5[%add3A_28, %dma_wait3A] : memref<32768x64xf32, #tpu.memory_space<hbm>> -> memref<1024x64xf32, #tpu.memory_space<hbm>>
      %dma_wait3A_33 = arith.constant 0 : i32
      %dma_wait3A_34 = tpu.memref_slice %arg9[%mul3A_23, %dma_wait3A_33] : memref<16384x64xf32, #tpu.memory_space<vmem_shared>> -> memref<1024x64xf32, #tpu.memory_space<vmem_shared>>
      tpu.wait_dma2 semaphore(%run_scoped3A : memref<!tpu.dma_semaphore, #tpu.memory_space<semaphore_mem>>) src(%dma_wait3A_34 : memref<1024x64xf32, #tpu.memory_space<vmem_shared>>) dst(%dma_wait3A_32 : memref<1024x64xf32, #tpu.memory_space<hbm>>)
      tpu.yield
    }) : () -> ()
    return
  }
}

#map = affine_map<(d0, d1) -> (0, 0)>
#map1 = affine_map<(d0, d1) -> (0, 0, 0)>
module attributes {stable_mosaic.version = 14 : i64} {
  func.func @scatter_kernel(%arg0: i32, %arg1: i32, %arg2: memref<442368x64xf32, #tpu.memory_space<hbm>>, %arg3: memref<3456x1x128xi32, #tpu.memory_space<hbm>>, %arg4: memref<3456x1x128xi32, #tpu.memory_space<hbm>>, %arg5: memref<32768x64xf32, #tpu.memory_space<hbm>>, %arg6: memref<6x1x128xi32, #tpu.memory_space<vmem>>, %arg7: memref<6x1x128xi32, #tpu.memory_space<vmem>>, %arg8: memref<768x64xf32, #tpu.memory_space<vmem>>, %arg9: memref<16384x64xf32, #tpu.memory_space<vmem_shared>>, %arg10: memref<!tpu.dma_semaphore, #tpu.memory_space<semaphore_mem>>) attributes {dimension_semantics = [#tpu.dimension_semantics<core_parallel>, #tpu.dimension_semantics<subcore_parallel>], iteration_bounds = array<i64: 2, 16>, scalar_prefetch = 0 : i64, scratch_operands = 5 : i64, tpu.core_type = #tpu.core_type<sc_vector_subcore>, window_params = [{transform_indices = #map}, {transform_indices = #map1}, {transform_indices = #map1}, {transform_indices = #map}]} {
    %mul3A = arith.constant 2 : i32
    %mul3A_0 = arith.muli %arg1, %mul3A : i32
    %add3A = arith.addi %mul3A_0, %arg0 : i32
    %broadcast_in_dim3A = arith.constant 0.000000e+00 : f32
    %broadcast_in_dim3A_1 = vector.broadcast %broadcast_in_dim3A : f32 to vector<16xf32>
    %scan3A = arith.constant 0 : i32
    %scan3A_2 = arith.constant 0 : i32
    %scan3A_3 = arith.constant 512 : i32
    %scan3A_4 = arith.addi %scan3A_2, %scan3A_3 : i32
    %scan3A_5 = arith.constant 1 : i32
    scf.for %scan3A_29 = %scan3A_2 to %scan3A_4 step %scan3A_5  : i32 {
      %swap3A = arith.index_cast %scan3A_29 : i32 to index
      %swap3A_30 = arith.constant 0 : index
      %swap3A_31 = tpu.vector_load %arg8[%swap3A, %swap3A_30] {strides = array<i32>} : memref<768x64xf32, #tpu.memory_space<vmem>>, vector<1x16xf32>,
      %swap3A_32 = vector.shape_cast %swap3A_31 : vector<1x16xf32> to vector<16xf32>
      %swap3A_33 = vector.shape_cast %broadcast_in_dim3A_1 : vector<16xf32> to vector<1x16xf32>
      tpu.vector_store %arg8[%swap3A, %swap3A_30], %swap3A_33 {strides = array<i32>} : memref<768x64xf32, #tpu.memory_space<vmem>>, vector<1x16xf32>,
      %swap3A_34 = arith.index_cast %scan3A_29 : i32 to index
      %swap3A_35 = arith.constant 16 : index
      %swap3A_36 = tpu.vector_load %arg8[%swap3A_34, %swap3A_35] {strides = array<i32>} : memref<768x64xf32, #tpu.memory_space<vmem>>, vector<1x16xf32>,
      %swap3A_37 = vector.shape_cast %swap3A_36 : vector<1x16xf32> to vector<16xf32>
      %swap3A_38 = vector.shape_cast %broadcast_in_dim3A_1 : vector<16xf32> to vector<1x16xf32>
      tpu.vector_store %arg8[%swap3A_34, %swap3A_35], %swap3A_38 {strides = array<i32>} : memref<768x64xf32, #tpu.memory_space<vmem>>, vector<1x16xf32>,
      %swap3A_39 = arith.index_cast %scan3A_29 : i32 to index
      %swap3A_40 = arith.constant 32 : index
      %swap3A_41 = tpu.vector_load %arg8[%swap3A_39, %swap3A_40] {strides = array<i32>} : memref<768x64xf32, #tpu.memory_space<vmem>>, vector<1x16xf32>,
      %swap3A_42 = vector.shape_cast %swap3A_41 : vector<1x16xf32> to vector<16xf32>
      %swap3A_43 = vector.shape_cast %broadcast_in_dim3A_1 : vector<16xf32> to vector<1x16xf32>
      tpu.vector_store %arg8[%swap3A_39, %swap3A_40], %swap3A_43 {strides = array<i32>} : memref<768x64xf32, #tpu.memory_space<vmem>>, vector<1x16xf32>,
      %swap3A_44 = arith.index_cast %scan3A_29 : i32 to index
      %swap3A_45 = arith.constant 48 : index
      %swap3A_46 = tpu.vector_load %arg8[%swap3A_44, %swap3A_45] {strides = array<i32>} : memref<768x64xf32, #tpu.memory_space<vmem>>, vector<1x16xf32>,
      %swap3A_47 = vector.shape_cast %swap3A_46 : vector<1x16xf32> to vector<16xf32>
      %swap3A_48 = vector.shape_cast %broadcast_in_dim3A_1 : vector<16xf32> to vector<1x16xf32>
      tpu.vector_store %arg8[%swap3A_44, %swap3A_45], %swap3A_48 {strides = array<i32>} : memref<768x64xf32, #tpu.memory_space<vmem>>, vector<1x16xf32>,
    }
    %scan3A_6 = arith.constant 512 : i32
    %mul3A_7 = arith.constant 1024 : i32
    %mul3A_8 = arith.muli %arg1, %mul3A_7 : i32
    %add3A_9 = arith.constant 0 : i32
    %add3A_10 = arith.addi %mul3A_8, %add3A_9 : i32
    "tpu.region"() ({
      %run_scoped3A = tpu.sem_alloc : memref<!tpu.dma_semaphore, #tpu.memory_space<semaphore_mem>>
      %dma_start3A = arith.constant 0 : i32
      %dma_start3A_29 = arith.constant 0 : i32
      %dma_start3A_30 = tpu.memref_slice %arg8[%dma_start3A, %dma_start3A_29] : memref<768x64xf32, #tpu.memory_space<vmem>> -> memref<512x64xf32, #tpu.memory_space<vmem>>
      %dma_start3A_31 = arith.constant 0 : i32
      %dma_start3A_32 = tpu.memref_slice %arg9[%add3A_10, %dma_start3A_31] : memref<16384x64xf32, #tpu.memory_space<vmem_shared>> -> memref<512x64xf32, #tpu.memory_space<vmem_shared>>
      %dma_start3A_33 = arith.constant 0 : i32
      %dma_start3A_34 = tpu.memref_slice %arg9[%add3A_10, %dma_start3A_33] : memref<16384x64xf32, #tpu.memory_space<vmem_shared>> -> memref<512x64xf32, #tpu.memory_space<vmem_shared>>
      %dma_start3A_35 = arith.constant 0 : i32
      %dma_start3A_36 = arith.constant 0 : i32
      %dma_start3A_37 = tpu.memref_slice %arg8[%dma_start3A_35, %dma_start3A_36] : memref<768x64xf32, #tpu.memory_space<vmem>> -> memref<512x64xf32, #tpu.memory_space<vmem>>
      tpu.enqueue_dma source(%dma_start3A_37 : memref<512x64xf32, #tpu.memory_space<vmem>>) target(%dma_start3A_34 : memref<512x64xf32, #tpu.memory_space<vmem_shared>>) target_semaphore(%run_scoped3A : memref<!tpu.dma_semaphore, #tpu.memory_space<semaphore_mem>>)
      %dma_wait3A = arith.constant 0 : i32
      %dma_wait3A_38 = arith.constant 0 : i32
      %dma_wait3A_39 = tpu.memref_slice %arg8[%dma_wait3A, %dma_wait3A_38] : memref<768x64xf32, #tpu.memory_space<vmem>> -> memref<512x64xf32, #tpu.memory_space<vmem>>
      %dma_wait3A_40 = arith.constant 0 : i32
      %dma_wait3A_41 = tpu.memref_slice %arg9[%add3A_10, %dma_wait3A_40] : memref<16384x64xf32, #tpu.memory_space<vmem_shared>> -> memref<512x64xf32, #tpu.memory_space<vmem_shared>>
      %dma_wait3A_42 = arith.constant 0 : i32
      %dma_wait3A_43 = tpu.memref_slice %arg9[%add3A_10, %dma_wait3A_42] : memref<16384x64xf32, #tpu.memory_space<vmem_shared>> -> memref<512x64xf32, #tpu.memory_space<vmem_shared>>
      %dma_wait3A_44 = arith.constant 0 : i32
      %dma_wait3A_45 = arith.constant 0 : i32
      %dma_wait3A_46 = tpu.memref_slice %arg8[%dma_wait3A_44, %dma_wait3A_45] : memref<768x64xf32, #tpu.memory_space<vmem>> -> memref<512x64xf32, #tpu.memory_space<vmem>>
      tpu.wait_dma2 semaphore(%run_scoped3A : memref<!tpu.dma_semaphore, #tpu.memory_space<semaphore_mem>>) src(%dma_wait3A_46 : memref<512x64xf32, #tpu.memory_space<vmem>>) dst(%dma_wait3A_43 : memref<512x64xf32, #tpu.memory_space<vmem_shared>>)
      tpu.yield
    }) : () -> ()
    %mul3A_11 = arith.constant 1024 : i32
    %mul3A_12 = arith.muli %arg1, %mul3A_11 : i32
    %add3A_13 = arith.constant 512 : i32
    %add3A_14 = arith.addi %mul3A_12, %add3A_13 : i32
    "tpu.region"() ({
      %run_scoped3A = tpu.sem_alloc : memref<!tpu.dma_semaphore, #tpu.memory_space<semaphore_mem>>
      %dma_start3A = arith.constant 0 : i32
      %dma_start3A_29 = arith.constant 0 : i32
      %dma_start3A_30 = tpu.memref_slice %arg8[%dma_start3A, %dma_start3A_29] : memref<768x64xf32, #tpu.memory_space<vmem>> -> memref<512x64xf32, #tpu.memory_space<vmem>>
      %dma_start3A_31 = arith.constant 0 : i32
      %dma_start3A_32 = tpu.memref_slice %arg9[%add3A_14, %dma_start3A_31] : memref<16384x64xf32, #tpu.memory_space<vmem_shared>> -> memref<512x64xf32, #tpu.memory_space<vmem_shared>>
      %dma_start3A_33 = arith.constant 0 : i32
      %dma_start3A_34 = tpu.memref_slice %arg9[%add3A_14, %dma_start3A_33] : memref<16384x64xf32, #tpu.memory_space<vmem_shared>> -> memref<512x64xf32, #tpu.memory_space<vmem_shared>>
      %dma_start3A_35 = arith.constant 0 : i32
      %dma_start3A_36 = arith.constant 0 : i32
      %dma_start3A_37 = tpu.memref_slice %arg8[%dma_start3A_35, %dma_start3A_36] : memref<768x64xf32, #tpu.memory_space<vmem>> -> memref<512x64xf32, #tpu.memory_space<vmem>>
      tpu.enqueue_dma source(%dma_start3A_37 : memref<512x64xf32, #tpu.memory_space<vmem>>) target(%dma_start3A_34 : memref<512x64xf32, #tpu.memory_space<vmem_shared>>) target_semaphore(%run_scoped3A : memref<!tpu.dma_semaphore, #tpu.memory_space<semaphore_mem>>)
      %dma_wait3A = arith.constant 0 : i32
      %dma_wait3A_38 = arith.constant 0 : i32
      %dma_wait3A_39 = tpu.memref_slice %arg8[%dma_wait3A, %dma_wait3A_38] : memref<768x64xf32, #tpu.memory_space<vmem>> -> memref<512x64xf32, #tpu.memory_space<vmem>>
      %dma_wait3A_40 = arith.constant 0 : i32
      %dma_wait3A_41 = tpu.memref_slice %arg9[%add3A_14, %dma_wait3A_40] : memref<16384x64xf32, #tpu.memory_space<vmem_shared>> -> memref<512x64xf32, #tpu.memory_space<vmem_shared>>
      %dma_wait3A_42 = arith.constant 0 : i32
      %dma_wait3A_43 = tpu.memref_slice %arg9[%add3A_14, %dma_wait3A_42] : memref<16384x64xf32, #tpu.memory_space<vmem_shared>> -> memref<512x64xf32, #tpu.memory_space<vmem_shared>>
      %dma_wait3A_44 = arith.constant 0 : i32
      %dma_wait3A_45 = arith.constant 0 : i32
      %dma_wait3A_46 = tpu.memref_slice %arg8[%dma_wait3A_44, %dma_wait3A_45] : memref<768x64xf32, #tpu.memory_space<vmem>> -> memref<512x64xf32, #tpu.memory_space<vmem>>
      tpu.wait_dma2 semaphore(%run_scoped3A : memref<!tpu.dma_semaphore, #tpu.memory_space<semaphore_mem>>) src(%dma_wait3A_46 : memref<512x64xf32, #tpu.memory_space<vmem>>) dst(%dma_wait3A_43 : memref<512x64xf32, #tpu.memory_space<vmem_shared>>)
      tpu.yield
    }) : () -> ()
    %barrier3A = arith.constant 0 : index
    tpu.barrier barrier_id(%barrier3A)
    %scan3A_15 = arith.constant 0 : i32
    %scan3A_16 = arith.constant 0 : i32
    %scan3A_17 = arith.constant 18 : i32
    %scan3A_18 = arith.addi %scan3A_16, %scan3A_17 : i32
    %scan3A_19 = arith.constant 1 : i32
    scf.for %scan3A_29 = %scan3A_16 to %scan3A_18 step %scan3A_19  : i32 {
      %mul3A_30 = arith.constant 13824 : i32
      %mul3A_31 = arith.muli %add3A, %mul3A_30 : i32
      %mul3A_32 = arith.constant 768 : i32
      %mul3A_33 = arith.muli %scan3A_29, %mul3A_32 : i32
      %add3A_34 = arith.addi %mul3A_31, %mul3A_33 : i32
      %jit3A = arith.constant 128 : i32
      %div3A = arith.divsi %add3A_34, %jit3A : i32
      %sign3A = arith.constant 0 : i32
      %sign3A_35 = arith.cmpi sgt, %add3A_34, %sign3A : i32
      %sign3A_36 = arith.extui %sign3A_35 : i1 to i32
      %sign3A_37 = arith.constant 0 : i32
      %sign3A_38 = arith.cmpi slt, %add3A_34, %sign3A_37 : i32
      %sign3A_39 = arith.extui %sign3A_38 : i1 to i32
      %sign3A_40 = arith.subi %sign3A_36, %sign3A_39 : i32
      %sign3A_41 = arith.constant 0 : i32
      %sign3A_42 = arith.cmpi sgt, %jit3A, %sign3A_41 : i32
      %sign3A_43 = arith.extui %sign3A_42 : i1 to i32
      %sign3A_44 = arith.constant 0 : i32
      %sign3A_45 = arith.cmpi slt, %jit3A, %sign3A_44 : i32
      %sign3A_46 = arith.extui %sign3A_45 : i1 to i32
      %sign3A_47 = arith.subi %sign3A_43, %sign3A_46 : i32
      %ne3A = arith.cmpi ne, %sign3A_40, %sign3A_47 : i32
      %rem3A = arith.remsi %add3A_34, %jit3A : i32
      %ne3A_48 = arith.constant 0 : i32
      %ne3A_49 = arith.cmpi ne, %rem3A, %ne3A_48 : i32
      %and3A = arith.andi %ne3A, %ne3A_49 : i1
      %sub3A = arith.constant 1 : i32
      %sub3A_50 = arith.subi %div3A, %sub3A : i32
      %select_n3A = arith.select %and3A, %sub3A_50, %div3A : i32
      "tpu.region"() ({
        %run_scoped3A_192 = tpu.sem_alloc : memref<!tpu.dma_semaphore, #tpu.memory_space<semaphore_mem>>
        %dma_start3A_193 = arith.constant 0 : i32
        %dma_start3A_194 = arith.constant 0 : i32
        %dma_start3A_195 = tpu.memref_slice %arg3[%select_n3A, %dma_start3A_193, %dma_start3A_194] : memref<3456x1x128xi32, #tpu.memory_space<hbm>> -> memref<6x1x128xi32, #tpu.memory_space<hbm>>
        %dma_start3A_196 = arith.constant 0 : i32
        %dma_start3A_197 = arith.constant 0 : i32
        %dma_start3A_198 = tpu.memref_slice %arg3[%select_n3A, %dma_start3A_196, %dma_start3A_197] : memref<3456x1x128xi32, #tpu.memory_space<hbm>> -> memref<6x1x128xi32, #tpu.memory_space<hbm>>
        tpu.enqueue_dma source(%dma_start3A_198 : memref<6x1x128xi32, #tpu.memory_space<hbm>>) target(%arg6 : memref<6x1x128xi32, #tpu.memory_space<vmem>>) target_semaphore(%run_scoped3A_192 : memref<!tpu.dma_semaphore, #tpu.memory_space<semaphore_mem>>)
        %dma_wait3A_199 = arith.constant 0 : i32
        %dma_wait3A_200 = arith.constant 0 : i32
        %dma_wait3A_201 = tpu.memref_slice %arg3[%select_n3A, %dma_wait3A_199, %dma_wait3A_200] : memref<3456x1x128xi32, #tpu.memory_space<hbm>> -> memref<6x1x128xi32, #tpu.memory_space<hbm>>
        %dma_wait3A_202 = arith.constant 0 : i32
        %dma_wait3A_203 = arith.constant 0 : i32
        %dma_wait3A_204 = tpu.memref_slice %arg3[%select_n3A, %dma_wait3A_202, %dma_wait3A_203] : memref<3456x1x128xi32, #tpu.memory_space<hbm>> -> memref<6x1x128xi32, #tpu.memory_space<hbm>>
        tpu.wait_dma2 semaphore(%run_scoped3A_192 : memref<!tpu.dma_semaphore, #tpu.memory_space<semaphore_mem>>) src(%dma_wait3A_204 : memref<6x1x128xi32, #tpu.memory_space<hbm>>) dst(%arg6 : memref<6x1x128xi32, #tpu.memory_space<vmem>>)
        tpu.yield
      }) : () -> ()
      "tpu.region"() ({
        %run_scoped3A_192 = tpu.sem_alloc : memref<!tpu.dma_semaphore, #tpu.memory_space<semaphore_mem>>
        %dma_start3A_193 = arith.constant 0 : i32
        %dma_start3A_194 = arith.constant 0 : i32
        %dma_start3A_195 = tpu.memref_slice %arg4[%select_n3A, %dma_start3A_193, %dma_start3A_194] : memref<3456x1x128xi32, #tpu.memory_space<hbm>> -> memref<6x1x128xi32, #tpu.memory_space<hbm>>
        %dma_start3A_196 = arith.constant 0 : i32
        %dma_start3A_197 = arith.constant 0 : i32
        %dma_start3A_198 = tpu.memref_slice %arg4[%select_n3A, %dma_start3A_196, %dma_start3A_197] : memref<3456x1x128xi32, #tpu.memory_space<hbm>> -> memref<6x1x128xi32, #tpu.memory_space<hbm>>
        tpu.enqueue_dma source(%dma_start3A_198 : memref<6x1x128xi32, #tpu.memory_space<hbm>>) target(%arg7 : memref<6x1x128xi32, #tpu.memory_space<vmem>>) target_semaphore(%run_scoped3A_192 : memref<!tpu.dma_semaphore, #tpu.memory_space<semaphore_mem>>)
        %dma_wait3A_199 = arith.constant 0 : i32
        %dma_wait3A_200 = arith.constant 0 : i32
        %dma_wait3A_201 = tpu.memref_slice %arg4[%select_n3A, %dma_wait3A_199, %dma_wait3A_200] : memref<3456x1x128xi32, #tpu.memory_space<hbm>> -> memref<6x1x128xi32, #tpu.memory_space<hbm>>
        %dma_wait3A_202 = arith.constant 0 : i32
        %dma_wait3A_203 = arith.constant 0 : i32
        %dma_wait3A_204 = tpu.memref_slice %arg4[%select_n3A, %dma_wait3A_202, %dma_wait3A_203] : memref<3456x1x128xi32, #tpu.memory_space<hbm>> -> memref<6x1x128xi32, #tpu.memory_space<hbm>>
        tpu.wait_dma2 semaphore(%run_scoped3A_192 : memref<!tpu.dma_semaphore, #tpu.memory_space<semaphore_mem>>) src(%dma_wait3A_204 : memref<6x1x128xi32, #tpu.memory_space<hbm>>) dst(%arg7 : memref<6x1x128xi32, #tpu.memory_space<vmem>>)
        tpu.yield
      }) : () -> ()
      %dma_start3A = arith.constant 0 : i32
      %dma_start3A_51 = arith.constant 0 : i32
      %dma_start3A_52 = arith.constant 0 : i32
      %dma_start3A_53 = arith.constant 0 : i32
      %dma_start3A_54 = tpu.memref_slice %arg8[%dma_start3A_52, %dma_start3A_53] : memref<768x64xf32, #tpu.memory_space<vmem>> -> memref<128x64xf32, #tpu.memory_space<vmem>>
      %dma_start3A_55 = arith.constant 0 : i32
      %dma_start3A_56 = tpu.memref_slice %arg6[%dma_start3A, %dma_start3A_51, %dma_start3A_55] : memref<6x1x128xi32, #tpu.memory_space<vmem>> -> memref<1x1x128xi32, #tpu.memory_space<vmem>>
      %dma_start3A_57 = tpu.memref_squeeze %dma_start3A_56 : memref<1x1x128xi32, #tpu.memory_space<vmem>> -> memref<128xi32, #tpu.memory_space<vmem>>
      %dma_start3A_58 = arith.constant 0 : i32
      %dma_start3A_59 = arith.constant 0 : i32
      %dma_start3A_60 = tpu.memref_slice %arg2[%dma_start3A_58, %dma_start3A_59] : memref<442368x64xf32, #tpu.memory_space<hbm>> -> memref<442368x64xf32, #tpu.memory_space<hbm>>
      tpu.enqueue_indirect_dma source(%dma_start3A_60 : memref<442368x64xf32, #tpu.memory_space<hbm>>) target(%dma_start3A_54 : memref<128x64xf32, #tpu.memory_space<vmem>>) offsets(%dma_start3A_57 : memref<128xi32, #tpu.memory_space<vmem>>) semaphore(%arg10 : memref<!tpu.dma_semaphore, #tpu.memory_space<semaphore_mem>>)
      %dma_start3A_61 = arith.constant 1 : i32
      %dma_start3A_62 = arith.constant 0 : i32
      %dma_start3A_63 = arith.constant 128 : i32
      %dma_start3A_64 = arith.constant 0 : i32
      %dma_start3A_65 = tpu.memref_slice %arg8[%dma_start3A_63, %dma_start3A_64] : memref<768x64xf32, #tpu.memory_space<vmem>> -> memref<128x64xf32, #tpu.memory_space<vmem>>
      %dma_start3A_66 = arith.constant 0 : i32
      %dma_start3A_67 = tpu.memref_slice %arg6[%dma_start3A_61, %dma_start3A_62, %dma_start3A_66] : memref<6x1x128xi32, #tpu.memory_space<vmem>> -> memref<1x1x128xi32, #tpu.memory_space<vmem>>
      %dma_start3A_68 = tpu.memref_squeeze %dma_start3A_67 : memref<1x1x128xi32, #tpu.memory_space<vmem>> -> memref<128xi32, #tpu.memory_space<vmem>>
      %dma_start3A_69 = arith.constant 0 : i32
      %dma_start3A_70 = arith.constant 0 : i32
      %dma_start3A_71 = tpu.memref_slice %arg2[%dma_start3A_69, %dma_start3A_70] : memref<442368x64xf32, #tpu.memory_space<hbm>> -> memref<442368x64xf32, #tpu.memory_space<hbm>>
      tpu.enqueue_indirect_dma source(%dma_start3A_71 : memref<442368x64xf32, #tpu.memory_space<hbm>>) target(%dma_start3A_65 : memref<128x64xf32, #tpu.memory_space<vmem>>) offsets(%dma_start3A_68 : memref<128xi32, #tpu.memory_space<vmem>>) semaphore(%arg10 : memref<!tpu.dma_semaphore, #tpu.memory_space<semaphore_mem>>)
      %dma_start3A_72 = arith.constant 2 : i32
      %dma_start3A_73 = arith.constant 0 : i32
      %dma_start3A_74 = arith.constant 256 : i32
      %dma_start3A_75 = arith.constant 0 : i32
      %dma_start3A_76 = tpu.memref_slice %arg8[%dma_start3A_74, %dma_start3A_75] : memref<768x64xf32, #tpu.memory_space<vmem>> -> memref<128x64xf32, #tpu.memory_space<vmem>>
      %dma_start3A_77 = arith.constant 0 : i32
      %dma_start3A_78 = tpu.memref_slice %arg6[%dma_start3A_72, %dma_start3A_73, %dma_start3A_77] : memref<6x1x128xi32, #tpu.memory_space<vmem>> -> memref<1x1x128xi32, #tpu.memory_space<vmem>>
      %dma_start3A_79 = tpu.memref_squeeze %dma_start3A_78 : memref<1x1x128xi32, #tpu.memory_space<vmem>> -> memref<128xi32, #tpu.memory_space<vmem>>
      %dma_start3A_80 = arith.constant 0 : i32
      %dma_start3A_81 = arith.constant 0 : i32
      %dma_start3A_82 = tpu.memref_slice %arg2[%dma_start3A_80, %dma_start3A_81] : memref<442368x64xf32, #tpu.memory_space<hbm>> -> memref<442368x64xf32, #tpu.memory_space<hbm>>
      tpu.enqueue_indirect_dma source(%dma_start3A_82 : memref<442368x64xf32, #tpu.memory_space<hbm>>) target(%dma_start3A_76 : memref<128x64xf32, #tpu.memory_space<vmem>>) offsets(%dma_start3A_79 : memref<128xi32, #tpu.memory_space<vmem>>) semaphore(%arg10 : memref<!tpu.dma_semaphore, #tpu.memory_space<semaphore_mem>>)
      %dma_start3A_83 = arith.constant 3 : i32
      %dma_start3A_84 = arith.constant 0 : i32
      %dma_start3A_85 = arith.constant 384 : i32
      %dma_start3A_86 = arith.constant 0 : i32
      %dma_start3A_87 = tpu.memref_slice %arg8[%dma_start3A_85, %dma_start3A_86] : memref<768x64xf32, #tpu.memory_space<vmem>> -> memref<128x64xf32, #tpu.memory_space<vmem>>
      %dma_start3A_88 = arith.constant 0 : i32
      %dma_start3A_89 = tpu.memref_slice %arg6[%dma_start3A_83, %dma_start3A_84, %dma_start3A_88] : memref<6x1x128xi32, #tpu.memory_space<vmem>> -> memref<1x1x128xi32, #tpu.memory_space<vmem>>
      %dma_start3A_90 = tpu.memref_squeeze %dma_start3A_89 : memref<1x1x128xi32, #tpu.memory_space<vmem>> -> memref<128xi32, #tpu.memory_space<vmem>>
      %dma_start3A_91 = arith.constant 0 : i32
      %dma_start3A_92 = arith.constant 0 : i32
      %dma_start3A_93 = tpu.memref_slice %arg2[%dma_start3A_91, %dma_start3A_92] : memref<442368x64xf32, #tpu.memory_space<hbm>> -> memref<442368x64xf32, #tpu.memory_space<hbm>>
      tpu.enqueue_indirect_dma source(%dma_start3A_93 : memref<442368x64xf32, #tpu.memory_space<hbm>>) target(%dma_start3A_87 : memref<128x64xf32, #tpu.memory_space<vmem>>) offsets(%dma_start3A_90 : memref<128xi32, #tpu.memory_space<vmem>>) semaphore(%arg10 : memref<!tpu.dma_semaphore, #tpu.memory_space<semaphore_mem>>)
      %dma_start3A_94 = arith.constant 4 : i32
      %dma_start3A_95 = arith.constant 0 : i32
      %dma_start3A_96 = arith.constant 512 : i32
      %dma_start3A_97 = arith.constant 0 : i32
      %dma_start3A_98 = tpu.memref_slice %arg8[%dma_start3A_96, %dma_start3A_97] : memref<768x64xf32, #tpu.memory_space<vmem>> -> memref<128x64xf32, #tpu.memory_space<vmem>>
      %dma_start3A_99 = arith.constant 0 : i32
      %dma_start3A_100 = tpu.memref_slice %arg6[%dma_start3A_94, %dma_start3A_95, %dma_start3A_99] : memref<6x1x128xi32, #tpu.memory_space<vmem>> -> memref<1x1x128xi32, #tpu.memory_space<vmem>>
      %dma_start3A_101 = tpu.memref_squeeze %dma_start3A_100 : memref<1x1x128xi32, #tpu.memory_space<vmem>> -> memref<128xi32, #tpu.memory_space<vmem>>
      %dma_start3A_102 = arith.constant 0 : i32
      %dma_start3A_103 = arith.constant 0 : i32
      %dma_start3A_104 = tpu.memref_slice %arg2[%dma_start3A_102, %dma_start3A_103] : memref<442368x64xf32, #tpu.memory_space<hbm>> -> memref<442368x64xf32, #tpu.memory_space<hbm>>
      tpu.enqueue_indirect_dma source(%dma_start3A_104 : memref<442368x64xf32, #tpu.memory_space<hbm>>) target(%dma_start3A_98 : memref<128x64xf32, #tpu.memory_space<vmem>>) offsets(%dma_start3A_101 : memref<128xi32, #tpu.memory_space<vmem>>) semaphore(%arg10 : memref<!tpu.dma_semaphore, #tpu.memory_space<semaphore_mem>>)
      %dma_start3A_105 = arith.constant 5 : i32
      %dma_start3A_106 = arith.constant 0 : i32
      %dma_start3A_107 = arith.constant 640 : i32
      %dma_start3A_108 = arith.constant 0 : i32
      %dma_start3A_109 = tpu.memref_slice %arg8[%dma_start3A_107, %dma_start3A_108] : memref<768x64xf32, #tpu.memory_space<vmem>> -> memref<128x64xf32, #tpu.memory_space<vmem>>
      %dma_start3A_110 = arith.constant 0 : i32
      %dma_start3A_111 = tpu.memref_slice %arg6[%dma_start3A_105, %dma_start3A_106, %dma_start3A_110] : memref<6x1x128xi32, #tpu.memory_space<vmem>> -> memref<1x1x128xi32, #tpu.memory_space<vmem>>
      %dma_start3A_112 = tpu.memref_squeeze %dma_start3A_111 : memref<1x1x128xi32, #tpu.memory_space<vmem>> -> memref<128xi32, #tpu.memory_space<vmem>>
      %dma_start3A_113 = arith.constant 0 : i32
      %dma_start3A_114 = arith.constant 0 : i32
      %dma_start3A_115 = tpu.memref_slice %arg2[%dma_start3A_113, %dma_start3A_114] : memref<442368x64xf32, #tpu.memory_space<hbm>> -> memref<442368x64xf32, #tpu.memory_space<hbm>>
      tpu.enqueue_indirect_dma source(%dma_start3A_115 : memref<442368x64xf32, #tpu.memory_space<hbm>>) target(%dma_start3A_109 : memref<128x64xf32, #tpu.memory_space<vmem>>) offsets(%dma_start3A_112 : memref<128xi32, #tpu.memory_space<vmem>>) semaphore(%arg10 : memref<!tpu.dma_semaphore, #tpu.memory_space<semaphore_mem>>)
      %dma_wait3A = arith.constant 0 : i32
      %dma_wait3A_116 = arith.constant 0 : i32
      %dma_wait3A_117 = arith.constant 0 : i32
      %dma_wait3A_118 = arith.constant 0 : i32
      %dma_wait3A_119 = tpu.memref_slice %arg8[%dma_wait3A_117, %dma_wait3A_118] : memref<768x64xf32, #tpu.memory_space<vmem>> -> memref<128x64xf32, #tpu.memory_space<vmem>>
      %dma_wait3A_120 = arith.constant 0 : i32
      %dma_wait3A_121 = tpu.memref_slice %arg6[%dma_wait3A, %dma_wait3A_116, %dma_wait3A_120] : memref<6x1x128xi32, #tpu.memory_space<vmem>> -> memref<1x1x128xi32, #tpu.memory_space<vmem>>
      %dma_wait3A_122 = tpu.memref_squeeze %dma_wait3A_121 : memref<1x1x128xi32, #tpu.memory_space<vmem>> -> memref<128xi32, #tpu.memory_space<vmem>>
      %dma_wait3A_123 = arith.constant 0 : i32
      %dma_wait3A_124 = arith.constant 0 : i32
      %dma_wait3A_125 = tpu.memref_slice %arg2[%dma_wait3A_123, %dma_wait3A_124] : memref<442368x64xf32, #tpu.memory_space<hbm>> -> memref<442368x64xf32, #tpu.memory_space<hbm>>
      tpu.wait_indirect_dma semaphore(%arg10 : memref<!tpu.dma_semaphore, #tpu.memory_space<semaphore_mem>>) src(%dma_wait3A_125 : memref<442368x64xf32, #tpu.memory_space<hbm>>) dst(%dma_wait3A_119 : memref<128x64xf32, #tpu.memory_space<vmem>>)
      %dma_wait3A_126 = arith.constant 1 : i32
      %dma_wait3A_127 = arith.constant 0 : i32
      %dma_wait3A_128 = arith.constant 128 : i32
      %dma_wait3A_129 = arith.constant 0 : i32
      %dma_wait3A_130 = tpu.memref_slice %arg8[%dma_wait3A_128, %dma_wait3A_129] : memref<768x64xf32, #tpu.memory_space<vmem>> -> memref<128x64xf32, #tpu.memory_space<vmem>>
      %dma_wait3A_131 = arith.constant 0 : i32
      %dma_wait3A_132 = tpu.memref_slice %arg6[%dma_wait3A_126, %dma_wait3A_127, %dma_wait3A_131] : memref<6x1x128xi32, #tpu.memory_space<vmem>> -> memref<1x1x128xi32, #tpu.memory_space<vmem>>
      %dma_wait3A_133 = tpu.memref_squeeze %dma_wait3A_132 : memref<1x1x128xi32, #tpu.memory_space<vmem>> -> memref<128xi32, #tpu.memory_space<vmem>>
      %dma_wait3A_134 = arith.constant 0 : i32
      %dma_wait3A_135 = arith.constant 0 : i32
      %dma_wait3A_136 = tpu.memref_slice %arg2[%dma_wait3A_134, %dma_wait3A_135] : memref<442368x64xf32, #tpu.memory_space<hbm>> -> memref<442368x64xf32, #tpu.memory_space<hbm>>
      tpu.wait_indirect_dma semaphore(%arg10 : memref<!tpu.dma_semaphore, #tpu.memory_space<semaphore_mem>>) src(%dma_wait3A_136 : memref<442368x64xf32, #tpu.memory_space<hbm>>) dst(%dma_wait3A_130 : memref<128x64xf32, #tpu.memory_space<vmem>>)
      %dma_wait3A_137 = arith.constant 2 : i32
      %dma_wait3A_138 = arith.constant 0 : i32
      %dma_wait3A_139 = arith.constant 256 : i32
      %dma_wait3A_140 = arith.constant 0 : i32
      %dma_wait3A_141 = tpu.memref_slice %arg8[%dma_wait3A_139, %dma_wait3A_140] : memref<768x64xf32, #tpu.memory_space<vmem>> -> memref<128x64xf32, #tpu.memory_space<vmem>>
      %dma_wait3A_142 = arith.constant 0 : i32
      %dma_wait3A_143 = tpu.memref_slice %arg6[%dma_wait3A_137, %dma_wait3A_138, %dma_wait3A_142] : memref<6x1x128xi32, #tpu.memory_space<vmem>> -> memref<1x1x128xi32, #tpu.memory_space<vmem>>
      %dma_wait3A_144 = tpu.memref_squeeze %dma_wait3A_143 : memref<1x1x128xi32, #tpu.memory_space<vmem>> -> memref<128xi32, #tpu.memory_space<vmem>>
      %dma_wait3A_145 = arith.constant 0 : i32
      %dma_wait3A_146 = arith.constant 0 : i32
      %dma_wait3A_147 = tpu.memref_slice %arg2[%dma_wait3A_145, %dma_wait3A_146] : memref<442368x64xf32, #tpu.memory_space<hbm>> -> memref<442368x64xf32, #tpu.memory_space<hbm>>
      tpu.wait_indirect_dma semaphore(%arg10 : memref<!tpu.dma_semaphore, #tpu.memory_space<semaphore_mem>>) src(%dma_wait3A_147 : memref<442368x64xf32, #tpu.memory_space<hbm>>) dst(%dma_wait3A_141 : memref<128x64xf32, #tpu.memory_space<vmem>>)
      %dma_wait3A_148 = arith.constant 3 : i32
      %dma_wait3A_149 = arith.constant 0 : i32
      %dma_wait3A_150 = arith.constant 384 : i32
      %dma_wait3A_151 = arith.constant 0 : i32
      %dma_wait3A_152 = tpu.memref_slice %arg8[%dma_wait3A_150, %dma_wait3A_151] : memref<768x64xf32, #tpu.memory_space<vmem>> -> memref<128x64xf32, #tpu.memory_space<vmem>>
      %dma_wait3A_153 = arith.constant 0 : i32
      %dma_wait3A_154 = tpu.memref_slice %arg6[%dma_wait3A_148, %dma_wait3A_149, %dma_wait3A_153] : memref<6x1x128xi32, #tpu.memory_space<vmem>> -> memref<1x1x128xi32, #tpu.memory_space<vmem>>
      %dma_wait3A_155 = tpu.memref_squeeze %dma_wait3A_154 : memref<1x1x128xi32, #tpu.memory_space<vmem>> -> memref<128xi32, #tpu.memory_space<vmem>>
      %dma_wait3A_156 = arith.constant 0 : i32
      %dma_wait3A_157 = arith.constant 0 : i32
      %dma_wait3A_158 = tpu.memref_slice %arg2[%dma_wait3A_156, %dma_wait3A_157] : memref<442368x64xf32, #tpu.memory_space<hbm>> -> memref<442368x64xf32, #tpu.memory_space<hbm>>
      tpu.wait_indirect_dma semaphore(%arg10 : memref<!tpu.dma_semaphore, #tpu.memory_space<semaphore_mem>>) src(%dma_wait3A_158 : memref<442368x64xf32, #tpu.memory_space<hbm>>) dst(%dma_wait3A_152 : memref<128x64xf32, #tpu.memory_space<vmem>>)
      %dma_wait3A_159 = arith.constant 4 : i32
      %dma_wait3A_160 = arith.constant 0 : i32
      %dma_wait3A_161 = arith.constant 512 : i32
      %dma_wait3A_162 = arith.constant 0 : i32
      %dma_wait3A_163 = tpu.memref_slice %arg8[%dma_wait3A_161, %dma_wait3A_162] : memref<768x64xf32, #tpu.memory_space<vmem>> -> memref<128x64xf32, #tpu.memory_space<vmem>>
      %dma_wait3A_164 = arith.constant 0 : i32
      %dma_wait3A_165 = tpu.memref_slice %arg6[%dma_wait3A_159, %dma_wait3A_160, %dma_wait3A_164] : memref<6x1x128xi32, #tpu.memory_space<vmem>> -> memref<1x1x128xi32, #tpu.memory_space<vmem>>
      %dma_wait3A_166 = tpu.memref_squeeze %dma_wait3A_165 : memref<1x1x128xi32, #tpu.memory_space<vmem>> -> memref<128xi32, #tpu.memory_space<vmem>>
      %dma_wait3A_167 = arith.constant 0 : i32
      %dma_wait3A_168 = arith.constant 0 : i32
      %dma_wait3A_169 = tpu.memref_slice %arg2[%dma_wait3A_167, %dma_wait3A_168] : memref<442368x64xf32, #tpu.memory_space<hbm>> -> memref<442368x64xf32, #tpu.memory_space<hbm>>
      tpu.wait_indirect_dma semaphore(%arg10 : memref<!tpu.dma_semaphore, #tpu.memory_space<semaphore_mem>>) src(%dma_wait3A_169 : memref<442368x64xf32, #tpu.memory_space<hbm>>) dst(%dma_wait3A_163 : memref<128x64xf32, #tpu.memory_space<vmem>>)
      %dma_wait3A_170 = arith.constant 5 : i32
      %dma_wait3A_171 = arith.constant 0 : i32
      %dma_wait3A_172 = arith.constant 640 : i32
      %dma_wait3A_173 = arith.constant 0 : i32
      %dma_wait3A_174 = tpu.memref_slice %arg8[%dma_wait3A_172, %dma_wait3A_173] : memref<768x64xf32, #tpu.memory_space<vmem>> -> memref<128x64xf32, #tpu.memory_space<vmem>>
      %dma_wait3A_175 = arith.constant 0 : i32
      %dma_wait3A_176 = tpu.memref_slice %arg6[%dma_wait3A_170, %dma_wait3A_171, %dma_wait3A_175] : memref<6x1x128xi32, #tpu.memory_space<vmem>> -> memref<1x1x128xi32, #tpu.memory_space<vmem>>
      %dma_wait3A_177 = tpu.memref_squeeze %dma_wait3A_176 : memref<1x1x128xi32, #tpu.memory_space<vmem>> -> memref<128xi32, #tpu.memory_space<vmem>>
      %dma_wait3A_178 = arith.constant 0 : i32
      %dma_wait3A_179 = arith.constant 0 : i32
      %dma_wait3A_180 = tpu.memref_slice %arg2[%dma_wait3A_178, %dma_wait3A_179] : memref<442368x64xf32, #tpu.memory_space<hbm>> -> memref<442368x64xf32, #tpu.memory_space<hbm>>
      tpu.wait_indirect_dma semaphore(%arg10 : memref<!tpu.dma_semaphore, #tpu.memory_space<semaphore_mem>>) src(%dma_wait3A_180 : memref<442368x64xf32, #tpu.memory_space<hbm>>) dst(%dma_wait3A_174 : memref<128x64xf32, #tpu.memory_space<vmem>>)
      %run_scoped3A = arith.constant 0 : i32
      %run_scoped3A_181 = arith.constant 0 : i32
      "tpu.region"() ({
        %run_scoped3A_192 = tpu.sem_alloc : memref<!tpu.dma_semaphore, #tpu.memory_space<semaphore_mem>>
        %dma_start3A_193 = arith.constant 0 : i32
        %dma_start3A_194 = arith.constant 0 : i32
        %dma_start3A_195 = tpu.memref_slice %arg8[%dma_start3A_193, %dma_start3A_194] : memref<768x64xf32, #tpu.memory_space<vmem>> -> memref<128x64xf32, #tpu.memory_space<vmem>>
        %dma_start3A_196 = arith.constant 0 : i32
        %dma_start3A_197 = tpu.memref_slice %arg7[%run_scoped3A, %run_scoped3A_181, %dma_start3A_196] : memref<6x1x128xi32, #tpu.memory_space<vmem>> -> memref<1x1x128xi32, #tpu.memory_space<vmem>>
        %dma_start3A_198 = tpu.memref_squeeze %dma_start3A_197 : memref<1x1x128xi32, #tpu.memory_space<vmem>> -> memref<128xi32, #tpu.memory_space<vmem>>
        %dma_start3A_199 = arith.constant 0 : i32
        %dma_start3A_200 = arith.constant 0 : i32
        %dma_start3A_201 = tpu.memref_slice %arg9[%dma_start3A_199, %dma_start3A_200] : memref<16384x64xf32, #tpu.memory_space<vmem_shared>> -> memref<16384x64xf32, #tpu.memory_space<vmem_shared>>
        tpu.enqueue_indirect_dma source(%dma_start3A_195 : memref<128x64xf32, #tpu.memory_space<vmem>>) target(%dma_start3A_201 : memref<16384x64xf32, #tpu.memory_space<vmem_shared>>) offsets(%dma_start3A_198 : memref<128xi32, #tpu.memory_space<vmem>>) semaphore(%run_scoped3A_192 : memref<!tpu.dma_semaphore, #tpu.memory_space<semaphore_mem>>) {add = true}
        %dma_wait3A_202 = arith.constant 0 : i32
        %dma_wait3A_203 = arith.constant 0 : i32
        %dma_wait3A_204 = tpu.memref_slice %arg8[%dma_wait3A_202, %dma_wait3A_203] : memref<768x64xf32, #tpu.memory_space<vmem>> -> memref<128x64xf32, #tpu.memory_space<vmem>>
        %dma_wait3A_205 = arith.constant 0 : i32
        %dma_wait3A_206 = tpu.memref_slice %arg7[%run_scoped3A, %run_scoped3A_181, %dma_wait3A_205] : memref<6x1x128xi32, #tpu.memory_space<vmem>> -> memref<1x1x128xi32, #tpu.memory_space<vmem>>
        %dma_wait3A_207 = tpu.memref_squeeze %dma_wait3A_206 : memref<1x1x128xi32, #tpu.memory_space<vmem>> -> memref<128xi32, #tpu.memory_space<vmem>>
        %dma_wait3A_208 = arith.constant 0 : i32
        %dma_wait3A_209 = arith.constant 0 : i32
        %dma_wait3A_210 = tpu.memref_slice %arg9[%dma_wait3A_208, %dma_wait3A_209] : memref<16384x64xf32, #tpu.memory_space<vmem_shared>> -> memref<16384x64xf32, #tpu.memory_space<vmem_shared>>
        tpu.wait_indirect_dma semaphore(%run_scoped3A_192 : memref<!tpu.dma_semaphore, #tpu.memory_space<semaphore_mem>>) src(%dma_wait3A_204 : memref<128x64xf32, #tpu.memory_space<vmem>>) dst(%dma_wait3A_210 : memref<16384x64xf32, #tpu.memory_space<vmem_shared>>)
        tpu.yield
      }) : () -> ()
      %run_scoped3A_182 = arith.constant 1 : i32
      %run_scoped3A_183 = arith.constant 0 : i32
      "tpu.region"() ({
        %run_scoped3A_192 = tpu.sem_alloc : memref<!tpu.dma_semaphore, #tpu.memory_space<semaphore_mem>>
        %dma_start3A_193 = arith.constant 128 : i32
        %dma_start3A_194 = arith.constant 0 : i32
        %dma_start3A_195 = tpu.memref_slice %arg8[%dma_start3A_193, %dma_start3A_194] : memref<768x64xf32, #tpu.memory_space<vmem>> -> memref<128x64xf32, #tpu.memory_space<vmem>>
        %dma_start3A_196 = arith.constant 0 : i32
        %dma_start3A_197 = tpu.memref_slice %arg7[%run_scoped3A_182, %run_scoped3A_183, %dma_start3A_196] : memref<6x1x128xi32, #tpu.memory_space<vmem>> -> memref<1x1x128xi32, #tpu.memory_space<vmem>>
        %dma_start3A_198 = tpu.memref_squeeze %dma_start3A_197 : memref<1x1x128xi32, #tpu.memory_space<vmem>> -> memref<128xi32, #tpu.memory_space<vmem>>
        %dma_start3A_199 = arith.constant 0 : i32
        %dma_start3A_200 = arith.constant 0 : i32
        %dma_start3A_201 = tpu.memref_slice %arg9[%dma_start3A_199, %dma_start3A_200] : memref<16384x64xf32, #tpu.memory_space<vmem_shared>> -> memref<16384x64xf32, #tpu.memory_space<vmem_shared>>
        tpu.enqueue_indirect_dma source(%dma_start3A_195 : memref<128x64xf32, #tpu.memory_space<vmem>>) target(%dma_start3A_201 : memref<16384x64xf32, #tpu.memory_space<vmem_shared>>) offsets(%dma_start3A_198 : memref<128xi32, #tpu.memory_space<vmem>>) semaphore(%run_scoped3A_192 : memref<!tpu.dma_semaphore, #tpu.memory_space<semaphore_mem>>) {add = true}
        %dma_wait3A_202 = arith.constant 128 : i32
        %dma_wait3A_203 = arith.constant 0 : i32
        %dma_wait3A_204 = tpu.memref_slice %arg8[%dma_wait3A_202, %dma_wait3A_203] : memref<768x64xf32, #tpu.memory_space<vmem>> -> memref<128x64xf32, #tpu.memory_space<vmem>>
        %dma_wait3A_205 = arith.constant 0 : i32
        %dma_wait3A_206 = tpu.memref_slice %arg7[%run_scoped3A_182, %run_scoped3A_183, %dma_wait3A_205] : memref<6x1x128xi32, #tpu.memory_space<vmem>> -> memref<1x1x128xi32, #tpu.memory_space<vmem>>
        %dma_wait3A_207 = tpu.memref_squeeze %dma_wait3A_206 : memref<1x1x128xi32, #tpu.memory_space<vmem>> -> memref<128xi32, #tpu.memory_space<vmem>>
        %dma_wait3A_208 = arith.constant 0 : i32
        %dma_wait3A_209 = arith.constant 0 : i32
        %dma_wait3A_210 = tpu.memref_slice %arg9[%dma_wait3A_208, %dma_wait3A_209] : memref<16384x64xf32, #tpu.memory_space<vmem_shared>> -> memref<16384x64xf32, #tpu.memory_space<vmem_shared>>
        tpu.wait_indirect_dma semaphore(%run_scoped3A_192 : memref<!tpu.dma_semaphore, #tpu.memory_space<semaphore_mem>>) src(%dma_wait3A_204 : memref<128x64xf32, #tpu.memory_space<vmem>>) dst(%dma_wait3A_210 : memref<16384x64xf32, #tpu.memory_space<vmem_shared>>)
        tpu.yield
      }) : () -> ()
      %run_scoped3A_184 = arith.constant 2 : i32
      %run_scoped3A_185 = arith.constant 0 : i32
      "tpu.region"() ({
        %run_scoped3A_192 = tpu.sem_alloc : memref<!tpu.dma_semaphore, #tpu.memory_space<semaphore_mem>>
        %dma_start3A_193 = arith.constant 256 : i32
        %dma_start3A_194 = arith.constant 0 : i32
        %dma_start3A_195 = tpu.memref_slice %arg8[%dma_start3A_193, %dma_start3A_194] : memref<768x64xf32, #tpu.memory_space<vmem>> -> memref<128x64xf32, #tpu.memory_space<vmem>>
        %dma_start3A_196 = arith.constant 0 : i32
        %dma_start3A_197 = tpu.memref_slice %arg7[%run_scoped3A_184, %run_scoped3A_185, %dma_start3A_196] : memref<6x1x128xi32, #tpu.memory_space<vmem>> -> memref<1x1x128xi32, #tpu.memory_space<vmem>>
        %dma_start3A_198 = tpu.memref_squeeze %dma_start3A_197 : memref<1x1x128xi32, #tpu.memory_space<vmem>> -> memref<128xi32, #tpu.memory_space<vmem>>
        %dma_start3A_199 = arith.constant 0 : i32
        %dma_start3A_200 = arith.constant 0 : i32
        %dma_start3A_201 = tpu.memref_slice %arg9[%dma_start3A_199, %dma_start3A_200] : memref<16384x64xf32, #tpu.memory_space<vmem_shared>> -> memref<16384x64xf32, #tpu.memory_space<vmem_shared>>
        tpu.enqueue_indirect_dma source(%dma_start3A_195 : memref<128x64xf32, #tpu.memory_space<vmem>>) target(%dma_start3A_201 : memref<16384x64xf32, #tpu.memory_space<vmem_shared>>) offsets(%dma_start3A_198 : memref<128xi32, #tpu.memory_space<vmem>>) semaphore(%run_scoped3A_192 : memref<!tpu.dma_semaphore, #tpu.memory_space<semaphore_mem>>) {add = true}
        %dma_wait3A_202 = arith.constant 256 : i32
        %dma_wait3A_203 = arith.constant 0 : i32
        %dma_wait3A_204 = tpu.memref_slice %arg8[%dma_wait3A_202, %dma_wait3A_203] : memref<768x64xf32, #tpu.memory_space<vmem>> -> memref<128x64xf32, #tpu.memory_space<vmem>>
        %dma_wait3A_205 = arith.constant 0 : i32
        %dma_wait3A_206 = tpu.memref_slice %arg7[%run_scoped3A_184, %run_scoped3A_185, %dma_wait3A_205] : memref<6x1x128xi32, #tpu.memory_space<vmem>> -> memref<1x1x128xi32, #tpu.memory_space<vmem>>
        %dma_wait3A_207 = tpu.memref_squeeze %dma_wait3A_206 : memref<1x1x128xi32, #tpu.memory_space<vmem>> -> memref<128xi32, #tpu.memory_space<vmem>>
        %dma_wait3A_208 = arith.constant 0 : i32
        %dma_wait3A_209 = arith.constant 0 : i32
        %dma_wait3A_210 = tpu.memref_slice %arg9[%dma_wait3A_208, %dma_wait3A_209] : memref<16384x64xf32, #tpu.memory_space<vmem_shared>> -> memref<16384x64xf32, #tpu.memory_space<vmem_shared>>
        tpu.wait_indirect_dma semaphore(%run_scoped3A_192 : memref<!tpu.dma_semaphore, #tpu.memory_space<semaphore_mem>>) src(%dma_wait3A_204 : memref<128x64xf32, #tpu.memory_space<vmem>>) dst(%dma_wait3A_210 : memref<16384x64xf32, #tpu.memory_space<vmem_shared>>)
        tpu.yield
      }) : () -> ()
      %run_scoped3A_186 = arith.constant 3 : i32
      %run_scoped3A_187 = arith.constant 0 : i32
      "tpu.region"() ({
        %run_scoped3A_192 = tpu.sem_alloc : memref<!tpu.dma_semaphore, #tpu.memory_space<semaphore_mem>>
        %dma_start3A_193 = arith.constant 384 : i32
        %dma_start3A_194 = arith.constant 0 : i32
        %dma_start3A_195 = tpu.memref_slice %arg8[%dma_start3A_193, %dma_start3A_194] : memref<768x64xf32, #tpu.memory_space<vmem>> -> memref<128x64xf32, #tpu.memory_space<vmem>>
        %dma_start3A_196 = arith.constant 0 : i32
        %dma_start3A_197 = tpu.memref_slice %arg7[%run_scoped3A_186, %run_scoped3A_187, %dma_start3A_196] : memref<6x1x128xi32, #tpu.memory_space<vmem>> -> memref<1x1x128xi32, #tpu.memory_space<vmem>>
        %dma_start3A_198 = tpu.memref_squeeze %dma_start3A_197 : memref<1x1x128xi32, #tpu.memory_space<vmem>> -> memref<128xi32, #tpu.memory_space<vmem>>
        %dma_start3A_199 = arith.constant 0 : i32
        %dma_start3A_200 = arith.constant 0 : i32
        %dma_start3A_201 = tpu.memref_slice %arg9[%dma_start3A_199, %dma_start3A_200] : memref<16384x64xf32, #tpu.memory_space<vmem_shared>> -> memref<16384x64xf32, #tpu.memory_space<vmem_shared>>
        tpu.enqueue_indirect_dma source(%dma_start3A_195 : memref<128x64xf32, #tpu.memory_space<vmem>>) target(%dma_start3A_201 : memref<16384x64xf32, #tpu.memory_space<vmem_shared>>) offsets(%dma_start3A_198 : memref<128xi32, #tpu.memory_space<vmem>>) semaphore(%run_scoped3A_192 : memref<!tpu.dma_semaphore, #tpu.memory_space<semaphore_mem>>) {add = true}
        %dma_wait3A_202 = arith.constant 384 : i32
        %dma_wait3A_203 = arith.constant 0 : i32
        %dma_wait3A_204 = tpu.memref_slice %arg8[%dma_wait3A_202, %dma_wait3A_203] : memref<768x64xf32, #tpu.memory_space<vmem>> -> memref<128x64xf32, #tpu.memory_space<vmem>>
        %dma_wait3A_205 = arith.constant 0 : i32
        %dma_wait3A_206 = tpu.memref_slice %arg7[%run_scoped3A_186, %run_scoped3A_187, %dma_wait3A_205] : memref<6x1x128xi32, #tpu.memory_space<vmem>> -> memref<1x1x128xi32, #tpu.memory_space<vmem>>
        %dma_wait3A_207 = tpu.memref_squeeze %dma_wait3A_206 : memref<1x1x128xi32, #tpu.memory_space<vmem>> -> memref<128xi32, #tpu.memory_space<vmem>>
        %dma_wait3A_208 = arith.constant 0 : i32
        %dma_wait3A_209 = arith.constant 0 : i32
        %dma_wait3A_210 = tpu.memref_slice %arg9[%dma_wait3A_208, %dma_wait3A_209] : memref<16384x64xf32, #tpu.memory_space<vmem_shared>> -> memref<16384x64xf32, #tpu.memory_space<vmem_shared>>
        tpu.wait_indirect_dma semaphore(%run_scoped3A_192 : memref<!tpu.dma_semaphore, #tpu.memory_space<semaphore_mem>>) src(%dma_wait3A_204 : memref<128x64xf32, #tpu.memory_space<vmem>>) dst(%dma_wait3A_210 : memref<16384x64xf32, #tpu.memory_space<vmem_shared>>)
        tpu.yield
      }) : () -> ()
      %run_scoped3A_188 = arith.constant 4 : i32
      %run_scoped3A_189 = arith.constant 0 : i32
      "tpu.region"() ({
        %run_scoped3A_192 = tpu.sem_alloc : memref<!tpu.dma_semaphore, #tpu.memory_space<semaphore_mem>>
        %dma_start3A_193 = arith.constant 512 : i32
        %dma_start3A_194 = arith.constant 0 : i32
        %dma_start3A_195 = tpu.memref_slice %arg8[%dma_start3A_193, %dma_start3A_194] : memref<768x64xf32, #tpu.memory_space<vmem>> -> memref<128x64xf32, #tpu.memory_space<vmem>>
        %dma_start3A_196 = arith.constant 0 : i32
        %dma_start3A_197 = tpu.memref_slice %arg7[%run_scoped3A_188, %run_scoped3A_189, %dma_start3A_196] : memref<6x1x128xi32, #tpu.memory_space<vmem>> -> memref<1x1x128xi32, #tpu.memory_space<vmem>>
        %dma_start3A_198 = tpu.memref_squeeze %dma_start3A_197 : memref<1x1x128xi32, #tpu.memory_space<vmem>> -> memref<128xi32, #tpu.memory_space<vmem>>
        %dma_start3A_199 = arith.constant 0 : i32
        %dma_start3A_200 = arith.constant 0 : i32
        %dma_start3A_201 = tpu.memref_slice %arg9[%dma_start3A_199, %dma_start3A_200] : memref<16384x64xf32, #tpu.memory_space<vmem_shared>> -> memref<16384x64xf32, #tpu.memory_space<vmem_shared>>
        tpu.enqueue_indirect_dma source(%dma_start3A_195 : memref<128x64xf32, #tpu.memory_space<vmem>>) target(%dma_start3A_201 : memref<16384x64xf32, #tpu.memory_space<vmem_shared>>) offsets(%dma_start3A_198 : memref<128xi32, #tpu.memory_space<vmem>>) semaphore(%run_scoped3A_192 : memref<!tpu.dma_semaphore, #tpu.memory_space<semaphore_mem>>) {add = true}
        %dma_wait3A_202 = arith.constant 512 : i32
        %dma_wait3A_203 = arith.constant 0 : i32
        %dma_wait3A_204 = tpu.memref_slice %arg8[%dma_wait3A_202, %dma_wait3A_203] : memref<768x64xf32, #tpu.memory_space<vmem>> -> memref<128x64xf32, #tpu.memory_space<vmem>>
        %dma_wait3A_205 = arith.constant 0 : i32
        %dma_wait3A_206 = tpu.memref_slice %arg7[%run_scoped3A_188, %run_scoped3A_189, %dma_wait3A_205] : memref<6x1x128xi32, #tpu.memory_space<vmem>> -> memref<1x1x128xi32, #tpu.memory_space<vmem>>
        %dma_wait3A_207 = tpu.memref_squeeze %dma_wait3A_206 : memref<1x1x128xi32, #tpu.memory_space<vmem>> -> memref<128xi32, #tpu.memory_space<vmem>>
        %dma_wait3A_208 = arith.constant 0 : i32
        %dma_wait3A_209 = arith.constant 0 : i32
        %dma_wait3A_210 = tpu.memref_slice %arg9[%dma_wait3A_208, %dma_wait3A_209] : memref<16384x64xf32, #tpu.memory_space<vmem_shared>> -> memref<16384x64xf32, #tpu.memory_space<vmem_shared>>
        tpu.wait_indirect_dma semaphore(%run_scoped3A_192 : memref<!tpu.dma_semaphore, #tpu.memory_space<semaphore_mem>>) src(%dma_wait3A_204 : memref<128x64xf32, #tpu.memory_space<vmem>>) dst(%dma_wait3A_210 : memref<16384x64xf32, #tpu.memory_space<vmem_shared>>)
        tpu.yield
      }) : () -> ()
      %run_scoped3A_190 = arith.constant 5 : i32
      %run_scoped3A_191 = arith.constant 0 : i32
      "tpu.region"() ({
        %run_scoped3A_192 = tpu.sem_alloc : memref<!tpu.dma_semaphore, #tpu.memory_space<semaphore_mem>>
        %dma_start3A_193 = arith.constant 640 : i32
        %dma_start3A_194 = arith.constant 0 : i32
        %dma_start3A_195 = tpu.memref_slice %arg8[%dma_start3A_193, %dma_start3A_194] : memref<768x64xf32, #tpu.memory_space<vmem>> -> memref<128x64xf32, #tpu.memory_space<vmem>>
        %dma_start3A_196 = arith.constant 0 : i32
        %dma_start3A_197 = tpu.memref_slice %arg7[%run_scoped3A_190, %run_scoped3A_191, %dma_start3A_196] : memref<6x1x128xi32, #tpu.memory_space<vmem>> -> memref<1x1x128xi32, #tpu.memory_space<vmem>>
        %dma_start3A_198 = tpu.memref_squeeze %dma_start3A_197 : memref<1x1x128xi32, #tpu.memory_space<vmem>> -> memref<128xi32, #tpu.memory_space<vmem>>
        %dma_start3A_199 = arith.constant 0 : i32
        %dma_start3A_200 = arith.constant 0 : i32
        %dma_start3A_201 = tpu.memref_slice %arg9[%dma_start3A_199, %dma_start3A_200] : memref<16384x64xf32, #tpu.memory_space<vmem_shared>> -> memref<16384x64xf32, #tpu.memory_space<vmem_shared>>
        tpu.enqueue_indirect_dma source(%dma_start3A_195 : memref<128x64xf32, #tpu.memory_space<vmem>>) target(%dma_start3A_201 : memref<16384x64xf32, #tpu.memory_space<vmem_shared>>) offsets(%dma_start3A_198 : memref<128xi32, #tpu.memory_space<vmem>>) semaphore(%run_scoped3A_192 : memref<!tpu.dma_semaphore, #tpu.memory_space<semaphore_mem>>) {add = true}
        %dma_wait3A_202 = arith.constant 640 : i32
        %dma_wait3A_203 = arith.constant 0 : i32
        %dma_wait3A_204 = tpu.memref_slice %arg8[%dma_wait3A_202, %dma_wait3A_203] : memref<768x64xf32, #tpu.memory_space<vmem>> -> memref<128x64xf32, #tpu.memory_space<vmem>>
        %dma_wait3A_205 = arith.constant 0 : i32
        %dma_wait3A_206 = tpu.memref_slice %arg7[%run_scoped3A_190, %run_scoped3A_191, %dma_wait3A_205] : memref<6x1x128xi32, #tpu.memory_space<vmem>> -> memref<1x1x128xi32, #tpu.memory_space<vmem>>
        %dma_wait3A_207 = tpu.memref_squeeze %dma_wait3A_206 : memref<1x1x128xi32, #tpu.memory_space<vmem>> -> memref<128xi32, #tpu.memory_space<vmem>>
        %dma_wait3A_208 = arith.constant 0 : i32
        %dma_wait3A_209 = arith.constant 0 : i32
        %dma_wait3A_210 = tpu.memref_slice %arg9[%dma_wait3A_208, %dma_wait3A_209] : memref<16384x64xf32, #tpu.memory_space<vmem_shared>> -> memref<16384x64xf32, #tpu.memory_space<vmem_shared>>
        tpu.wait_indirect_dma semaphore(%run_scoped3A_192 : memref<!tpu.dma_semaphore, #tpu.memory_space<semaphore_mem>>) src(%dma_wait3A_204 : memref<128x64xf32, #tpu.memory_space<vmem>>) dst(%dma_wait3A_210 : memref<16384x64xf32, #tpu.memory_space<vmem_shared>>)
        tpu.yield
      }) : () -> ()
    }
    %scan3A_20 = arith.constant 18 : i32
    %barrier3A_21 = arith.constant 0 : index
    tpu.barrier barrier_id(%barrier3A_21)
    %mul3A_22 = arith.constant 1024 : i32
    %mul3A_23 = arith.muli %arg1, %mul3A_22 : i32
    %mul3A_24 = arith.constant 16384 : i32
    %mul3A_25 = arith.muli %arg0, %mul3A_24 : i32
    %mul3A_26 = arith.constant 1024 : i32
    %mul3A_27 = arith.muli %arg1, %mul3A_26 : i32
    %add3A_28 = arith.addi %mul3A_25, %mul3A_27 : i32
    "tpu.region"() ({
      %run_scoped3A = tpu.sem_alloc : memref<!tpu.dma_semaphore, #tpu.memory_space<semaphore_mem>>
      %dma_start3A = arith.constant 0 : i32
      %dma_start3A_29 = tpu.memref_slice %arg5[%add3A_28, %dma_start3A] : memref<32768x64xf32, #tpu.memory_space<hbm>> -> memref<1024x64xf32, #tpu.memory_space<hbm>>
      %dma_start3A_30 = arith.constant 0 : i32
      %dma_start3A_31 = tpu.memref_slice %arg9[%mul3A_23, %dma_start3A_30] : memref<16384x64xf32, #tpu.memory_space<vmem_shared>> -> memref<1024x64xf32, #tpu.memory_space<vmem_shared>>
      tpu.enqueue_dma source(%dma_start3A_31 : memref<1024x64xf32, #tpu.memory_space<vmem_shared>>) target(%dma_start3A_29 : memref<1024x64xf32, #tpu.memory_space<hbm>>) target_semaphore(%run_scoped3A : memref<!tpu.dma_semaphore, #tpu.memory_space<semaphore_mem>>)
      %dma_wait3A = arith.constant 0 : i32
      %dma_wait3A_32 = tpu.memref_slice %arg5[%add3A_28, %dma_wait3A] : memref<32768x64xf32, #tpu.memory_space<hbm>> -> memref<1024x64xf32, #tpu.memory_space<hbm>>
      %dma_wait3A_33 = arith.constant 0 : i32
      %dma_wait3A_34 = tpu.memref_slice %arg9[%mul3A_23, %dma_wait3A_33] : memref<16384x64xf32, #tpu.memory_space<vmem_shared>> -> memref<1024x64xf32, #tpu.memory_space<vmem_shared>>
      tpu.wait_dma2 semaphore(%run_scoped3A : memref<!tpu.dma_semaphore, #tpu.memory_space<semaphore_mem>>) src(%dma_wait3A_34 : memref<1024x64xf32, #tpu.memory_space<vmem_shared>>) dst(%dma_wait3A_32 : memref<1024x64xf32, #tpu.memory_space<hbm>>)
      tpu.yield
    }) : () -> ()
    return
  }
}

module attributes {stable_mosaic.version = 14 : i64} {
  func.func @body(%arg0: i32, %arg1: i32, %arg2: memref<2048x128xf32, #tpu.memory_space<vmem>>, %arg3: memref<1x128x64xf32, #tpu.memory_space<vmem>>, %arg4: memref<1x2048x64xf32, #tpu.memory_space<vmem>>) attributes {dimension_semantics = [#tpu.dimension_semantics<arbitrary>, #tpu.dimension_semantics<arbitrary>], iteration_bounds = array<i64: 4, 27>, scalar_prefetch = 0 : i64, scratch_operands = 0 : i64, tpu.core_type = #tpu.core_type<tc>, window_params = [{transform_indices = @transform_0, window_bounds = array<i64: 2048, 128>}, {transform_indices = @transform_1, window_bounds = array<i64: 1, 128, 64>}, {transform_indices = @transform_2, window_bounds = array<i64: 1, 2048, 64>}]} {
    %get3A = arith.constant 0 : index
    %get3A_0 = arith.constant 0 : index
    %get3A_1 = vector.load %arg2[%get3A, %get3A_0] : memref<2048x128xf32, #tpu.memory_space<vmem>>, vector<2048x128xf32>
    %get3A_2 = arith.constant 0 : index
    %get3A_3 = arith.constant 0 : index
    %get3A_4 = arith.constant 0 : index
    %get3A_5 = vector.load %arg3[%get3A_2, %get3A_3, %get3A_4] : memref<1x128x64xf32, #tpu.memory_space<vmem>>, vector<1x128x64xf32>
    %get3A_6 = vector.shape_cast %get3A_5 : vector<1x128x64xf32> to vector<128x64xf32>
    %dot_general3A = arith.constant dense<0.000000e+00> : vector<2048x64xf32>
    %dot_general3A_7 = tpu.matmul %get3A_1, %get3A_6, %dot_general3A {dimension_numbers = #tpu.dot_dimension_numbers<[1], [0], [0], [1], [0, 0, 1, 1], [], []>, transpose_lhs_hint = false} : vector<2048x128xf32>, vector<128x64xf32>, vector<2048x64xf32> -> vector<2048x64xf32>
    %swap3A = arith.constant 0 : index
    %swap3A_8 = arith.constant 0 : index
    %swap3A_9 = arith.constant 0 : index
    %swap3A_10 = vector.load %arg4[%swap3A, %swap3A_8, %swap3A_9] : memref<1x2048x64xf32, #tpu.memory_space<vmem>>, vector<1x2048x64xf32>
    %swap3A_11 = vector.shape_cast %swap3A_10 : vector<1x2048x64xf32> to vector<2048x64xf32>
    %swap3A_12 = vector.shape_cast %dot_general3A_7 : vector<2048x64xf32> to vector<1x2048x64xf32>
    tpu.vector_store %arg4[%swap3A, %swap3A_8, %swap3A_9], %swap3A_12 {strides = array<i32>} : memref<1x2048x64xf32, #tpu.memory_space<vmem>>, vector<1x2048x64xf32>,
    return
  }
  func.func @transform_0(%arg0: i32, %arg1: i32) -> (i32, i32) {
    %c0_i32 = arith.constant 0 : i32
    %c0_i32_0 = arith.constant 0 : i32
    return %arg0, %c0_i32 : i32, i32
  }
  func.func @transform_1(%arg0: i32, %arg1: i32) -> (i32, i32, i32) {
    %c0_i32 = arith.constant 0 : i32
    %c0_i32_0 = arith.constant 0 : i32
    %c0_i32_1 = arith.constant 0 : i32
    return %arg1, %c0_i32, %c0_i32_0 : i32, i32, i32
  }
  func.func @transform_2(%arg0: i32, %arg1: i32) -> (i32, i32, i32) {
    %c0_i32 = arith.constant 0 : i32
    %c0_i32_0 = arith.constant 0 : i32
    return %arg1, %arg0, %c0_i32 : i32, i32, i32
  }
}

module attributes {stable_mosaic.version = 14 : i64} {
  func.func @body(%arg0: memref<32768x64xf32, #tpu.memory_space<vmem>>, %arg1: memref<16384x64xf32, #tpu.memory_space<vmem>>) attributes {dimension_semantics = [], scalar_prefetch = 0 : i64, scratch_operands = 0 : i64, tpu.core_type = #tpu.core_type<tc>} {
    %get3A = arith.constant 0 : index
    %get3A_0 = arith.constant 0 : index
    %get3A_1 = vector.load %arg0[%get3A, %get3A_0] : memref<32768x64xf32, #tpu.memory_space<vmem>>, vector<16384x64xf32>
    %get3A_2 = arith.constant 16384 : index
    %get3A_3 = arith.constant 0 : index
    %get3A_4 = vector.load %arg0[%get3A_2, %get3A_3] : memref<32768x64xf32, #tpu.memory_space<vmem>>, vector<16384x64xf32>
    %add3A = arith.addf %get3A_1, %get3A_4 : vector<16384x64xf32>
    %swap3A = arith.constant 0 : index
    %swap3A_5 = arith.constant 0 : index
    %swap3A_6 = vector.load %arg1[%swap3A, %swap3A_5] : memref<16384x64xf32, #tpu.memory_space<vmem>>, vector<16384x64xf32>
    tpu.vector_store %arg1[%swap3A, %swap3A_5], %add3A {strides = array<i32>} : memref<16384x64xf32, #tpu.memory_space<vmem>>, vector<16384x64xf32>,
    return
  }
}

module attributes {stable_mosaic.version = 14 : i64} {
  func.func @body(%arg0: memref<16384x64xf32, #tpu.memory_space<vmem>>, %arg1: memref<1x64xf32, #tpu.memory_space<vmem>>, %arg2: memref<1x64xf32, #tpu.memory_space<vmem>>, %arg3: memref<1x64xf32, #tpu.memory_space<vmem>>, %arg4: memref<1x64xf32, #tpu.memory_space<vmem>>, %arg5: memref<16384x64xf32, #tpu.memory_space<vmem>>) attributes {dimension_semantics = [], scalar_prefetch = 0 : i64, scratch_operands = 0 : i64, tpu.core_type = #tpu.core_type<tc>} {
    %get3A = arith.constant 0 : index
    %get3A_0 = arith.constant 0 : index
    %get3A_1 = vector.load %arg0[%get3A, %get3A_0] : memref<16384x64xf32, #tpu.memory_space<vmem>>, vector<16384x64xf32>
    %get3A_2 = arith.constant 0 : index
    %get3A_3 = arith.constant 0 : index
    %get3A_4 = vector.load %arg1[%get3A_2, %get3A_3] : memref<1x64xf32, #tpu.memory_space<vmem>>, vector<1x64xf32>
    %sub3A = vector.broadcast %get3A_4 : vector<1x64xf32> to vector<16384x64xf32>
    %sub3A_5 = arith.subf %get3A_1, %sub3A : vector<16384x64xf32>
    %get3A_6 = arith.constant 0 : index
    %get3A_7 = arith.constant 0 : index
    %get3A_8 = vector.load %arg2[%get3A_6, %get3A_7] : memref<1x64xf32, #tpu.memory_space<vmem>>, vector<1x64xf32>
    %div3A = vector.broadcast %get3A_8 : vector<1x64xf32> to vector<16384x64xf32>
    %div3A_9 = arith.divf %sub3A_5, %div3A : vector<16384x64xf32>
    %get3A_10 = arith.constant 0 : index
    %get3A_11 = arith.constant 0 : index
    %get3A_12 = vector.load %arg3[%get3A_10, %get3A_11] : memref<1x64xf32, #tpu.memory_space<vmem>>, vector<1x64xf32>
    %mul3A = vector.broadcast %get3A_12 : vector<1x64xf32> to vector<16384x64xf32>
    %mul3A_13 = arith.mulf %div3A_9, %mul3A : vector<16384x64xf32>
    %get3A_14 = arith.constant 0 : index
    %get3A_15 = arith.constant 0 : index
    %get3A_16 = vector.load %arg4[%get3A_14, %get3A_15] : memref<1x64xf32, #tpu.memory_space<vmem>>, vector<1x64xf32>
    %add3A = vector.broadcast %get3A_16 : vector<1x64xf32> to vector<16384x64xf32>
    %add3A_17 = arith.addf %mul3A_13, %add3A : vector<16384x64xf32>
    %gt3A = arith.constant 0.000000e+00 : f32
    %gt3A_18 = vector.broadcast %gt3A : f32 to vector<16384x64xf32>
    %gt3A_19 = arith.cmpf ogt, %add3A_17, %gt3A_18 : vector<16384x64xf32>
    %min3A = arith.constant 0.000000e+00 : f32
    %min3A_20 = vector.broadcast %min3A : f32 to vector<16384x64xf32>
    %min3A_21 = arith.minimumf %add3A_17, %min3A_20 : vector<16384x64xf32>
    %mul3A_22 = arith.constant 1.98412701E-4 : f32
    %mul3A_23 = vector.broadcast %mul3A_22 : f32 to vector<16384x64xf32>
    %mul3A_24 = arith.mulf %min3A_21, %mul3A_23 : vector<16384x64xf32>
    %add3A_25 = arith.constant 0.00138888892 : f32
    %add3A_26 = vector.broadcast %add3A_25 : f32 to vector<16384x64xf32>
    %add3A_27 = arith.addf %add3A_26, %mul3A_24 : vector<16384x64xf32>
    %mul3A_28 = arith.mulf %min3A_21, %add3A_27 : vector<16384x64xf32>
    %add3A_29 = arith.constant 0.00833333377 : f32
    %add3A_30 = vector.broadcast %add3A_29 : f32 to vector<16384x64xf32>
    %add3A_31 = arith.addf %add3A_30, %mul3A_28 : vector<16384x64xf32>
    %mul3A_32 = arith.mulf %min3A_21, %add3A_31 : vector<16384x64xf32>
    %add3A_33 = arith.constant 0.0416666679 : f32
    %add3A_34 = vector.broadcast %add3A_33 : f32 to vector<16384x64xf32>
    %add3A_35 = arith.addf %add3A_34, %mul3A_32 : vector<16384x64xf32>
    %mul3A_36 = arith.mulf %min3A_21, %add3A_35 : vector<16384x64xf32>
    %add3A_37 = arith.constant 0.166666672 : f32
    %add3A_38 = vector.broadcast %add3A_37 : f32 to vector<16384x64xf32>
    %add3A_39 = arith.addf %add3A_38, %mul3A_36 : vector<16384x64xf32>
    %mul3A_40 = arith.mulf %min3A_21, %add3A_39 : vector<16384x64xf32>
    %add3A_41 = arith.constant 5.000000e-01 : f32
    %add3A_42 = vector.broadcast %add3A_41 : f32 to vector<16384x64xf32>
    %add3A_43 = arith.addf %add3A_42, %mul3A_40 : vector<16384x64xf32>
    %mul3A_44 = arith.mulf %min3A_21, %add3A_43 : vector<16384x64xf32>
    %add3A_45 = arith.constant 1.000000e+00 : f32
    %add3A_46 = vector.broadcast %add3A_45 : f32 to vector<16384x64xf32>
    %add3A_47 = arith.addf %add3A_46, %mul3A_44 : vector<16384x64xf32>
    %mul3A_48 = arith.mulf %min3A_21, %add3A_47 : vector<16384x64xf32>
    %gt3A_49 = arith.constant -0.346573591 : f32
    %gt3A_50 = vector.broadcast %gt3A_49 : f32 to vector<16384x64xf32>
    %gt3A_51 = arith.cmpf ogt, %min3A_21, %gt3A_50 : vector<16384x64xf32>
    %max3A = arith.constant -8.000000e+01 : f32
    %max3A_52 = vector.broadcast %max3A : f32 to vector<16384x64xf32>
    %max3A_53 = arith.maximumf %min3A_21, %max3A_52 : vector<16384x64xf32>
    %mul3A_54 = arith.constant 1.44269502 : f32
    %mul3A_55 = vector.broadcast %mul3A_54 : f32 to vector<16384x64xf32>
    %mul3A_56 = arith.mulf %max3A_53, %mul3A_55 : vector<16384x64xf32>
    %add3A_57 = arith.constant 5.000000e-01 : f32
    %add3A_58 = vector.broadcast %add3A_57 : f32 to vector<16384x64xf32>
    %add3A_59 = arith.addf %mul3A_56, %add3A_58 : vector<16384x64xf32>
    %floor3A = math.floor %add3A_59 : vector<16384x64xf32>
    %mul3A_60 = arith.constant 0.693359375 : f32
    %mul3A_61 = vector.broadcast %mul3A_60 : f32 to vector<16384x64xf32>
    %mul3A_62 = arith.mulf %floor3A, %mul3A_61 : vector<16384x64xf32>
    %sub3A_63 = arith.subf %max3A_53, %mul3A_62 : vector<16384x64xf32>
    %mul3A_64 = arith.constant -2.12194442E-4 : f32
    %mul3A_65 = vector.broadcast %mul3A_64 : f32 to vector<16384x64xf32>
    %mul3A_66 = arith.mulf %floor3A, %mul3A_65 : vector<16384x64xf32>
    %sub3A_67 = arith.subf %sub3A_63, %mul3A_66 : vector<16384x64xf32>
    %mul3A_68 = arith.constant 0.00138888892 : f32
    %mul3A_69 = vector.broadcast %mul3A_68 : f32 to vector<16384x64xf32>
    %mul3A_70 = arith.mulf %sub3A_67, %mul3A_69 : vector<16384x64xf32>
    %add3A_71 = arith.constant 0.00833333377 : f32
    %add3A_72 = vector.broadcast %add3A_71 : f32 to vector<16384x64xf32>
    %add3A_73 = arith.addf %add3A_72, %mul3A_70 : vector<16384x64xf32>
    %mul3A_74 = arith.mulf %sub3A_67, %add3A_73 : vector<16384x64xf32>
    %add3A_75 = arith.constant 0.0416666679 : f32
    %add3A_76 = vector.broadcast %add3A_75 : f32 to vector<16384x64xf32>
    %add3A_77 = arith.addf %add3A_76, %mul3A_74 : vector<16384x64xf32>
    %mul3A_78 = arith.mulf %sub3A_67, %add3A_77 : vector<16384x64xf32>
    %add3A_79 = arith.constant 0.166666672 : f32
    %add3A_80 = vector.broadcast %add3A_79 : f32 to vector<16384x64xf32>
    %add3A_81 = arith.addf %add3A_80, %mul3A_78 : vector<16384x64xf32>
    %mul3A_82 = arith.mulf %sub3A_67, %add3A_81 : vector<16384x64xf32>
    %add3A_83 = arith.constant 5.000000e-01 : f32
    %add3A_84 = vector.broadcast %add3A_83 : f32 to vector<16384x64xf32>
    %add3A_85 = arith.addf %add3A_84, %mul3A_82 : vector<16384x64xf32>
    %mul3A_86 = arith.mulf %sub3A_67, %add3A_85 : vector<16384x64xf32>
    %add3A_87 = arith.constant 1.000000e+00 : f32
    %add3A_88 = vector.broadcast %add3A_87 : f32 to vector<16384x64xf32>
    %add3A_89 = arith.addf %add3A_88, %mul3A_86 : vector<16384x64xf32>
    %mul3A_90 = arith.mulf %sub3A_67, %add3A_89 : vector<16384x64xf32>
    %add3A_91 = arith.constant 1.000000e+00 : f32
    %add3A_92 = vector.broadcast %add3A_91 : f32 to vector<16384x64xf32>
    %add3A_93 = arith.addf %add3A_92, %mul3A_90 : vector<16384x64xf32>
    %convert_element_type3A = arith.fptosi %floor3A : vector<16384x64xf32> to vector<16384x64xi32>
    %add3A_94 = arith.constant 127 : i32
    %add3A_95 = vector.broadcast %add3A_94 : i32 to vector<16384x64xi32>
    %add3A_96 = arith.addi %convert_element_type3A, %add3A_95 : vector<16384x64xi32>
    %shift_left3A = arith.constant 23 : i32
    %shift_left3A_97 = vector.broadcast %shift_left3A : i32 to vector<16384x64xi32>
    %shift_left3A_98 = arith.shli %add3A_96, %shift_left3A_97 : vector<16384x64xi32>
    %bitcast_convert_type3A = tpu.bitcast %shift_left3A_98 : vector<16384x64xi32> -> vector<16384x64xf32>
    %mul3A_99 = arith.mulf %add3A_93, %bitcast_convert_type3A : vector<16384x64xf32>
    %sub3A_100 = arith.constant 1.000000e+00 : f32
    %sub3A_101 = vector.broadcast %sub3A_100 : f32 to vector<16384x64xf32>
    %sub3A_102 = arith.subf %mul3A_99, %sub3A_101 : vector<16384x64xf32>
    %select_n3A = arith.select %gt3A_51, %mul3A_48, %sub3A_102 : vector<16384x64xi1>, vector<16384x64xf32>
    %select_n3A_103 = arith.select %gt3A_19, %add3A_17, %select_n3A : vector<16384x64xi1>, vector<16384x64xf32>
    %swap3A = arith.constant 0 : index
    %swap3A_104 = arith.constant 0 : index
    %swap3A_105 = vector.load %arg5[%swap3A, %swap3A_104] : memref<16384x64xf32, #tpu.memory_space<vmem>>, vector<16384x64xf32>
    tpu.vector_store %arg5[%swap3A, %swap3A_104], %select_n3A_103 {strides = array<i32>} : memref<16384x64xf32, #tpu.memory_space<vmem>>, vector<16384x64xf32>,
    return
  }
}

module attributes {stable_mosaic.version = 14 : i64} {
  func.func @body(%arg0: i32, %arg1: i32, %arg2: memref<2048x64xf32, #tpu.memory_space<vmem>>, %arg3: memref<1x64x64xf32, #tpu.memory_space<vmem>>, %arg4: memref<1x2048x64xf32, #tpu.memory_space<vmem>>) attributes {dimension_semantics = [#tpu.dimension_semantics<arbitrary>, #tpu.dimension_semantics<arbitrary>], iteration_bounds = array<i64: 8, 27>, scalar_prefetch = 0 : i64, scratch_operands = 0 : i64, tpu.core_type = #tpu.core_type<tc>, window_params = [{transform_indices = @transform_0, window_bounds = array<i64: 2048, 64>}, {transform_indices = @transform_1, window_bounds = array<i64: 1, 64, 64>}, {transform_indices = @transform_2, window_bounds = array<i64: 1, 2048, 64>}]} {
    %get3A = arith.constant 0 : index
    %get3A_0 = arith.constant 0 : index
    %get3A_1 = vector.load %arg2[%get3A, %get3A_0] : memref<2048x64xf32, #tpu.memory_space<vmem>>, vector<2048x64xf32>
    %get3A_2 = arith.constant 0 : index
    %get3A_3 = arith.constant 0 : index
    %get3A_4 = arith.constant 0 : index
    %get3A_5 = vector.load %arg3[%get3A_2, %get3A_3, %get3A_4] : memref<1x64x64xf32, #tpu.memory_space<vmem>>, vector<1x64x64xf32>
    %get3A_6 = vector.shape_cast %get3A_5 : vector<1x64x64xf32> to vector<64x64xf32>
    %dot_general3A = arith.constant dense<0.000000e+00> : vector<2048x64xf32>
    %dot_general3A_7 = tpu.matmul %get3A_1, %get3A_6, %dot_general3A {dimension_numbers = #tpu.dot_dimension_numbers<[1], [0], [0], [1], [0, 0, 1, 1], [], []>, transpose_lhs_hint = false} : vector<2048x64xf32>, vector<64x64xf32>, vector<2048x64xf32> -> vector<2048x64xf32>
    %swap3A = arith.constant 0 : index
    %swap3A_8 = arith.constant 0 : index
    %swap3A_9 = arith.constant 0 : index
    %swap3A_10 = vector.load %arg4[%swap3A, %swap3A_8, %swap3A_9] : memref<1x2048x64xf32, #tpu.memory_space<vmem>>, vector<1x2048x64xf32>
    %swap3A_11 = vector.shape_cast %swap3A_10 : vector<1x2048x64xf32> to vector<2048x64xf32>
    %swap3A_12 = vector.shape_cast %dot_general3A_7 : vector<2048x64xf32> to vector<1x2048x64xf32>
    tpu.vector_store %arg4[%swap3A, %swap3A_8, %swap3A_9], %swap3A_12 {strides = array<i32>} : memref<1x2048x64xf32, #tpu.memory_space<vmem>>, vector<1x2048x64xf32>,
    return
  }
  func.func @transform_0(%arg0: i32, %arg1: i32) -> (i32, i32) {
    %c0_i32 = arith.constant 0 : i32
    %c0_i32_0 = arith.constant 0 : i32
    return %arg0, %c0_i32 : i32, i32
  }
  func.func @transform_1(%arg0: i32, %arg1: i32) -> (i32, i32, i32) {
    %c0_i32 = arith.constant 0 : i32
    %c0_i32_0 = arith.constant 0 : i32
    %c0_i32_1 = arith.constant 0 : i32
    return %arg1, %c0_i32, %c0_i32_0 : i32, i32, i32
  }
  func.func @transform_2(%arg0: i32, %arg1: i32) -> (i32, i32, i32) {
    %c0_i32 = arith.constant 0 : i32
    %c0_i32_0 = arith.constant 0 : i32
    return %arg1, %arg0, %c0_i32 : i32, i32, i32
  }
}

module attributes {stable_mosaic.version = 14 : i64} {
  func.func @body(%arg0: memref<16384x64xf32, #tpu.memory_space<vmem>>, %arg1: memref<1x64xf32, #tpu.memory_space<vmem>>, %arg2: memref<1x64xf32, #tpu.memory_space<vmem>>, %arg3: memref<1x64xf32, #tpu.memory_space<vmem>>, %arg4: memref<1x64xf32, #tpu.memory_space<vmem>>, %arg5: memref<16384x64xf32, #tpu.memory_space<vmem>>, %arg6: memref<16384x64xf32, #tpu.memory_space<vmem>>) attributes {dimension_semantics = [], scalar_prefetch = 0 : i64, scratch_operands = 0 : i64, tpu.core_type = #tpu.core_type<tc>} {
    %get3A = arith.constant 0 : index
    %get3A_0 = arith.constant 0 : index
    %get3A_1 = vector.load %arg0[%get3A, %get3A_0] : memref<16384x64xf32, #tpu.memory_space<vmem>>, vector<16384x64xf32>
    %get3A_2 = arith.constant 0 : index
    %get3A_3 = arith.constant 0 : index
    %get3A_4 = vector.load %arg1[%get3A_2, %get3A_3] : memref<1x64xf32, #tpu.memory_space<vmem>>, vector<1x64xf32>
    %sub3A = vector.broadcast %get3A_4 : vector<1x64xf32> to vector<16384x64xf32>
    %sub3A_5 = arith.subf %get3A_1, %sub3A : vector<16384x64xf32>
    %get3A_6 = arith.constant 0 : index
    %get3A_7 = arith.constant 0 : index
    %get3A_8 = vector.load %arg2[%get3A_6, %get3A_7] : memref<1x64xf32, #tpu.memory_space<vmem>>, vector<1x64xf32>
    %div3A = vector.broadcast %get3A_8 : vector<1x64xf32> to vector<16384x64xf32>
    %div3A_9 = arith.divf %sub3A_5, %div3A : vector<16384x64xf32>
    %get3A_10 = arith.constant 0 : index
    %get3A_11 = arith.constant 0 : index
    %get3A_12 = vector.load %arg3[%get3A_10, %get3A_11] : memref<1x64xf32, #tpu.memory_space<vmem>>, vector<1x64xf32>
    %mul3A = vector.broadcast %get3A_12 : vector<1x64xf32> to vector<16384x64xf32>
    %mul3A_13 = arith.mulf %div3A_9, %mul3A : vector<16384x64xf32>
    %get3A_14 = arith.constant 0 : index
    %get3A_15 = arith.constant 0 : index
    %get3A_16 = vector.load %arg4[%get3A_14, %get3A_15] : memref<1x64xf32, #tpu.memory_space<vmem>>, vector<1x64xf32>
    %add3A = vector.broadcast %get3A_16 : vector<1x64xf32> to vector<16384x64xf32>
    %add3A_17 = arith.addf %mul3A_13, %add3A : vector<16384x64xf32>
    %gt3A = arith.constant 0.000000e+00 : f32
    %gt3A_18 = vector.broadcast %gt3A : f32 to vector<16384x64xf32>
    %gt3A_19 = arith.cmpf ogt, %add3A_17, %gt3A_18 : vector<16384x64xf32>
    %min3A = arith.constant 0.000000e+00 : f32
    %min3A_20 = vector.broadcast %min3A : f32 to vector<16384x64xf32>
    %min3A_21 = arith.minimumf %add3A_17, %min3A_20 : vector<16384x64xf32>
    %mul3A_22 = arith.constant 1.98412701E-4 : f32
    %mul3A_23 = vector.broadcast %mul3A_22 : f32 to vector<16384x64xf32>
    %mul3A_24 = arith.mulf %min3A_21, %mul3A_23 : vector<16384x64xf32>
    %add3A_25 = arith.constant 0.00138888892 : f32
    %add3A_26 = vector.broadcast %add3A_25 : f32 to vector<16384x64xf32>
    %add3A_27 = arith.addf %add3A_26, %mul3A_24 : vector<16384x64xf32>
    %mul3A_28 = arith.mulf %min3A_21, %add3A_27 : vector<16384x64xf32>
    %add3A_29 = arith.constant 0.00833333377 : f32
    %add3A_30 = vector.broadcast %add3A_29 : f32 to vector<16384x64xf32>
    %add3A_31 = arith.addf %add3A_30, %mul3A_28 : vector<16384x64xf32>
    %mul3A_32 = arith.mulf %min3A_21, %add3A_31 : vector<16384x64xf32>
    %add3A_33 = arith.constant 0.0416666679 : f32
    %add3A_34 = vector.broadcast %add3A_33 : f32 to vector<16384x64xf32>
    %add3A_35 = arith.addf %add3A_34, %mul3A_32 : vector<16384x64xf32>
    %mul3A_36 = arith.mulf %min3A_21, %add3A_35 : vector<16384x64xf32>
    %add3A_37 = arith.constant 0.166666672 : f32
    %add3A_38 = vector.broadcast %add3A_37 : f32 to vector<16384x64xf32>
    %add3A_39 = arith.addf %add3A_38, %mul3A_36 : vector<16384x64xf32>
    %mul3A_40 = arith.mulf %min3A_21, %add3A_39 : vector<16384x64xf32>
    %add3A_41 = arith.constant 5.000000e-01 : f32
    %add3A_42 = vector.broadcast %add3A_41 : f32 to vector<16384x64xf32>
    %add3A_43 = arith.addf %add3A_42, %mul3A_40 : vector<16384x64xf32>
    %mul3A_44 = arith.mulf %min3A_21, %add3A_43 : vector<16384x64xf32>
    %add3A_45 = arith.constant 1.000000e+00 : f32
    %add3A_46 = vector.broadcast %add3A_45 : f32 to vector<16384x64xf32>
    %add3A_47 = arith.addf %add3A_46, %mul3A_44 : vector<16384x64xf32>
    %mul3A_48 = arith.mulf %min3A_21, %add3A_47 : vector<16384x64xf32>
    %gt3A_49 = arith.constant -0.346573591 : f32
    %gt3A_50 = vector.broadcast %gt3A_49 : f32 to vector<16384x64xf32>
    %gt3A_51 = arith.cmpf ogt, %min3A_21, %gt3A_50 : vector<16384x64xf32>
    %max3A = arith.constant -8.000000e+01 : f32
    %max3A_52 = vector.broadcast %max3A : f32 to vector<16384x64xf32>
    %max3A_53 = arith.maximumf %min3A_21, %max3A_52 : vector<16384x64xf32>
    %mul3A_54 = arith.constant 1.44269502 : f32
    %mul3A_55 = vector.broadcast %mul3A_54 : f32 to vector<16384x64xf32>
    %mul3A_56 = arith.mulf %max3A_53, %mul3A_55 : vector<16384x64xf32>
    %add3A_57 = arith.constant 5.000000e-01 : f32
    %add3A_58 = vector.broadcast %add3A_57 : f32 to vector<16384x64xf32>
    %add3A_59 = arith.addf %mul3A_56, %add3A_58 : vector<16384x64xf32>
    %floor3A = math.floor %add3A_59 : vector<16384x64xf32>
    %mul3A_60 = arith.constant 0.693359375 : f32
    %mul3A_61 = vector.broadcast %mul3A_60 : f32 to vector<16384x64xf32>
    %mul3A_62 = arith.mulf %floor3A, %mul3A_61 : vector<16384x64xf32>
    %sub3A_63 = arith.subf %max3A_53, %mul3A_62 : vector<16384x64xf32>
    %mul3A_64 = arith.constant -2.12194442E-4 : f32
    %mul3A_65 = vector.broadcast %mul3A_64 : f32 to vector<16384x64xf32>
    %mul3A_66 = arith.mulf %floor3A, %mul3A_65 : vector<16384x64xf32>
    %sub3A_67 = arith.subf %sub3A_63, %mul3A_66 : vector<16384x64xf32>
    %mul3A_68 = arith.constant 0.00138888892 : f32
    %mul3A_69 = vector.broadcast %mul3A_68 : f32 to vector<16384x64xf32>
    %mul3A_70 = arith.mulf %sub3A_67, %mul3A_69 : vector<16384x64xf32>
    %add3A_71 = arith.constant 0.00833333377 : f32
    %add3A_72 = vector.broadcast %add3A_71 : f32 to vector<16384x64xf32>
    %add3A_73 = arith.addf %add3A_72, %mul3A_70 : vector<16384x64xf32>
    %mul3A_74 = arith.mulf %sub3A_67, %add3A_73 : vector<16384x64xf32>
    %add3A_75 = arith.constant 0.0416666679 : f32
    %add3A_76 = vector.broadcast %add3A_75 : f32 to vector<16384x64xf32>
    %add3A_77 = arith.addf %add3A_76, %mul3A_74 : vector<16384x64xf32>
    %mul3A_78 = arith.mulf %sub3A_67, %add3A_77 : vector<16384x64xf32>
    %add3A_79 = arith.constant 0.166666672 : f32
    %add3A_80 = vector.broadcast %add3A_79 : f32 to vector<16384x64xf32>
    %add3A_81 = arith.addf %add3A_80, %mul3A_78 : vector<16384x64xf32>
    %mul3A_82 = arith.mulf %sub3A_67, %add3A_81 : vector<16384x64xf32>
    %add3A_83 = arith.constant 5.000000e-01 : f32
    %add3A_84 = vector.broadcast %add3A_83 : f32 to vector<16384x64xf32>
    %add3A_85 = arith.addf %add3A_84, %mul3A_82 : vector<16384x64xf32>
    %mul3A_86 = arith.mulf %sub3A_67, %add3A_85 : vector<16384x64xf32>
    %add3A_87 = arith.constant 1.000000e+00 : f32
    %add3A_88 = vector.broadcast %add3A_87 : f32 to vector<16384x64xf32>
    %add3A_89 = arith.addf %add3A_88, %mul3A_86 : vector<16384x64xf32>
    %mul3A_90 = arith.mulf %sub3A_67, %add3A_89 : vector<16384x64xf32>
    %add3A_91 = arith.constant 1.000000e+00 : f32
    %add3A_92 = vector.broadcast %add3A_91 : f32 to vector<16384x64xf32>
    %add3A_93 = arith.addf %add3A_92, %mul3A_90 : vector<16384x64xf32>
    %convert_element_type3A = arith.fptosi %floor3A : vector<16384x64xf32> to vector<16384x64xi32>
    %add3A_94 = arith.constant 127 : i32
    %add3A_95 = vector.broadcast %add3A_94 : i32 to vector<16384x64xi32>
    %add3A_96 = arith.addi %convert_element_type3A, %add3A_95 : vector<16384x64xi32>
    %shift_left3A = arith.constant 23 : i32
    %shift_left3A_97 = vector.broadcast %shift_left3A : i32 to vector<16384x64xi32>
    %shift_left3A_98 = arith.shli %add3A_96, %shift_left3A_97 : vector<16384x64xi32>
    %bitcast_convert_type3A = tpu.bitcast %shift_left3A_98 : vector<16384x64xi32> -> vector<16384x64xf32>
    %mul3A_99 = arith.mulf %add3A_93, %bitcast_convert_type3A : vector<16384x64xf32>
    %sub3A_100 = arith.constant 1.000000e+00 : f32
    %sub3A_101 = vector.broadcast %sub3A_100 : f32 to vector<16384x64xf32>
    %sub3A_102 = arith.subf %mul3A_99, %sub3A_101 : vector<16384x64xf32>
    %select_n3A = arith.select %gt3A_51, %mul3A_48, %sub3A_102 : vector<16384x64xi1>, vector<16384x64xf32>
    %select_n3A_103 = arith.select %gt3A_19, %add3A_17, %select_n3A : vector<16384x64xi1>, vector<16384x64xf32>
    %get3A_104 = arith.constant 0 : index
    %get3A_105 = arith.constant 0 : index
    %get3A_106 = vector.load %arg5[%get3A_104, %get3A_105] : memref<16384x64xf32, #tpu.memory_space<vmem>>, vector<16384x64xf32>
    %add3A_107 = arith.addf %select_n3A_103, %get3A_106 : vector<16384x64xf32>
    %swap3A = arith.constant 0 : index
    %swap3A_108 = arith.constant 0 : index
    %swap3A_109 = vector.load %arg6[%swap3A, %swap3A_108] : memref<16384x64xf32, #tpu.memory_space<vmem>>, vector<16384x64xf32>
    tpu.vector_store %arg6[%swap3A, %swap3A_108], %add3A_107 {strides = array<i32>} : memref<16384x64xf32, #tpu.memory_space<vmem>>, vector<16384x64xf32>,
    return
  }
}

module attributes {stable_mosaic.version = 14 : i64} {
  func.func @body(%arg0: i32, %arg1: i32, %arg2: memref<2048x64xf32, #tpu.memory_space<vmem>>, %arg3: memref<1x64x64xf32, #tpu.memory_space<vmem>>, %arg4: memref<1x2048x64xf32, #tpu.memory_space<vmem>>) attributes {dimension_semantics = [#tpu.dimension_semantics<arbitrary>, #tpu.dimension_semantics<arbitrary>], iteration_bounds = array<i64: 8, 16>, scalar_prefetch = 0 : i64, scratch_operands = 0 : i64, tpu.core_type = #tpu.core_type<tc>, window_params = [{transform_indices = @transform_0, window_bounds = array<i64: 2048, 64>}, {transform_indices = @transform_1, window_bounds = array<i64: 1, 64, 64>}, {transform_indices = @transform_2, window_bounds = array<i64: 1, 2048, 64>}]} {
    %get3A = arith.constant 0 : index
    %get3A_0 = arith.constant 0 : index
    %get3A_1 = vector.load %arg2[%get3A, %get3A_0] : memref<2048x64xf32, #tpu.memory_space<vmem>>, vector<2048x64xf32>
    %get3A_2 = arith.constant 0 : index
    %get3A_3 = arith.constant 0 : index
    %get3A_4 = arith.constant 0 : index
    %get3A_5 = vector.load %arg3[%get3A_2, %get3A_3, %get3A_4] : memref<1x64x64xf32, #tpu.memory_space<vmem>>, vector<1x64x64xf32>
    %get3A_6 = vector.shape_cast %get3A_5 : vector<1x64x64xf32> to vector<64x64xf32>
    %dot_general3A = arith.constant dense<0.000000e+00> : vector<2048x64xf32>
    %dot_general3A_7 = tpu.matmul %get3A_1, %get3A_6, %dot_general3A {dimension_numbers = #tpu.dot_dimension_numbers<[1], [0], [0], [1], [0, 0, 1, 1], [], []>, transpose_lhs_hint = false} : vector<2048x64xf32>, vector<64x64xf32>, vector<2048x64xf32> -> vector<2048x64xf32>
    %swap3A = arith.constant 0 : index
    %swap3A_8 = arith.constant 0 : index
    %swap3A_9 = arith.constant 0 : index
    %swap3A_10 = vector.load %arg4[%swap3A, %swap3A_8, %swap3A_9] : memref<1x2048x64xf32, #tpu.memory_space<vmem>>, vector<1x2048x64xf32>
    %swap3A_11 = vector.shape_cast %swap3A_10 : vector<1x2048x64xf32> to vector<2048x64xf32>
    %swap3A_12 = vector.shape_cast %dot_general3A_7 : vector<2048x64xf32> to vector<1x2048x64xf32>
    tpu.vector_store %arg4[%swap3A, %swap3A_8, %swap3A_9], %swap3A_12 {strides = array<i32>} : memref<1x2048x64xf32, #tpu.memory_space<vmem>>, vector<1x2048x64xf32>,
    return
  }
  func.func @transform_0(%arg0: i32, %arg1: i32) -> (i32, i32) {
    %c0_i32 = arith.constant 0 : i32
    %c0_i32_0 = arith.constant 0 : i32
    return %arg0, %c0_i32 : i32, i32
  }
  func.func @transform_1(%arg0: i32, %arg1: i32) -> (i32, i32, i32) {
    %c0_i32 = arith.constant 0 : i32
    %c0_i32_0 = arith.constant 0 : i32
    %c0_i32_1 = arith.constant 0 : i32
    return %arg1, %c0_i32, %c0_i32_0 : i32, i32, i32
  }
  func.func @transform_2(%arg0: i32, %arg1: i32) -> (i32, i32, i32) {
    %c0_i32 = arith.constant 0 : i32
    %c0_i32_0 = arith.constant 0 : i32
    return %arg1, %arg0, %c0_i32 : i32, i32, i32
  }
}

module attributes {stable_mosaic.version = 14 : i64} {
  func.func @body(%arg0: memref<16384x64xf32, #tpu.memory_space<vmem>>, %arg1: memref<1x64xf32, #tpu.memory_space<vmem>>, %arg2: memref<1x64xf32, #tpu.memory_space<vmem>>, %arg3: memref<1x64xf32, #tpu.memory_space<vmem>>, %arg4: memref<1x64xf32, #tpu.memory_space<vmem>>, %arg5: memref<64x128xf32, #tpu.memory_space<vmem>>, %arg6: memref<1x1xf32, #tpu.memory_space<vmem>>, %arg7: memref<16384x64xf32, #tpu.memory_space<vmem>>) attributes {dimension_semantics = [], scalar_prefetch = 0 : i64, scratch_operands = 0 : i64, tpu.core_type = #tpu.core_type<tc>} {
    %get3A = arith.constant 0 : index
    %get3A_0 = arith.constant 0 : index
    %get3A_1 = vector.load %arg0[%get3A, %get3A_0] : memref<16384x64xf32, #tpu.memory_space<vmem>>, vector<16384x64xf32>
    %get3A_2 = arith.constant 0 : index
    %get3A_3 = arith.constant 0 : index
    %get3A_4 = vector.load %arg1[%get3A_2, %get3A_3] : memref<1x64xf32, #tpu.memory_space<vmem>>, vector<1x64xf32>
    %sub3A = vector.broadcast %get3A_4 : vector<1x64xf32> to vector<16384x64xf32>
    %sub3A_5 = arith.subf %get3A_1, %sub3A : vector<16384x64xf32>
    %get3A_6 = arith.constant 0 : index
    %get3A_7 = arith.constant 0 : index
    %get3A_8 = vector.load %arg2[%get3A_6, %get3A_7] : memref<1x64xf32, #tpu.memory_space<vmem>>, vector<1x64xf32>
    %div3A = vector.broadcast %get3A_8 : vector<1x64xf32> to vector<16384x64xf32>
    %div3A_9 = arith.divf %sub3A_5, %div3A : vector<16384x64xf32>
    %get3A_10 = arith.constant 0 : index
    %get3A_11 = arith.constant 0 : index
    %get3A_12 = vector.load %arg3[%get3A_10, %get3A_11] : memref<1x64xf32, #tpu.memory_space<vmem>>, vector<1x64xf32>
    %mul3A = vector.broadcast %get3A_12 : vector<1x64xf32> to vector<16384x64xf32>
    %mul3A_13 = arith.mulf %div3A_9, %mul3A : vector<16384x64xf32>
    %get3A_14 = arith.constant 0 : index
    %get3A_15 = arith.constant 0 : index
    %get3A_16 = vector.load %arg4[%get3A_14, %get3A_15] : memref<1x64xf32, #tpu.memory_space<vmem>>, vector<1x64xf32>
    %add3A = vector.broadcast %get3A_16 : vector<1x64xf32> to vector<16384x64xf32>
    %add3A_17 = arith.addf %mul3A_13, %add3A : vector<16384x64xf32>
    %gt3A = arith.constant 0.000000e+00 : f32
    %gt3A_18 = vector.broadcast %gt3A : f32 to vector<16384x64xf32>
    %gt3A_19 = arith.cmpf ogt, %add3A_17, %gt3A_18 : vector<16384x64xf32>
    %min3A = arith.constant 0.000000e+00 : f32
    %min3A_20 = vector.broadcast %min3A : f32 to vector<16384x64xf32>
    %min3A_21 = arith.minimumf %add3A_17, %min3A_20 : vector<16384x64xf32>
    %mul3A_22 = arith.constant 1.98412701E-4 : f32
    %mul3A_23 = vector.broadcast %mul3A_22 : f32 to vector<16384x64xf32>
    %mul3A_24 = arith.mulf %min3A_21, %mul3A_23 : vector<16384x64xf32>
    %add3A_25 = arith.constant 0.00138888892 : f32
    %add3A_26 = vector.broadcast %add3A_25 : f32 to vector<16384x64xf32>
    %add3A_27 = arith.addf %add3A_26, %mul3A_24 : vector<16384x64xf32>
    %mul3A_28 = arith.mulf %min3A_21, %add3A_27 : vector<16384x64xf32>
    %add3A_29 = arith.constant 0.00833333377 : f32
    %add3A_30 = vector.broadcast %add3A_29 : f32 to vector<16384x64xf32>
    %add3A_31 = arith.addf %add3A_30, %mul3A_28 : vector<16384x64xf32>
    %mul3A_32 = arith.mulf %min3A_21, %add3A_31 : vector<16384x64xf32>
    %add3A_33 = arith.constant 0.0416666679 : f32
    %add3A_34 = vector.broadcast %add3A_33 : f32 to vector<16384x64xf32>
    %add3A_35 = arith.addf %add3A_34, %mul3A_32 : vector<16384x64xf32>
    %mul3A_36 = arith.mulf %min3A_21, %add3A_35 : vector<16384x64xf32>
    %add3A_37 = arith.constant 0.166666672 : f32
    %add3A_38 = vector.broadcast %add3A_37 : f32 to vector<16384x64xf32>
    %add3A_39 = arith.addf %add3A_38, %mul3A_36 : vector<16384x64xf32>
    %mul3A_40 = arith.mulf %min3A_21, %add3A_39 : vector<16384x64xf32>
    %add3A_41 = arith.constant 5.000000e-01 : f32
    %add3A_42 = vector.broadcast %add3A_41 : f32 to vector<16384x64xf32>
    %add3A_43 = arith.addf %add3A_42, %mul3A_40 : vector<16384x64xf32>
    %mul3A_44 = arith.mulf %min3A_21, %add3A_43 : vector<16384x64xf32>
    %add3A_45 = arith.constant 1.000000e+00 : f32
    %add3A_46 = vector.broadcast %add3A_45 : f32 to vector<16384x64xf32>
    %add3A_47 = arith.addf %add3A_46, %mul3A_44 : vector<16384x64xf32>
    %mul3A_48 = arith.mulf %min3A_21, %add3A_47 : vector<16384x64xf32>
    %gt3A_49 = arith.constant -0.346573591 : f32
    %gt3A_50 = vector.broadcast %gt3A_49 : f32 to vector<16384x64xf32>
    %gt3A_51 = arith.cmpf ogt, %min3A_21, %gt3A_50 : vector<16384x64xf32>
    %max3A = arith.constant -8.000000e+01 : f32
    %max3A_52 = vector.broadcast %max3A : f32 to vector<16384x64xf32>
    %max3A_53 = arith.maximumf %min3A_21, %max3A_52 : vector<16384x64xf32>
    %mul3A_54 = arith.constant 1.44269502 : f32
    %mul3A_55 = vector.broadcast %mul3A_54 : f32 to vector<16384x64xf32>
    %mul3A_56 = arith.mulf %max3A_53, %mul3A_55 : vector<16384x64xf32>
    %add3A_57 = arith.constant 5.000000e-01 : f32
    %add3A_58 = vector.broadcast %add3A_57 : f32 to vector<16384x64xf32>
    %add3A_59 = arith.addf %mul3A_56, %add3A_58 : vector<16384x64xf32>
    %floor3A = math.floor %add3A_59 : vector<16384x64xf32>
    %mul3A_60 = arith.constant 0.693359375 : f32
    %mul3A_61 = vector.broadcast %mul3A_60 : f32 to vector<16384x64xf32>
    %mul3A_62 = arith.mulf %floor3A, %mul3A_61 : vector<16384x64xf32>
    %sub3A_63 = arith.subf %max3A_53, %mul3A_62 : vector<16384x64xf32>
    %mul3A_64 = arith.constant -2.12194442E-4 : f32
    %mul3A_65 = vector.broadcast %mul3A_64 : f32 to vector<16384x64xf32>
    %mul3A_66 = arith.mulf %floor3A, %mul3A_65 : vector<16384x64xf32>
    %sub3A_67 = arith.subf %sub3A_63, %mul3A_66 : vector<16384x64xf32>
    %mul3A_68 = arith.constant 0.00138888892 : f32
    %mul3A_69 = vector.broadcast %mul3A_68 : f32 to vector<16384x64xf32>
    %mul3A_70 = arith.mulf %sub3A_67, %mul3A_69 : vector<16384x64xf32>
    %add3A_71 = arith.constant 0.00833333377 : f32
    %add3A_72 = vector.broadcast %add3A_71 : f32 to vector<16384x64xf32>
    %add3A_73 = arith.addf %add3A_72, %mul3A_70 : vector<16384x64xf32>
    %mul3A_74 = arith.mulf %sub3A_67, %add3A_73 : vector<16384x64xf32>
    %add3A_75 = arith.constant 0.0416666679 : f32
    %add3A_76 = vector.broadcast %add3A_75 : f32 to vector<16384x64xf32>
    %add3A_77 = arith.addf %add3A_76, %mul3A_74 : vector<16384x64xf32>
    %mul3A_78 = arith.mulf %sub3A_67, %add3A_77 : vector<16384x64xf32>
    %add3A_79 = arith.constant 0.166666672 : f32
    %add3A_80 = vector.broadcast %add3A_79 : f32 to vector<16384x64xf32>
    %add3A_81 = arith.addf %add3A_80, %mul3A_78 : vector<16384x64xf32>
    %mul3A_82 = arith.mulf %sub3A_67, %add3A_81 : vector<16384x64xf32>
    %add3A_83 = arith.constant 5.000000e-01 : f32
    %add3A_84 = vector.broadcast %add3A_83 : f32 to vector<16384x64xf32>
    %add3A_85 = arith.addf %add3A_84, %mul3A_82 : vector<16384x64xf32>
    %mul3A_86 = arith.mulf %sub3A_67, %add3A_85 : vector<16384x64xf32>
    %add3A_87 = arith.constant 1.000000e+00 : f32
    %add3A_88 = vector.broadcast %add3A_87 : f32 to vector<16384x64xf32>
    %add3A_89 = arith.addf %add3A_88, %mul3A_86 : vector<16384x64xf32>
    %mul3A_90 = arith.mulf %sub3A_67, %add3A_89 : vector<16384x64xf32>
    %add3A_91 = arith.constant 1.000000e+00 : f32
    %add3A_92 = vector.broadcast %add3A_91 : f32 to vector<16384x64xf32>
    %add3A_93 = arith.addf %add3A_92, %mul3A_90 : vector<16384x64xf32>
    %convert_element_type3A = arith.fptosi %floor3A : vector<16384x64xf32> to vector<16384x64xi32>
    %add3A_94 = arith.constant 127 : i32
    %add3A_95 = vector.broadcast %add3A_94 : i32 to vector<16384x64xi32>
    %add3A_96 = arith.addi %convert_element_type3A, %add3A_95 : vector<16384x64xi32>
    %shift_left3A = arith.constant 23 : i32
    %shift_left3A_97 = vector.broadcast %shift_left3A : i32 to vector<16384x64xi32>
    %shift_left3A_98 = arith.shli %add3A_96, %shift_left3A_97 : vector<16384x64xi32>
    %bitcast_convert_type3A = tpu.bitcast %shift_left3A_98 : vector<16384x64xi32> -> vector<16384x64xf32>
    %mul3A_99 = arith.mulf %add3A_93, %bitcast_convert_type3A : vector<16384x64xf32>
    %sub3A_100 = arith.constant 1.000000e+00 : f32
    %sub3A_101 = vector.broadcast %sub3A_100 : f32 to vector<16384x64xf32>
    %sub3A_102 = arith.subf %mul3A_99, %sub3A_101 : vector<16384x64xf32>
    %select_n3A = arith.select %gt3A_51, %mul3A_48, %sub3A_102 : vector<16384x64xi1>, vector<16384x64xf32>
    %select_n3A_103 = arith.select %gt3A_19, %add3A_17, %select_n3A : vector<16384x64xi1>, vector<16384x64xf32>
    %get3A_104 = arith.constant 0 : index
    %get3A_105 = arith.constant 0 : index
    %get3A_106 = vector.load %arg5[%get3A_104, %get3A_105] : memref<64x128xf32, #tpu.memory_space<vmem>>, vector<64x128xf32>
    %dot_general3A = arith.constant dense<0.000000e+00> : vector<16384x128xf32>
    %dot_general3A_107 = tpu.matmul %select_n3A_103, %get3A_106, %dot_general3A {dimension_numbers = #tpu.dot_dimension_numbers<[1], [0], [0], [1], [0, 0, 1, 1], [], []>, transpose_lhs_hint = false} : vector<16384x64xf32>, vector<64x128xf32>, vector<16384x128xf32> -> vector<16384x128xf32>
    %slice3A = vector.extract_strided_slice %dot_general3A_107 {offsets = [0, 0], sizes = [16384, 1], strides = [1, 1]} : vector<16384x128xf32> to vector<16384x1xf32>
    %get3A_108 = arith.constant 0 : index
    %get3A_109 = arith.constant 0 : index
    %get3A_110 = vector.load %arg6[%get3A_108, %get3A_109] : memref<1x1xf32, #tpu.memory_space<vmem>>, vector<1x1xf32>
    %add3A_111 = vector.broadcast %get3A_110 : vector<1x1xf32> to vector<16384x1xf32>
    %add3A_112 = arith.addf %slice3A, %add3A_111 : vector<16384x1xf32>
    %gt3A_113 = arith.constant 0.000000e+00 : f32
    %gt3A_114 = vector.broadcast %gt3A_113 : f32 to vector<16384x1xf32>
    %gt3A_115 = arith.cmpf ogt, %add3A_112, %gt3A_114 : vector<16384x1xf32>
    %jit3A = arith.constant 0.000000e+00 : f32
    %broadcast_in_dim3A = vector.shape_cast %gt3A_115 : vector<16384x1xi1> to vector<16384x1xi1>
    %broadcast_in_dim3A_116 = vector.broadcast %broadcast_in_dim3A : vector<16384x1xi1> to vector<16384x64xi1>
    %broadcast_in_dim3A_117 = vector.broadcast %jit3A : f32 to vector<16384x64xf32>
    %select_n3A_118 = arith.select %broadcast_in_dim3A_116, %select_n3A_103, %broadcast_in_dim3A_117 : vector<16384x64xi1>, vector<16384x64xf32>
    %swap3A = arith.constant 0 : index
    %swap3A_119 = arith.constant 0 : index
    %swap3A_120 = vector.load %arg7[%swap3A, %swap3A_119] : memref<16384x64xf32, #tpu.memory_space<vmem>>, vector<16384x64xf32>
    tpu.vector_store %arg7[%swap3A, %swap3A_119], %select_n3A_118 {strides = array<i32>} : memref<16384x64xf32, #tpu.memory_space<vmem>>, vector<16384x64xf32>,
    return
  }
}

</mosaic_0001>

<sc_bundles>
// kernel: kernel.14.cloned.1.call-start
scs
__scs_entry_jumppad:
0x0: {  	(pc) =	sbr.rel $0x88, $3  }
0x1: {  	(tag) =	ssettag $0x0;
	lr =	simm.s32 $0x1  }
0x2: {  	[smem:$0x3F8E] =	sst lr;
	_ =	strace $0xD0000000  }
0x3: {  	_ = 	snop  }
0x4: {  	_ = 	snop  }
0x5: {  	_ = 	snop  }
0x6: {  	_ = 	snop  }
0x7: {  	_ = 	snop  }
__scs_overlays_trampoline_lowered:
0x8: {  	[smem:$0x3F9D] =	sst s0  }
0x9: {  	[smem:$0x3F9E] =	sst s1  }
0xa: {  	[smem:$0x3F9F] =	sst s2  }
0xb: {  	[smem:$0x3FA0] =	sst s3  }
0xc: {  	[smem:$0x3FA1] =	sst s4  }
0xd: {  	[smem:$0x3FA2] =	sst s5  }
0xe: {  	[smem:$0x3FA3] =	sst s6  }
0xf: {  	[smem:$0x3FA4] =	sst s7  }
0x10: {  	[smem:$0x3FA5] =	sst s8  }
0x11: {  	[smem:$0x3FA6] =	sst s9;
	s0 =	simm.s32 @!p0 $0x0  }
0x12: {  	s1 =	sld [smem:$0x3F8C];
	s0 =	simm.s32 @p0 $0x1  }
0x13: {  	[smem:$0x3FA7] =	sst s0;
	s0 =	simm.s32 @!p1 $0x0  }
0x14: {  	s2 =	sld [smem:$0x3F8B];
	s0 =	simm.s32 @p1 $0x1  }
0x15: {  	[smem:$0x3FA8] =	sst s0;
	s0 =	simm.s32 @!p2 $0x0  }
0x16: {  	s3 =	sld [smem:$0x3FDB];
	s0 =	simm.s32 @p2 $0x1  }
0x17: {  	s4 =	simm.s32 $0x1BF5;
	[smem:$0x3FAA] =	sst s0  }
0x18: {  	s0 =	sld [smem:$0x3F8D];
	_ =	swait.ge [sflag:s4], $0x0  }
0x19: {  	s7 =	sld [smem:$0x3F8E]  }
0x1a: {  	s8 =	sadd.s32 $0xFFFFE003, lr  }
0x1b: {  	s9 =	sadd.s32 $0xFFFFFEF7, lr;
	s5 =	simm.s32 $0xFFFFFFFF;
	p2 =	slt.u32 s8, $0xFFFFF086  }
0x1c: {  	p1 =	slt.u32 s9, $0xF7A;
	s5 =	simm.s32 @!p2 $0x0  }
0x1d: {  	s5 =	simm.s32 @p1 $0x1;
	p0 =	seq.s32 s7, s2  }
0x1e: {  	s7 =	smul.u32 @!p0 $0xF7A, s2;
	p2 =	seq.s32 @!p0 s5, $0x0  }
0x1f: {  	s9 =	smul.u32 $0xF7A, s1;
	s8 =	simm.s32 @!p0 $0x1BF5;
	p2 =	por !p2, p0  }
0x20: {  	[sflag:s8] =	ssyncset.s32 @!p0 $0xFFFFF086;
	s6 =	sadd.s32 @!p0 s3, s7;
	s7 =	simm.s32 @!p0 $0x108  }
0x21: {  	s3 =	sadd.s32 s3, s9;
	s6 =	sadd.s32 @!p0 $0x88, s6;
	s7 =	simm.s32 @p2 $0x1082  }
0x22: {  	[simem:s7], [sflag:s8] =	dma.local @!p0 [hbm:s6], $0xF7A  }
0x23: {  	s9 =	sor.u32 $0xD0000000, s2;
	s6 =	simm.s32 $0x108;
	_ =	swait.ge @!p0 [sflag:s8], $0x0  }
0x24: {  	s3 =	sadd.s32 $0x88, s3;
	s6 =	simm.s32 @!p1 $0x1082;
	[sflag:s4] =	ssyncset.s32 $0xFFFFF086  }
0x25: {  	[simem:s6], [sflag:s4] =	dma.local [hbm:s3], $0xF7A  }
0x26: {  	[smem:$0x3F8E] =	sst s1;
	(tag) =	ssettag s2;
	_ =	strace s9  }
0x27: {  	s1 =	sld [smem:$0x3F9E]  }
0x28: {  	s2 =	sld [smem:$0x3F9F]  }
0x29: {  	s4 =	sld [smem:$0x3FA1]  }
0x2a: {  	p0 =	seq.s32 s5, $0x0;
	s5 =	sld [smem:$0x3FA2]  }
0x2b: {  	s6 =	sld [smem:$0x3FA3]  }
0x2c: {  	s7 =	sld [smem:$0x3FA4]  }
0x2d: {  	s3 =	simm.s32 $0x108;
	s8 =	sld [smem:$0x3FA5]  }
0x2e: {  	s3 =	simm.s32 @!p0 $0x1082;
	s9 =	sld [smem:$0x3FA6]  }
0x2f: {  	lr =	sadd.s32 s0, s3;
	s0 =	sld [smem:$0x3F9D]  }
0x30: {  	s3 =	sld [smem:$0x3FA0]  }
0x31: {  	[smem:$0x3FA9] =	sst s10  }
0x32: {  	s10 =	sld [smem:$0x3FA7];
	_ =	sdelay $0x3  }
0x33: {  	p0 =	seq.s32 s10, $0x1;
	s10 =	sld [smem:$0x3FA9];
	_ =	sdelay $0x3  }
0x34: {  	[smem:$0x3FA9] =	sst s10  }
0x35: {  	s10 =	sld [smem:$0x3FA8];
	_ =	sdelay $0x3  }
0x36: {  	p1 =	seq.s32 s10, $0x1;
	s10 =	sld [smem:$0x3FA9];
	_ =	sdelay $0x3  }
0x37: {  	[smem:$0x3FA9] =	sst s10  }
0x38: {  	s10 =	sld [smem:$0x3FAA]  }
0x39: {  	_ = 	snop;
	(pc) =	sbr.ind lr, $3  }
0x3a: {  	_ = 	snop  }
0x3b: {  	_ = 	snop  }
0x3c: {  	p2 =	seq.s32 s10, $0x1;
	s10 =	sld [smem:$0x3FA9]  }
0x3d: {  	_ =	shalt  }
0x3e: {  	_ =	shalt  }
0x3f: {  	_ =	shalt  }
0x40: {  	_ =	shalt  }
0x41: {  	_ =	shalt  }
0x42: {  	_ =	shalt  }
0x43: {  	_ =	shalt  }
0x44: {  	_ =	shalt  }
0x45: {  	_ =	shalt  }
0x46: {  	_ =	shalt  }
0x47: {  	_ =	shalt  }
0x48: {  	_ =	shalt  }
0x49: {  	_ =	shalt  }
0x4a: {  	_ =	shalt  }
0x4b: {  	_ =	shalt  }
0x4c: {  	_ =	shalt  }
0x4d: {  	_ =	shalt  }
0x4e: {  	_ =	shalt  }
0x4f: {  	_ =	shalt  }
0x50: {  	_ =	shalt  }
0x51: {  	_ =	shalt  }
0x52: {  	_ =	shalt  }
0x53: {  	_ =	shalt  }
0x54: {  	_ =	shalt  }
0x55: {  	_ =	shalt  }
0x56: {  	_ =	shalt  }
0x57: {  	_ =	shalt  }
0x58: {  	_ =	shalt  }
0x59: {  	_ =	shalt  }
0x5a: {  	_ =	shalt  }
0x5b: {  	_ =	shalt  }
0x5c: {  	_ =	shalt  }
0x5d: {  	_ =	shalt  }
0x5e: {  	_ =	shalt  }
0x5f: {  	_ =	shalt  }
0x60: {  	_ =	shalt  }
0x61: {  	_ =	shalt  }
0x62: {  	_ =	shalt  }
0x63: {  	_ =	shalt  }
0x64: {  	_ =	shalt  }
0x65: {  	_ =	shalt  }
0x66: {  	_ =	shalt  }
0x67: {  	_ =	shalt  }
0x68: {  	_ =	shalt  }
0x69: {  	_ =	shalt  }
0x6a: {  	_ =	shalt  }
0x6b: {  	_ =	shalt  }
0x6c: {  	_ =	shalt  }
0x6d: {  	_ =	shalt  }
0x6e: {  	_ =	shalt  }
0x6f: {  	_ =	shalt  }
0x70: {  	_ =	shalt  }
0x71: {  	_ =	shalt  }
0x72: {  	_ =	shalt  }
0x73: {  	_ =	shalt  }
0x74: {  	_ =	shalt  }
0x75: {  	_ =	shalt  }
0x76: {  	_ =	shalt  }
0x77: {  	_ =	shalt  }
0x78: {  	_ =	shalt  }
0x79: {  	_ =	shalt  }
0x7a: {  	_ =	shalt  }
0x7b: {  	_ =	shalt  }
0x7c: {  	_ =	shalt  }
0x7d: {  	_ =	shalt  }
0x7e: {  	_ =	shalt  }
0x7f: {  	_ =	shalt  }
0x80: {  	_ =	shalt  }
0x81: {  	_ =	shalt  }
0x82: {  	_ =	shalt  }
0x83: {  	_ =	shalt  }
0x84: {  	_ =	shalt  }
0x85: {  	_ =	shalt  }
0x86: {  	_ =	shalt  }
0x87: {  	_ =	shalt  }
.Lfunc_end0:
.L_simem_size_0:
called_computation_lowered:
.L_overlay_start_0:
0x88: {  	s2 =	sld [smem:$0x3FD9]  }
0x89: {  	s3 =	sld [smem:$0x3FFE];
	_ =	sdelay $0x1  }
0x8a: {  	s1 =	srdreg.scid  }
0x8b: {  	s0 =	sand.u32 $0x1, s1  }
0x8c: {  	s16 =	sshll.u32 s0, $0xA;
	s2 =	sadd.s32 s3, s2  }
0x8d: {  	s2 =	sadd.s32 s2, s16  }
0x8e: {  	[smem:$0x3FB5] =	sst s2  }
0x8f: {  	_ = 	snop  }
0x90: {  	(tm) =	ssettm $0x1  }
0x91: {  	s17 =	sld [smem:$0x3FFB];
	_ =	sdelay $0x3  }
0x92: {  	_ =	strace s17  }
0x93: {  	s2 =	sld [smem:$0x3FFC];
	_ =	sdelay $0x3  }
0x94: {  	_ =	strace s2  }
0x95: {  	s2 =	sld [smem:$0x3FFD];
	_ =	sdelay $0x3  }
0x96: {  	_ =	strace s2  }
0x97: {  	_ =	strace $0x8FFFFFFF  }
0x98: {  	s18 =	sld [smem:$0x3FDB];
	_ =	sdelay $0x1  }
0x99: {  	s19 =	simm.s32 $_scs_section_size  }
0x9a: {  	s4 =	simm.s32 $_size__tile_overlayer_lowered;
	s5 =	simm.s32 $_tile_overlayer_lowered  }
0x9b: {  	s22 =	simm.s32 $0x1BFF;
	s21 =	sshll.u32 s5, $0x1;
	s2 =	sadd.s32 s19, s18  }
0x9c: {  	s6 =	simm.s32 $0x0;
	s20 =	sshll.u32 s4, $0x1;
	s4 =	sadd.s32 s21, s2  }
0x9d: {  	[timem:s6], [sflag:s22] =	dma.local [hbm:s4], s20  }
0x9e: {  	_ =	swait.ge [sflag:s22], s20  }
0x9f: {  	s3 =	ssub.s32 $0x0, s20;
	[sflag:s22] =	ssyncset.done $0x0  }
0xa0: {  	[sflag:s22] =	ssyncadd.s32 s3;
	_ =	sdelay $0x1  }
0xa1: {  	s23 =	simm.s32 $0x1B8B  }
0xa2: {  	_ =	swait.ge [sflag:s23], $0x1  }
0xa3: {  	[sflag:s23] =	ssyncset.done $0x0  }
0xa4: {  	s25 =	simm.s32 $0x1B8E;
	s24 =	sld [smem:$0x3FFE];
	[sflag:s23] =	ssyncadd.s32 $0xFFFFFFFF  }
0xa5: {  	s26 =	simm.s32 $execute0_lowered;
	[smem:$0x3FD2] =	sst s25  }
0xa6: {  	s4 =	sshll.u32 s26, $0x1;
	_ =	strace $0x80000046;
	[dreg:$0x1] =	wrdreg $0xFFFFFFFF  }
0xa7: {  	s28 =	simm.s32 $_size_execute0_lowered;
	s2 =	sadd.s32 s2, s4;
	[dreg:$0x0] =	wrdreg $0x0  }
0xa8: {  	s4 =	sshll.u32 s28, $0x1;
	[dreg:$0x2] =	wrdreg s2  }
0xa9: {  	[dreg:$0x3] =	wrdreg s4  }
0xaa: {  	[dreg:$0x4] =	wrdreg $0xC0  }
0xab: {  	_ =	task [dreg:s6], $0x5FFFF  }
0xac: {  	[dreg:$0x1] =	wrdreg $0xFFFFFFFF  }
0xad: {  	[dreg:$0x0] =	wrdreg $0x60  }
0xae: {  	[dreg:$0x2] =	wrdreg s24  }
0xaf: {  	[dreg:$0x3] =	wrdreg $0xC6000  }
0xb0: {  	[dreg:$0x4] =	wrdreg $0x9  }
0xb1: {  	_ =	task.clear_ibuf [dreg:s6], $0x5FFFF;
	_ =	strace $0x90000046  }
0xb2: {  	s29 =	simm.s32 $0x9;
	_ =	strace $0x80000048  }
0xb3: {  	_ =	swait.ge [sflag:s29], $0x1  }
0xb4: {  	[sflag:s29] =	ssyncadd.s32 $0xFFFFFFFF  }
0xb5: {  	_ =	strace $0x90000048  }
0xb6: {  	_ =	sfence  }
0xb7: {  	s30 =	sld [smem:$0x0];
	_ =	sdelay $0x2  }
0xb8: {  	s31 =	sshll.u32 s1, $0xD;
	s1 =	sshrl.u32 s1, $0x2  }
0xb9: {  	s3 =	sand.u32 $0x4000, s31;
	s1 =	sadd.s32 s1, s30  }
0xba: {  	s0 =	sor.u32 s3, s0;
	s1 =	sshll.u32 s1, $0x11  }
0xbb: {  	s0 =	sor.u32 s1, s0  }
0xbc: {  	s0 =	sadd.s32 $0x8F2B, s0  }
0xbd: {  	[sflag:s0] =	ssyncadd.remote.s32 $0x1  }
0xbe: {  	_ =	sfence.sel $0xFFFF  }
0xbf: {  	[dreg:$0x0] =	wrdreg $0xFFFFFFFF;
	(pc) =	sbr.abs _section_cstart, $3  }
0xc0: {  	[dreg:$0x1] =	wrdreg $0xFFFFFFFF  }
0xc1: {  	_ =	task.clear_ibuf [dreg:s6], $0x2FFFF;
	_ =	strace $0x9FFFFFFF  }
0xc2: {  	(tm) =	ssettm $0x7FFFFFFF  }
0xc3: {  	_ =	shalt  }
tec
execute0_lowered:
.L_overlay_start_1:
0x0: {  	(tag) =	ssettag $0x1  }
0x1: {  	s0 =	srdreg.scid  }
0x2: {  	s8 =	stileid.u32;
	s1 =	rddreg [dreg:$0x0]  }
0x3: {  	s2 =	rddreg [dreg:$0x1];
	s3 =	simm.s32 $0x0;
	s11 =	simm.s32 $0x600  }
0x4: {  	s12 =	simm.s32 $0x2;
	s13 =	simm.s32 $0x300;
	s14 =	simm.s32 $0x80  }
0x5: {  	s15 =	simm.s32 $0x2600;
	s16 =	simm.s32 $0x100;
	s17 =	simm.s32 $0x4600  }
0x6: {  	s18 =	simm.s32 $0x180;
	s19 =	simm.s32 $0x6600;
	s20 =	simm.s32 $0x200  }
0x7: {  	s21 =	simm.s32 $0x8600;
	s28 =	simm.s32 $0x480;
	s29 =	simm.s32 $0x500  }
0x8: {  	s30 =	simm.s32 $0x580;
	s31 =	simm.s32 $0x0;
	s0 =	sand.u32 $0x1, s0  }
0x9: {  	s4 =	smul.u32 $0x3600, s8;
	[smem:$0x7FF] =	sst s3;
	s22 =	sshll.u32 s8, $0xD  }
0xa: {  	s23 =	sshll.u32 s8, $0x10;
	s5 =	smul.u32 $0x1B00, s0;
	s7 =	ssub.s32 $0x2, s0  }
0xb: {  	_ =	strace $0x80000047;
	s0 =	sshll.u32 s0, $0x11;
	s24 =	sshrl.u32 s7, $0x1  }
0xc: {  	s4 =	sadd.s32 s5, s4;
	s8 =	ssub.s32 s7, s24;
	s24 =	simm.s32 $0x1  }
0xd: {  	s5 =	sshrl.u32 s4, $0x3;
	s4 =	sadd.s32 $0x361200, s1;
	s26 =	smax.u32 s8, $0x1  }
0xe: {  	s6 =	sadd.s32 s5, s1;
	s1 =	sadd.s32 s22, s1;
	s5 =	sadd.s32 s23, s2  }
0xf: {  	[dreg:$0x5] =	wrdreg s26;
	s22 =	simm.s32 $0x280;
	s23 =	simm.s32 $0xA600  }
0x10: {  	s26 =	simm.s32 $0x400;
	s25 =	sadd.s32 $0x8000, s5;
	s0 =	sadd.s32 s0, s1  }
0x11: {  	s9 =	sadd.s32 $0x7E00, s6;
	[dreg:$0x3] =	wrdreg s25;
	s0 =	sadd.s32 $0xEA00, s0  }
0x12: {  	v0 =	vimm.f32 $0.0e+00;
	s10 =	sadd.s32 $0x1200, s6;
	s25 =	simm.s32 $0x380;
	[dreg:$0x4] =	wrdreg s0  }
.LBB2_1:
0x13: {  	s1 =	simm.s32 $0x100;
	s0 =	simm.s32 $0x0  }
.LBB2_2:
0x14: {  	p0 =	sne.s32 s1, $0x1FF00;
	[tilespmem:s0+$0x630] =	vst v0;
	s6 =	smov.u32 s1;
	s1 =	sadd.s32 $0x100, s1  }
.Ltmp0:
0x15: {  	[tilespmem:s0+$0x620] =	vst v0;
	(pc) =	sbr.rel @p0 .LBB2_2-.Ltmp0, $3  }
0x16: {  	[tilespmem:s0+$0x600] =	vst v0  }
0x17: {  	[tilespmem:s0+$0x610] =	vst v0;
	_ =	sdelay $0x1  }
0x18: {  	s0 =	sshra.s32 s6, $0x2  }
0x19: {  	[tilespmem:s0+$0x630] =	vst v0  }
0x1a: {  	[tilespmem:s0+$0x620] =	vst v0  }
0x1b: {  	[tilespmem:s0+$0x600] =	vst v0  }
0x1c: {  	[tilespmem:s0+$0x610] =	vst v0  }
0x1d: {  	[spmem:s5] =	stream.linear.scatter [tilespmem:s11], [sflag:$0x2], $0x8000, $0x38;
	[tilespmem:$0x1C600] =	vst v63  }
0x1e: {  	_ =	swait.ge [sflag:s12], $0x8000  }
0x1f: {  	[sflag:s12] =	ssyncset.done $0x0  }
0x20: {  	s6 =	rddreg [dreg:$0x3];
	[sflag:s12] =	ssyncadd.s32 $0xFFFF8000  }
0x21: {  	[spmem:s6] =	stream.linear.scatter [tilespmem:s11], [sflag:$0x2], $0x8000, $0x38;
	[tilespmem:$0x1C600] =	vst v63  }
0x22: {  	_ =	swait.ge [sflag:s12], $0x8000  }
0x23: {  	[sflag:s12] =	ssyncset.done $0x0  }
0x24: {  	[sflag:s12] =	ssyncadd.s32 $0xFFFF8000  }
0x25: {  	s7 =	sadd.s32 $0x0, s10;
	[bflag:$0x0] =	sbarrier.arrive $0xFFFF  }
0x26: {  	[tilespmem:s3], [sflag:$0x2] =	stream.linear.gather [hbm4b:s7+s3], $0x300, $0x38;
	[tilespmem:$0x1C600] =	vst v63  }
0x27: {  	_ =	swait.ge [sflag:s12], $0x300  }
0x28: {  	[sflag:s12] =	ssyncset.done $0x0  }
0x29: {  	s8 =	sadd.s32 $0x0, s9;
	[sflag:s12] =	ssyncadd.s32 $0xFFFFFD00  }
0x2a: {  	[tilespmem:s13], [sflag:$0x2] =	stream.linear.gather [hbm4b:s8+s3], $0x300, $0x38;
	[tilespmem:$0x1C600] =	vst v63  }
0x2b: {  	_ =	swait.ge [sflag:s12], $0x300  }
0x2c: {  	[sflag:s12] =	ssyncset.done $0x0  }
0x2d: {  	[sflag:s12] =	ssyncadd.s32 $0xFFFFFD00  }
0x2e: {  	[tilespmem:s11], [sflag:$0x1] =	stream.indirect.gather [hbm4b:s4+s14], $0x40, s3, s14, $0xb8;
	[tilespmem:$0x1C600] =	vst v63  }
0x2f: {  	_ = 	snop  }
0x30: {  	[tilespmem:s15], [sflag:$0x1] =	stream.indirect.gather [hbm4b:s4+s14], $0x40, s14, s14, $0xb8;
	[tilespmem:$0x1C600] =	vst v63  }
0x31: {  	_ = 	snop  }
0x32: {  	[tilespmem:s17], [sflag:$0x1] =	stream.indirect.gather [hbm4b:s4+s14], $0x40, s16, s14, $0xb8;
	[tilespmem:$0x1C600] =	vst v63  }
0x33: {  	_ = 	snop  }
0x34: {  	[tilespmem:s19], [sflag:$0x1] =	stream.indirect.gather [hbm4b:s4+s14], $0x40, s18, s14, $0xb8;
	[tilespmem:$0x1C600] =	vst v63  }
0x35: {  	_ = 	snop  }
0x36: {  	[tilespmem:s21], [sflag:$0x1] =	stream.indirect.gather [hbm4b:s4+s14], $0x40, s20, s14, $0xb8;
	[tilespmem:$0x1C600] =	vst v63  }
0x37: {  	_ = 	snop  }
0x38: {  	[tilespmem:s23], [sflag:$0x1] =	stream.indirect.gather [hbm4b:s4+s14], $0x40, s22, s14, $0xb8;
	[tilespmem:$0x1C600] =	vst v63  }
0x39: {  	_ =	swait.ge [sflag:s24], $0x2000  }
0x3a: {  	[sflag:s24] =	ssyncset.done $0x0  }
0x3b: {  	[sflag:s24] =	ssyncadd.s32 $0xFFFFE000  }
0x3c: {  	_ =	swait.ge [sflag:s24], $0x2000  }
0x3d: {  	[sflag:s24] =	ssyncset.done $0x0  }
0x3e: {  	[sflag:s24] =	ssyncadd.s32 $0xFFFFE000  }
0x3f: {  	_ =	swait.ge [sflag:s24], $0x2000  }
0x40: {  	[sflag:s24] =	ssyncset.done $0x0  }
0x41: {  	[sflag:s24] =	ssyncadd.s32 $0xFFFFE000  }
0x42: {  	_ =	swait.ge [sflag:s24], $0x2000  }
0x43: {  	[sflag:s24] =	ssyncset.done $0x0  }
0x44: {  	[sflag:s24] =	ssyncadd.s32 $0xFFFFE000  }
0x45: {  	_ =	swait.ge [sflag:s24], $0x2000  }
0x46: {  	[sflag:s24] =	ssyncset.done $0x0  }
0x47: {  	[sflag:s24] =	ssyncadd.s32 $0xFFFFE000  }
0x48: {  	_ =	swait.ge [sflag:s24], $0x2000  }
0x49: {  	[sflag:s24] =	ssyncset.done $0x0  }
0x4a: {  	[sflag:s24] =	ssyncadd.s32 $0xFFFFE000  }
0x4b: {  	[spmem:s2] =	stream.indirect.scatter.add.f32 [tilespmem:s11], [sflag:$0x2], $0x40, s13, s14, $0xb8;
	[tilespmem:$0x1C600] =	vst v63  }
0x4c: {  	_ =	swait.ge [sflag:s12], $0x2000  }
0x4d: {  	[sflag:s12] =	ssyncset.done $0x0  }
0x4e: {  	[sflag:s12] =	ssyncadd.s32 $0xFFFFE000  }
0x4f: {  	[spmem:s2] =	stream.indirect.scatter.add.f32 [tilespmem:s15], [sflag:$0x2], $0x40, s25, s14, $0xb8;
	[tilespmem:$0x1C600] =	vst v63  }
0x50: {  	_ =	swait.ge [sflag:s12], $0x2000  }
0x51: {  	[sflag:s12] =	ssyncset.done $0x0  }
0x52: {  	[sflag:s12] =	ssyncadd.s32 $0xFFFFE000  }
0x53: {  	[spmem:s2] =	stream.indirect.scatter.add.f32 [tilespmem:s17], [sflag:$0x2], $0x40, s26, s14, $0xb8;
	[tilespmem:$0x1C600] =	vst v63  }
0x54: {  	_ =	swait.ge [sflag:s12], $0x2000  }
0x55: {  	[sflag:s12] =	ssyncset.done $0x0  }
0x56: {  	[sflag:s12] =	ssyncadd.s32 $0xFFFFE000  }
0x57: {  	[spmem:s2] =	stream.indirect.scatter.add.f32 [tilespmem:s19], [sflag:$0x2], $0x40, s28, s14, $0xb8;
	[tilespmem:$0x1C600] =	vst v63  }
0x58: {  	_ =	swait.ge [sflag:s12], $0x2000  }
0x59: {  	[sflag:s12] =	ssyncset.done $0x0  }
0x5a: {  	[sflag:s12] =	ssyncadd.s32 $0xFFFFE000  }
0x5b: {  	[spmem:s2] =	stream.indirect.scatter.add.f32 [tilespmem:s21], [sflag:$0x2], $0x40, s29, s14, $0xb8;
	[tilespmem:$0x1C600] =	vst v63  }
0x5c: {  	_ =	swait.ge [sflag:s12], $0x2000  }
0x5d: {  	[sflag:s12] =	ssyncset.done $0x0  }
0x5e: {  	[sflag:s12] =	ssyncadd.s32 $0xFFFFE000  }
0x5f: {  	[spmem:s2] =	stream.indirect.scatter.add.f32 [tilespmem:s23], [sflag:$0x2], $0x40, s30, s14, $0xb8;
	[tilespmem:$0x1C600] =	vst v63  }
0x60: {  	_ =	swait.ge [sflag:s12], $0x2000  }
0x61: {  	s1 =	simm.s32 $0x60;
	s0 =	simm.s32 $0xC0;
	[sflag:s12] =	ssyncset.done $0x0  }
.LBB2_4:
0x62: {  	s7 =	sadd.s32 s1, s10  }
0x63: {  	[sflag:s12] =	ssyncadd.s32 $0xFFFFE000;
	s8 =	smov.u32 s0;
	s6 =	sadd.s32 $0x60, s0  }
0x64: {  	[tilespmem:s3], [sflag:$0x2] =	stream.linear.gather [hbm4b:s7+s3], $0x300, $0x38;
	[tilespmem:$0x1C600] =	vst v63  }
0x65: {  	p0 =	sne.s32 s0, $0x300;
	_ =	swait.ge [sflag:s12], $0x300  }
0x66: {  	[sflag:s12] =	ssyncset.done $0x0  }
0x67: {  	s0 =	sadd.s32 s1, s9;
	s1 =	smov.u32 s8;
	[sflag:s12] =	ssyncadd.s32 $0xFFFFFD00  }
0x68: {  	[tilespmem:s13], [sflag:$0x2] =	stream.linear.gather [hbm4b:s0+s3], $0x300, $0x38;
	[tilespmem:$0x1C600] =	vst v63  }
0x69: {  	_ =	swait.ge [sflag:s12], $0x300  }
0x6a: {  	[sflag:s12] =	ssyncset.done $0x0  }
0x6b: {  	[sflag:s12] =	ssyncadd.s32 $0xFFFFFD00  }
0x6c: {  	[tilespmem:s11], [sflag:$0x1] =	stream.indirect.gather [hbm4b:s4+s14], $0x40, s3, s14, $0xb8;
	[tilespmem:$0x1C600] =	vst v63  }
0x6d: {  	_ = 	snop  }
0x6e: {  	[tilespmem:s15], [sflag:$0x1] =	stream.indirect.gather [hbm4b:s4+s14], $0x40, s14, s14, $0xb8;
	[tilespmem:$0x1C600] =	vst v63  }
0x6f: {  	_ = 	snop  }
0x70: {  	[tilespmem:s17], [sflag:$0x1] =	stream.indirect.gather [hbm4b:s4+s14], $0x40, s16, s14, $0xb8;
	[tilespmem:$0x1C600] =	vst v63  }
0x71: {  	_ = 	snop  }
0x72: {  	[tilespmem:s19], [sflag:$0x1] =	stream.indirect.gather [hbm4b:s4+s14], $0x40, s18, s14, $0xb8;
	[tilespmem:$0x1C600] =	vst v63  }
0x73: {  	_ = 	snop  }
0x74: {  	[tilespmem:s21], [sflag:$0x1] =	stream.indirect.gather [hbm4b:s4+s14], $0x40, s20, s14, $0xb8;
	[tilespmem:$0x1C600] =	vst v63  }
0x75: {  	_ = 	snop  }
0x76: {  	[tilespmem:s23], [sflag:$0x1] =	stream.indirect.gather [hbm4b:s4+s14], $0x40, s22, s14, $0xb8;
	[tilespmem:$0x1C600] =	vst v63  }
0x77: {  	_ =	swait.ge [sflag:s24], $0x2000  }
0x78: {  	[sflag:s24] =	ssyncset.done $0x0  }
0x79: {  	[sflag:s24] =	ssyncadd.s32 $0xFFFFE000  }
0x7a: {  	_ =	swait.ge [sflag:s24], $0x2000  }
0x7b: {  	[sflag:s24] =	ssyncset.done $0x0  }
0x7c: {  	[sflag:s24] =	ssyncadd.s32 $0xFFFFE000  }
0x7d: {  	_ =	swait.ge [sflag:s24], $0x2000  }
0x7e: {  	[sflag:s24] =	ssyncset.done $0x0  }
0x7f: {  	[sflag:s24] =	ssyncadd.s32 $0xFFFFE000  }
0x80: {  	_ =	swait.ge [sflag:s24], $0x2000  }
0x81: {  	[sflag:s24] =	ssyncset.done $0x0  }
0x82: {  	[sflag:s24] =	ssyncadd.s32 $0xFFFFE000  }
0x83: {  	_ =	swait.ge [sflag:s24], $0x2000  }
0x84: {  	[sflag:s24] =	ssyncset.done $0x0  }
0x85: {  	[sflag:s24] =	ssyncadd.s32 $0xFFFFE000  }
0x86: {  	_ =	swait.ge [sflag:s24], $0x2000  }
0x87: {  	[sflag:s24] =	ssyncset.done $0x0  }
0x88: {  	[sflag:s24] =	ssyncadd.s32 $0xFFFFE000  }
0x89: {  	[spmem:s2] =	stream.indirect.scatter.add.f32 [tilespmem:s11], [sflag:$0x2], $0x40, s13, s14, $0xb8;
	[tilespmem:$0x1C600] =	vst v63  }
0x8a: {  	_ =	swait.ge [sflag:s12], $0x2000  }
0x8b: {  	[sflag:s12] =	ssyncset.done $0x0  }
0x8c: {  	[sflag:s12] =	ssyncadd.s32 $0xFFFFE000  }
0x8d: {  	[spmem:s2] =	stream.indirect.scatter.add.f32 [tilespmem:s15], [sflag:$0x2], $0x40, s25, s14, $0xb8;
	[tilespmem:$0x1C600] =	vst v63  }
0x8e: {  	_ =	swait.ge [sflag:s12], $0x2000  }
0x8f: {  	[sflag:s12] =	ssyncset.done $0x0  }
0x90: {  	[sflag:s12] =	ssyncadd.s32 $0xFFFFE000  }
0x91: {  	[spmem:s2] =	stream.indirect.scatter.add.f32 [tilespmem:s17], [sflag:$0x2], $0x40, s26, s14, $0xb8;
	[tilespmem:$0x1C600] =	vst v63  }
0x92: {  	_ =	swait.ge [sflag:s12], $0x2000  }
0x93: {  	[sflag:s12] =	ssyncset.done $0x0  }
0x94: {  	[sflag:s12] =	ssyncadd.s32 $0xFFFFE000  }
0x95: {  	[spmem:s2] =	stream.indirect.scatter.add.f32 [tilespmem:s19], [sflag:$0x2], $0x40, s28, s14, $0xb8;
	[tilespmem:$0x1C600] =	vst v63  }
0x96: {  	_ =	swait.ge [sflag:s12], $0x2000  }
0x97: {  	[sflag:s12] =	ssyncset.done $0x0  }
0x98: {  	[sflag:s12] =	ssyncadd.s32 $0xFFFFE000  }
0x99: {  	[spmem:s2] =	stream.indirect.scatter.add.f32 [tilespmem:s21], [sflag:$0x2], $0x40, s29, s14, $0xb8;
	[tilespmem:$0x1C600] =	vst v63  }
0x9a: {  	_ =	swait.ge [sflag:s12], $0x2000  }
.Ltmp1:
0x9b: {  	[sflag:s12] =	ssyncset.done $0x0;
	(pc) =	sbr.rel @p0 .LBB2_4-.Ltmp1, $4  }
0x9c: {  	[sflag:s12] =	ssyncadd.s32 $0xFFFFE000  }
0x9d: {  	[spmem:s2] =	stream.indirect.scatter.add.f32 [tilespmem:s23], [sflag:$0x2], $0x40, s30, s14, $0xb8;
	[tilespmem:$0x1C600] =	vst v63  }
0x9e: {  	_ =	swait.ge [sflag:s12], $0x2000  }
0x9f: {  	s0 =	smov.u32 s6;
	[sflag:s12] =	ssyncset.done $0x0  }
0xa0: {  	s0 =	sadd.s32 s1, s10;
	[sflag:s12] =	ssyncadd.s32 $0xFFFFE000  }
0xa1: {  	[tilespmem:s3], [sflag:$0x2] =	stream.linear.gather [hbm4b:s0+s3], $0x300, $0x38;
	[tilespmem:$0x1C600] =	vst v63  }
0xa2: {  	_ =	swait.ge [sflag:s12], $0x300  }
0xa3: {  	[sflag:s12] =	ssyncset.done $0x0  }
0xa4: {  	s1 =	sadd.s32 s1, s9;
	[sflag:s12] =	ssyncadd.s32 $0xFFFFFD00  }
0xa5: {  	[tilespmem:s13], [sflag:$0x2] =	stream.linear.gather [hbm4b:s1+s3], $0x300, $0x38;
	[tilespmem:$0x1C600] =	vst v63  }
0xa6: {  	_ =	swait.ge [sflag:s12], $0x300  }
0xa7: {  	[sflag:s12] =	ssyncset.done $0x0  }
0xa8: {  	[sflag:s12] =	ssyncadd.s32 $0xFFFFFD00  }
0xa9: {  	[tilespmem:s11], [sflag:$0x1] =	stream.indirect.gather [hbm4b:s4+s14], $0x40, s3, s14, $0xb8;
	[tilespmem:$0x1C600] =	vst v63  }
0xaa: {  	_ = 	snop  }
0xab: {  	[tilespmem:s15], [sflag:$0x1] =	stream.indirect.gather [hbm4b:s4+s14], $0x40, s14, s14, $0xb8;
	[tilespmem:$0x1C600] =	vst v63  }
0xac: {  	_ = 	snop  }
0xad: {  	[tilespmem:s17], [sflag:$0x1] =	stream.indirect.gather [hbm4b:s4+s14], $0x40, s16, s14, $0xb8;
	[tilespmem:$0x1C600] =	vst v63  }
0xae: {  	_ = 	snop  }
0xaf: {  	[tilespmem:s19], [sflag:$0x1] =	stream.indirect.gather [hbm4b:s4+s14], $0x40, s18, s14, $0xb8;
	[tilespmem:$0x1C600] =	vst v63  }
0xb0: {  	_ = 	snop  }
0xb1: {  	[tilespmem:s21], [sflag:$0x1] =	stream.indirect.gather [hbm4b:s4+s14], $0x40, s20, s14, $0xb8;
	[tilespmem:$0x1C600] =	vst v63  }
0xb2: {  	_ = 	snop  }
0xb3: {  	[tilespmem:s23], [sflag:$0x1] =	stream.indirect.gather [hbm4b:s4+s14], $0x40, s22, s14, $0xb8;
	[tilespmem:$0x1C600] =	vst v63  }
0xb4: {  	_ =	swait.ge [sflag:s24], $0x2000  }
0xb5: {  	[sflag:s24] =	ssyncset.done $0x0  }
0xb6: {  	[sflag:s24] =	ssyncadd.s32 $0xFFFFE000  }
0xb7: {  	_ =	swait.ge [sflag:s24], $0x2000  }
0xb8: {  	[sflag:s24] =	ssyncset.done $0x0  }
0xb9: {  	[sflag:s24] =	ssyncadd.s32 $0xFFFFE000  }
0xba: {  	_ =	swait.ge [sflag:s24], $0x2000  }
0xbb: {  	[sflag:s24] =	ssyncset.done $0x0  }
0xbc: {  	[sflag:s24] =	ssyncadd.s32 $0xFFFFE000  }
0xbd: {  	_ =	swait.ge [sflag:s24], $0x2000  }
0xbe: {  	[sflag:s24] =	ssyncset.done $0x0  }
0xbf: {  	[sflag:s24] =	ssyncadd.s32 $0xFFFFE000  }
0xc0: {  	_ =	swait.ge [sflag:s24], $0x2000  }
0xc1: {  	[sflag:s24] =	ssyncset.done $0x0  }
0xc2: {  	[sflag:s24] =	ssyncadd.s32 $0xFFFFE000  }
0xc3: {  	_ =	swait.ge [sflag:s24], $0x2000  }
0xc4: {  	[sflag:s24] =	ssyncset.done $0x0  }
0xc5: {  	[sflag:s24] =	ssyncadd.s32 $0xFFFFE000  }
0xc6: {  	[spmem:s2] =	stream.indirect.scatter.add.f32 [tilespmem:s11], [sflag:$0x2], $0x40, s13, s14, $0xb8;
	[tilespmem:$0x1C600] =	vst v63  }
0xc7: {  	_ =	swait.ge [sflag:s12], $0x2000  }
0xc8: {  	[sflag:s12] =	ssyncset.done $0x0  }
0xc9: {  	[sflag:s12] =	ssyncadd.s32 $0xFFFFE000  }
0xca: {  	[spmem:s2] =	stream.indirect.scatter.add.f32 [tilespmem:s15], [sflag:$0x2], $0x40, s25, s14, $0xb8;
	[tilespmem:$0x1C600] =	vst v63  }
0xcb: {  	_ =	swait.ge [sflag:s12], $0x2000  }
0xcc: {  	[sflag:s12] =	ssyncset.done $0x0  }
0xcd: {  	[sflag:s12] =	ssyncadd.s32 $0xFFFFE000  }
0xce: {  	[spmem:s2] =	stream.indirect.scatter.add.f32 [tilespmem:s17], [sflag:$0x2], $0x40, s26, s14, $0xb8;
	[tilespmem:$0x1C600] =	vst v63  }
0xcf: {  	_ =	swait.ge [sflag:s12], $0x2000  }
0xd0: {  	[sflag:s12] =	ssyncset.done $0x0  }
0xd1: {  	[sflag:s12] =	ssyncadd.s32 $0xFFFFE000  }
0xd2: {  	[spmem:s2] =	stream.indirect.scatter.add.f32 [tilespmem:s19], [sflag:$0x2], $0x40, s28, s14, $0xb8;
	[tilespmem:$0x1C600] =	vst v63  }
0xd3: {  	_ =	swait.ge [sflag:s12], $0x2000  }
0xd4: {  	[sflag:s12] =	ssyncset.done $0x0  }
0xd5: {  	[sflag:s12] =	ssyncadd.s32 $0xFFFFE000  }
0xd6: {  	[spmem:s2] =	stream.indirect.scatter.add.f32 [tilespmem:s21], [sflag:$0x2], $0x40, s29, s14, $0xb8;
	[tilespmem:$0x1C600] =	vst v63  }
0xd7: {  	_ =	swait.ge [sflag:s12], $0x2000  }
0xd8: {  	[sflag:s12] =	ssyncset.done $0x0  }
0xd9: {  	[sflag:s12] =	ssyncadd.s32 $0xFFFFE000  }
0xda: {  	[spmem:s2] =	stream.indirect.scatter.add.f32 [tilespmem:s23], [sflag:$0x2], $0x40, s30, s14, $0xb8;
	[tilespmem:$0x1C600] =	vst v63  }
0xdb: {  	_ =	swait.ge [sflag:s12], $0x2000  }
0xdc: {  	[sflag:s12] =	ssyncset.done $0x0  }
0xdd: {  	s6 =	stileid.u32;
	[sflag:s12] =	ssyncadd.s32 $0xFFFFE000  }
0xde: {  	s0 =	sshll.u32 s6, $0x6;
	[bflag:$0x0] =	sbarrier.arrive $0xFFFF  }
0xdf: {  	s7 =	sshrl.u32 s5, $0x3;
	s0 =	sor.u32 $0x1C02, s0;
	s6 =	rddreg [dreg:$0x4]  }
0xe0: {  	[hbm:s6], [sflag:s0] =	dma.local [spmem:s7], $0x2000  }
0xe1: {  	_ =	swait.ge [sflag:s12], $0x2000  }
0xe2: {  	s31 =	sadd.s32 $0x1, s31;
	s8 =	rddreg [dreg:$0x5]  }
0xe3: {  	p0 =	sne.s32 s31, s8  }
.Ltmp2:
0xe4: {  	_ = 	snop;
	(pc) =	sbr.rel @p0 .LBB2_1-.Ltmp2, $3  }
0xe5: {  	_ =	sdelay $0x1  }
0xe6: {  	[sflag:s12] =	ssyncset.done $0x0  }
0xe7: {  	[sflag:s12] =	ssyncadd.s32 $0xFFFFE000  }
0xe8: {  	_ =	sfence.sel $0x180000  }
0xe9: {  	[bflag:$0x0] =	sbarrier.arrive $0xFFFF  }
0xea: {  	_ =	strace $0x90000047  }
0xeb: {  	s0 =	stileid.u32;
	[bflag:$0x2] =	sbarrier.arrive $0xFFFF  }
0xec: {  	p0 =	sne.s32 s0, $0x0;
	s0 =	rddreg [dreg:$0x2]  }
0xed: {  	s0 =	sadd.s32 @!p0 $0x100000, s0  }
0xee: {  	[sflag:s0] =	ssyncadd.tile.s32 @!p0 $0x1;
	_ =	shalt  }
.Lfunc_end2:
_tile_overlayer_lowered:
.L_overlay_start_2:
0xef: {  	(tag) =	ssettag $0x2  }
0xf0: {  	s0 =	rddreg [dreg:$0x0];
	s2 =	stileid.u32  }
0xf1: {  	s1 =	rddreg [dreg:$0x1];
	p0 =	sne.s32 s2, $0x0  }
0xf2: {  	s3 =	rddreg [dreg:$0x2];
	[bflag:$0x3] =	sbarrier.arrive $0xFFFF;
	s2 =	simm.s32 @!p0 $0x1C02  }
0xf3: {  	[timem:s3], [sflag:s2] =	dma.local @!p0 [hbm:s0], s1  }
0xf4: {  	s0 =	simm.s32 @!p0 $0x2  }
0xf5: {  	_ =	swait.ge @!p0 [sflag:s0], s1  }
0xf6: {  	s1 =	ssub.s32 @!p0 $0x0, s1;
	[sflag:s0] =	ssyncset.done @!p0 $0x0  }
0xf7: {  	[sflag:s0] =	ssyncadd.s32 @!p0 s1  }
0xf8: {  	[bflag:$0x3] =	sbarrier.arrive $0xFFFF  }
0xf9: {  	_ =	shalt  }

// kernel: kernel.17.cloned.1.call-start
scs
__scs_entry_jumppad:
0x0: {  	(pc) =	sbr.rel $0x88, $3  }
0x1: {  	(tag) =	ssettag $0x0;
	lr =	simm.s32 $0x1  }
0x2: {  	[smem:$0x3F8E] =	sst lr;
	_ =	strace $0xD0000000  }
0x3: {  	_ = 	snop  }
0x4: {  	_ = 	snop  }
0x5: {  	_ = 	snop  }
0x6: {  	_ = 	snop  }
0x7: {  	_ = 	snop  }
__scs_overlays_trampoline_lowered:
0x8: {  	[smem:$0x3F9D] =	sst s0  }
0x9: {  	[smem:$0x3F9E] =	sst s1  }
0xa: {  	[smem:$0x3F9F] =	sst s2  }
0xb: {  	[smem:$0x3FA0] =	sst s3  }
0xc: {  	[smem:$0x3FA1] =	sst s4  }
0xd: {  	[smem:$0x3FA2] =	sst s5  }
0xe: {  	[smem:$0x3FA3] =	sst s6  }
0xf: {  	[smem:$0x3FA4] =	sst s7  }
0x10: {  	[smem:$0x3FA5] =	sst s8  }
0x11: {  	[smem:$0x3FA6] =	sst s9;
	s0 =	simm.s32 @!p0 $0x0  }
0x12: {  	s1 =	sld [smem:$0x3F8C];
	s0 =	simm.s32 @p0 $0x1  }
0x13: {  	[smem:$0x3FA7] =	sst s0;
	s0 =	simm.s32 @!p1 $0x0  }
0x14: {  	s2 =	sld [smem:$0x3F8B];
	s0 =	simm.s32 @p1 $0x1  }
0x15: {  	[smem:$0x3FA8] =	sst s0;
	s0 =	simm.s32 @!p2 $0x0  }
0x16: {  	s3 =	sld [smem:$0x3FDB];
	s0 =	simm.s32 @p2 $0x1  }
0x17: {  	s4 =	simm.s32 $0x1BF5;
	[smem:$0x3FAA] =	sst s0  }
0x18: {  	s0 =	sld [smem:$0x3F8D];
	_ =	swait.ge [sflag:s4], $0x0  }
0x19: {  	s7 =	sld [smem:$0x3F8E]  }
0x1a: {  	s8 =	sadd.s32 $0xFFFFE003, lr  }
0x1b: {  	s9 =	sadd.s32 $0xFFFFFEF7, lr;
	s5 =	simm.s32 $0xFFFFFFFF;
	p2 =	slt.u32 s8, $0xFFFFF086  }
0x1c: {  	p1 =	slt.u32 s9, $0xF7A;
	s5 =	simm.s32 @!p2 $0x0  }
0x1d: {  	s5 =	simm.s32 @p1 $0x1;
	p0 =	seq.s32 s7, s2  }
0x1e: {  	s7 =	smul.u32 @!p0 $0xF7A, s2;
	p2 =	seq.s32 @!p0 s5, $0x0  }
0x1f: {  	s9 =	smul.u32 $0xF7A, s1;
	s8 =	simm.s32 @!p0 $0x1BF5;
	p2 =	por !p2, p0  }
0x20: {  	[sflag:s8] =	ssyncset.s32 @!p0 $0xFFFFF086;
	s6 =	sadd.s32 @!p0 s3, s7;
	s7 =	simm.s32 @!p0 $0x108  }
0x21: {  	s3 =	sadd.s32 s3, s9;
	s6 =	sadd.s32 @!p0 $0x88, s6;
	s7 =	simm.s32 @p2 $0x1082  }
0x22: {  	[simem:s7], [sflag:s8] =	dma.local @!p0 [hbm:s6], $0xF7A  }
0x23: {  	s9 =	sor.u32 $0xD0000000, s2;
	s6 =	simm.s32 $0x108;
	_ =	swait.ge @!p0 [sflag:s8], $0x0  }
0x24: {  	s3 =	sadd.s32 $0x88, s3;
	s6 =	simm.s32 @!p1 $0x1082;
	[sflag:s4] =	ssyncset.s32 $0xFFFFF086  }
0x25: {  	[simem:s6], [sflag:s4] =	dma.local [hbm:s3], $0xF7A  }
0x26: {  	[smem:$0x3F8E] =	sst s1;
	(tag) =	ssettag s2;
	_ =	strace s9  }
0x27: {  	s1 =	sld [smem:$0x3F9E]  }
0x28: {  	s2 =	sld [smem:$0x3F9F]  }
0x29: {  	s4 =	sld [smem:$0x3FA1]  }
0x2a: {  	p0 =	seq.s32 s5, $0x0;
	s5 =	sld [smem:$0x3FA2]  }
0x2b: {  	s6 =	sld [smem:$0x3FA3]  }
0x2c: {  	s7 =	sld [smem:$0x3FA4]  }
0x2d: {  	s3 =	simm.s32 $0x108;
	s8 =	sld [smem:$0x3FA5]  }
0x2e: {  	s3 =	simm.s32 @!p0 $0x1082;
	s9 =	sld [smem:$0x3FA6]  }
0x2f: {  	lr =	sadd.s32 s0, s3;
	s0 =	sld [smem:$0x3F9D]  }
0x30: {  	s3 =	sld [smem:$0x3FA0]  }
0x31: {  	[smem:$0x3FA9] =	sst s10  }
0x32: {  	s10 =	sld [smem:$0x3FA7];
	_ =	sdelay $0x3  }
0x33: {  	p0 =	seq.s32 s10, $0x1;
	s10 =	sld [smem:$0x3FA9];
	_ =	sdelay $0x3  }
0x34: {  	[smem:$0x3FA9] =	sst s10  }
0x35: {  	s10 =	sld [smem:$0x3FA8];
	_ =	sdelay $0x3  }
0x36: {  	p1 =	seq.s32 s10, $0x1;
	s10 =	sld [smem:$0x3FA9];
	_ =	sdelay $0x3  }
0x37: {  	[smem:$0x3FA9] =	sst s10  }
0x38: {  	s10 =	sld [smem:$0x3FAA]  }
0x39: {  	_ = 	snop;
	(pc) =	sbr.ind lr, $3  }
0x3a: {  	_ = 	snop  }
0x3b: {  	_ = 	snop  }
0x3c: {  	p2 =	seq.s32 s10, $0x1;
	s10 =	sld [smem:$0x3FA9]  }
0x3d: {  	_ =	shalt  }
0x3e: {  	_ =	shalt  }
0x3f: {  	_ =	shalt  }
0x40: {  	_ =	shalt  }
0x41: {  	_ =	shalt  }
0x42: {  	_ =	shalt  }
0x43: {  	_ =	shalt  }
0x44: {  	_ =	shalt  }
0x45: {  	_ =	shalt  }
0x46: {  	_ =	shalt  }
0x47: {  	_ =	shalt  }
0x48: {  	_ =	shalt  }
0x49: {  	_ =	shalt  }
0x4a: {  	_ =	shalt  }
0x4b: {  	_ =	shalt  }
0x4c: {  	_ =	shalt  }
0x4d: {  	_ =	shalt  }
0x4e: {  	_ =	shalt  }
0x4f: {  	_ =	shalt  }
0x50: {  	_ =	shalt  }
0x51: {  	_ =	shalt  }
0x52: {  	_ =	shalt  }
0x53: {  	_ =	shalt  }
0x54: {  	_ =	shalt  }
0x55: {  	_ =	shalt  }
0x56: {  	_ =	shalt  }
0x57: {  	_ =	shalt  }
0x58: {  	_ =	shalt  }
0x59: {  	_ =	shalt  }
0x5a: {  	_ =	shalt  }
0x5b: {  	_ =	shalt  }
0x5c: {  	_ =	shalt  }
0x5d: {  	_ =	shalt  }
0x5e: {  	_ =	shalt  }
0x5f: {  	_ =	shalt  }
0x60: {  	_ =	shalt  }
0x61: {  	_ =	shalt  }
0x62: {  	_ =	shalt  }
0x63: {  	_ =	shalt  }
0x64: {  	_ =	shalt  }
0x65: {  	_ =	shalt  }
0x66: {  	_ =	shalt  }
0x67: {  	_ =	shalt  }
0x68: {  	_ =	shalt  }
0x69: {  	_ =	shalt  }
0x6a: {  	_ =	shalt  }
0x6b: {  	_ =	shalt  }
0x6c: {  	_ =	shalt  }
0x6d: {  	_ =	shalt  }
0x6e: {  	_ =	shalt  }
0x6f: {  	_ =	shalt  }
0x70: {  	_ =	shalt  }
0x71: {  	_ =	shalt  }
0x72: {  	_ =	shalt  }
0x73: {  	_ =	shalt  }
0x74: {  	_ =	shalt  }
0x75: {  	_ =	shalt  }
0x76: {  	_ =	shalt  }
0x77: {  	_ =	shalt  }
0x78: {  	_ =	shalt  }
0x79: {  	_ =	shalt  }
0x7a: {  	_ =	shalt  }
0x7b: {  	_ =	shalt  }
0x7c: {  	_ =	shalt  }
0x7d: {  	_ =	shalt  }
0x7e: {  	_ =	shalt  }
0x7f: {  	_ =	shalt  }
0x80: {  	_ =	shalt  }
0x81: {  	_ =	shalt  }
0x82: {  	_ =	shalt  }
0x83: {  	_ =	shalt  }
0x84: {  	_ =	shalt  }
0x85: {  	_ =	shalt  }
0x86: {  	_ =	shalt  }
0x87: {  	_ =	shalt  }
.Lfunc_end0:
.L_simem_size_0:
called_computation.1_lowered:
.L_overlay_start_0:
0x88: {  	s2 =	sld [smem:$0x3FD9]  }
0x89: {  	s3 =	sld [smem:$0x3FFE];
	_ =	sdelay $0x1  }
0x8a: {  	s1 =	srdreg.scid  }
0x8b: {  	s0 =	sand.u32 $0x1, s1  }
0x8c: {  	s17 =	sshll.u32 s0, $0xA;
	s2 =	sadd.s32 s3, s2  }
0x8d: {  	s2 =	sadd.s32 s2, s17  }
0x8e: {  	[smem:$0x3FB5] =	sst s2  }
0x8f: {  	_ = 	snop  }
0x90: {  	s2 =	sld [smem:$0x3FD0];
	(tm) =	ssettm $0x1  }
0x91: {  	s18 =	sld [smem:$0x3FFB];
	_ =	sdelay $0x3  }
0x92: {  	_ =	strace s18  }
0x93: {  	s3 =	sld [smem:$0x3FFC];
	_ =	sdelay $0x3  }
0x94: {  	_ =	strace s3  }
0x95: {  	s3 =	sld [smem:$0x3FFD];
	_ =	sdelay $0x3  }
0x96: {  	_ =	strace s3  }
0x97: {  	_ =	strace $0x8FFFFFFF  }
0x98: {  	s19 =	sld [smem:$0x3FDB];
	_ =	sdelay $0x1  }
0x99: {  	s4 =	simm.s32 $_scs_section_size  }
0x9a: {  	s5 =	simm.s32 $_size__tile_overlayer_lowered;
	s6 =	simm.s32 $_tile_overlayer_lowered  }
0x9b: {  	s22 =	simm.s32 $0x1BFF;
	s21 =	sshll.u32 s6, $0x1;
	s3 =	sadd.s32 s4, s19  }
0x9c: {  	s7 =	simm.s32 $0x0;
	s20 =	sshll.u32 s5, $0x1;
	s5 =	sadd.s32 s21, s3  }
0x9d: {  	[timem:s7], [sflag:s22] =	dma.local [hbm:s5], s20  }
0x9e: {  	_ =	swait.ge [sflag:s22], s20  }
0x9f: {  	s4 =	ssub.s32 $0x0, s20;
	[sflag:s22] =	ssyncset.done $0x0  }
0xa0: {  	[sflag:s22] =	ssyncadd.s32 s4;
	_ =	sdelay $0x1  }
0xa1: {  	s23 =	simm.s32 $0x1B8B  }
0xa2: {  	_ =	swait.ge [sflag:s23], $0x1  }
0xa3: {  	[sflag:s23] =	ssyncset.done $0x0  }
0xa4: {  	s25 =	simm.s32 $0x1B8E;
	s24 =	sld [smem:$0x3FFE];
	[sflag:s23] =	ssyncadd.s32 $0xFFFFFFFF  }
0xa5: {  	s26 =	simm.s32 $execute0_lowered;
	[smem:$0x3FD2] =	sst s25  }
0xa6: {  	s5 =	sshll.u32 s26, $0x1;
	_ =	strace $0x80000049;
	[dreg:$0x1] =	wrdreg $0xFFFFFFFF  }
0xa7: {  	s28 =	simm.s32 $_size_execute0_lowered;
	s3 =	sadd.s32 s3, s5;
	[dreg:$0x0] =	wrdreg $0x0  }
0xa8: {  	s5 =	sshll.u32 s28, $0x1;
	[dreg:$0x2] =	wrdreg s3  }
0xa9: {  	[dreg:$0x3] =	wrdreg s5  }
0xaa: {  	[dreg:$0x4] =	wrdreg $0xC0  }
0xab: {  	_ =	task [dreg:s7], $0x5FFFF  }
0xac: {  	[dreg:$0x1] =	wrdreg $0xFFFFFFFF  }
0xad: {  	[dreg:$0x0] =	wrdreg $0x60  }
0xae: {  	[dreg:$0x2] =	wrdreg s24  }
0xaf: {  	[dreg:$0x3] =	wrdreg s2  }
0xb0: {  	[dreg:$0x4] =	wrdreg $0xC6000  }
0xb1: {  	[dreg:$0x5] =	wrdreg $0x9  }
0xb2: {  	_ =	task.clear_ibuf [dreg:s7], $0x6FFFF;
	_ =	strace $0x90000049  }
0xb3: {  	s29 =	simm.s32 $0x9;
	_ =	strace $0x8000004B  }
0xb4: {  	_ =	swait.ge [sflag:s29], $0x1  }
0xb5: {  	[sflag:s29] =	ssyncadd.s32 $0xFFFFFFFF  }
0xb6: {  	_ =	strace $0x9000004B  }
0xb7: {  	_ =	sfence  }
0xb8: {  	s30 =	sld [smem:$0x0];
	_ =	sdelay $0x2  }
0xb9: {  	s31 =	sshll.u32 s1, $0xD;
	s1 =	sshrl.u32 s1, $0x2  }
0xba: {  	s3 =	sand.u32 $0x4000, s31;
	s1 =	sadd.s32 s1, s30  }
0xbb: {  	s0 =	sor.u32 s3, s0;
	s1 =	sshll.u32 s1, $0x11  }
0xbc: {  	s0 =	sor.u32 s1, s0  }
0xbd: {  	s0 =	sadd.s32 $0x8F2B, s0  }
0xbe: {  	[sflag:s0] =	ssyncadd.remote.s32 $0x1  }
0xbf: {  	_ =	sfence.sel $0xFFFF  }
0xc0: {  	[dreg:$0x0] =	wrdreg $0xFFFFFFFF;
	(pc) =	sbr.abs _section_cstart, $3  }
0xc1: {  	[dreg:$0x1] =	wrdreg $0xFFFFFFFF  }
0xc2: {  	_ =	task.clear_ibuf [dreg:s7], $0x2FFFF;
	_ =	strace $0x9FFFFFFF  }
0xc3: {  	(tm) =	ssettm $0x7FFFFFFF  }
tec
execute0_lowered:
.L_overlay_start_1:
0x0: {  	(tag) =	ssettag $0x1  }
0x1: {  	s0 =	rddreg [dreg:$0x0];
	s1 =	srdreg.scid  }
0x2: {  	s8 =	stileid.u32;
	s6 =	rddreg [dreg:$0x1]  }
0x3: {  	s2 =	rddreg [dreg:$0x2];
	s3 =	simm.s32 $0x0;
	s11 =	simm.s32 $0x600  }
0x4: {  	s12 =	simm.s32 $0x2;
	s13 =	simm.s32 $0x300;
	s14 =	simm.s32 $0x80  }
0x5: {  	s15 =	simm.s32 $0x2600;
	s16 =	simm.s32 $0x100;
	s17 =	simm.s32 $0x4600  }
0x6: {  	s18 =	simm.s32 $0x180;
	s19 =	simm.s32 $0x6600;
	s20 =	simm.s32 $0x200  }
0x7: {  	s21 =	simm.s32 $0x8600;
	s28 =	simm.s32 $0x480;
	s29 =	simm.s32 $0x500  }
0x8: {  	s30 =	simm.s32 $0x580;
	s31 =	simm.s32 $0x0;
	s1 =	sand.u32 $0x1, s1  }
0x9: {  	s4 =	smul.u32 $0x6C00, s8;
	[smem:$0x7FF] =	sst s3;
	s22 =	sshll.u32 s8, $0xD  }
0xa: {  	s23 =	sshll.u32 s8, $0x10;
	s5 =	smul.u32 $0x3600, s1;
	s7 =	ssub.s32 $0x2, s1  }
0xb: {  	_ =	strace $0x8000004A;
	s1 =	sshll.u32 s1, $0x11;
	s24 =	sshrl.u32 s7, $0x1  }
0xc: {  	s4 =	sadd.s32 s5, s4;
	s5 =	sadd.s32 s23, s2;
	s8 =	ssub.s32 s7, s24  }
0xd: {  	s23 =	simm.s32 $0xA600;
	s24 =	simm.s32 $0x1;
	s10 =	sshrl.u32 s4, $0x3  }
0xe: {  	s4 =	sadd.s32 $0x71C200, s0;
	s25 =	sadd.s32 $0x8000, s5;
	s26 =	smax.u32 s8, $0x1  }
0xf: {  	s9 =	sadd.s32 s10, s0;
	s0 =	sadd.s32 s22, s0;
	[dreg:$0x4] =	wrdreg s25  }
0x10: {  	[dreg:$0x6] =	wrdreg s26;
	s10 =	sadd.s32 s10, s6;
	s0 =	sadd.s32 s1, s0  }
0x11: {  	s22 =	simm.s32 $0x280;
	s25 =	simm.s32 $0x380;
	s0 =	sadd.s32 $0x1200, s0  }
0x12: {  	v0 =	vimm.f32 $0.0e+00;
	s26 =	simm.s32 $0x400;
	s9 =	sadd.s32 $0x4EA00, s9;
	[dreg:$0x5] =	wrdreg s0  }
.LBB2_1:
0x13: {  	s1 =	simm.s32 $0x100;
	s0 =	simm.s32 $0x0  }
.LBB2_2:
0x14: {  	p0 =	sne.s32 s1, $0x1FF00;
	[tilespmem:s0+$0x630] =	vst v0;
	s6 =	smov.u32 s1;
	s1 =	sadd.s32 $0x100, s1  }
.Ltmp0:
0x15: {  	[tilespmem:s0+$0x620] =	vst v0;
	(pc) =	sbr.rel @p0 .LBB2_2-.Ltmp0, $3  }
0x16: {  	[tilespmem:s0+$0x600] =	vst v0  }
0x17: {  	[tilespmem:s0+$0x610] =	vst v0;
	_ =	sdelay $0x1  }
0x18: {  	s0 =	sshra.s32 s6, $0x2  }
0x19: {  	[tilespmem:s0+$0x630] =	vst v0  }
0x1a: {  	[tilespmem:s0+$0x620] =	vst v0  }
0x1b: {  	[tilespmem:s0+$0x600] =	vst v0  }
0x1c: {  	[tilespmem:s0+$0x610] =	vst v0  }
0x1d: {  	[spmem:s5] =	stream.linear.scatter [tilespmem:s11], [sflag:$0x2], $0x8000, $0x38;
	[tilespmem:$0x1C600] =	vst v63  }
0x1e: {  	_ =	swait.ge [sflag:s12], $0x8000  }
0x1f: {  	[sflag:s12] =	ssyncset.done $0x0  }
0x20: {  	s6 =	rddreg [dreg:$0x4];
	[sflag:s12] =	ssyncadd.s32 $0xFFFF8000  }
0x21: {  	[spmem:s6] =	stream.linear.scatter [tilespmem:s11], [sflag:$0x2], $0x8000, $0x38;
	[tilespmem:$0x1C600] =	vst v63  }
0x22: {  	_ =	swait.ge [sflag:s12], $0x8000  }
0x23: {  	[sflag:s12] =	ssyncset.done $0x0  }
0x24: {  	[sflag:s12] =	ssyncadd.s32 $0xFFFF8000  }
0x25: {  	s7 =	sadd.s32 $0x0, s10;
	[bflag:$0x0] =	sbarrier.arrive $0xFFFF  }
0x26: {  	[tilespmem:s3], [sflag:$0x2] =	stream.linear.gather [hbm4b:s7+s3], $0x300, $0x38;
	[tilespmem:$0x1C600] =	vst v63  }
0x27: {  	_ =	swait.ge [sflag:s12], $0x300  }
0x28: {  	[sflag:s12] =	ssyncset.done $0x0  }
0x29: {  	s8 =	sadd.s32 $0x0, s9;
	[sflag:s12] =	ssyncadd.s32 $0xFFFFFD00  }
0x2a: {  	[tilespmem:s13], [sflag:$0x2] =	stream.linear.gather [hbm4b:s8+s3], $0x300, $0x38;
	[tilespmem:$0x1C600] =	vst v63  }
0x2b: {  	_ =	swait.ge [sflag:s12], $0x300  }
0x2c: {  	[sflag:s12] =	ssyncset.done $0x0  }
0x2d: {  	[sflag:s12] =	ssyncadd.s32 $0xFFFFFD00  }
0x2e: {  	[tilespmem:s11], [sflag:$0x1] =	stream.indirect.gather [hbm4b:s4+s14], $0x40, s3, s14, $0xb8;
	[tilespmem:$0x1C600] =	vst v63  }
0x2f: {  	_ = 	snop  }
0x30: {  	[tilespmem:s15], [sflag:$0x1] =	stream.indirect.gather [hbm4b:s4+s14], $0x40, s14, s14, $0xb8;
	[tilespmem:$0x1C600] =	vst v63  }
0x31: {  	_ = 	snop  }
0x32: {  	[tilespmem:s17], [sflag:$0x1] =	stream.indirect.gather [hbm4b:s4+s14], $0x40, s16, s14, $0xb8;
	[tilespmem:$0x1C600] =	vst v63  }
0x33: {  	_ = 	snop  }
0x34: {  	[tilespmem:s19], [sflag:$0x1] =	stream.indirect.gather [hbm4b:s4+s14], $0x40, s18, s14, $0xb8;
	[tilespmem:$0x1C600] =	vst v63  }
0x35: {  	_ = 	snop  }
0x36: {  	[tilespmem:s21], [sflag:$0x1] =	stream.indirect.gather [hbm4b:s4+s14], $0x40, s20, s14, $0xb8;
	[tilespmem:$0x1C600] =	vst v63  }
0x37: {  	_ = 	snop  }
0x38: {  	[tilespmem:s23], [sflag:$0x1] =	stream.indirect.gather [hbm4b:s4+s14], $0x40, s22, s14, $0xb8;
	[tilespmem:$0x1C600] =	vst v63  }
0x39: {  	_ =	swait.ge [sflag:s24], $0x2000  }
0x3a: {  	[sflag:s24] =	ssyncset.done $0x0  }
0x3b: {  	[sflag:s24] =	ssyncadd.s32 $0xFFFFE000  }
0x3c: {  	_ =	swait.ge [sflag:s24], $0x2000  }
0x3d: {  	[sflag:s24] =	ssyncset.done $0x0  }
0x3e: {  	[sflag:s24] =	ssyncadd.s32 $0xFFFFE000  }
0x3f: {  	_ =	swait.ge [sflag:s24], $0x2000  }
0x40: {  	[sflag:s24] =	ssyncset.done $0x0  }
0x41: {  	[sflag:s24] =	ssyncadd.s32 $0xFFFFE000  }
0x42: {  	_ =	swait.ge [sflag:s24], $0x2000  }
0x43: {  	[sflag:s24] =	ssyncset.done $0x0  }
0x44: {  	[sflag:s24] =	ssyncadd.s32 $0xFFFFE000  }
0x45: {  	_ =	swait.ge [sflag:s24], $0x2000  }
0x46: {  	[sflag:s24] =	ssyncset.done $0x0  }
0x47: {  	[sflag:s24] =	ssyncadd.s32 $0xFFFFE000  }
0x48: {  	_ =	swait.ge [sflag:s24], $0x2000  }
0x49: {  	[sflag:s24] =	ssyncset.done $0x0  }
0x4a: {  	[sflag:s24] =	ssyncadd.s32 $0xFFFFE000  }
0x4b: {  	[spmem:s2] =	stream.indirect.scatter.add.f32 [tilespmem:s11], [sflag:$0x2], $0x40, s13, s14, $0xb8;
	[tilespmem:$0x1C600] =	vst v63  }
0x4c: {  	_ =	swait.ge [sflag:s12], $0x2000  }
0x4d: {  	[sflag:s12] =	ssyncset.done $0x0  }
0x4e: {  	[sflag:s12] =	ssyncadd.s32 $0xFFFFE000  }
0x4f: {  	[spmem:s2] =	stream.indirect.scatter.add.f32 [tilespmem:s15], [sflag:$0x2], $0x40, s25, s14, $0xb8;
	[tilespmem:$0x1C600] =	vst v63  }
0x50: {  	_ =	swait.ge [sflag:s12], $0x2000  }
0x51: {  	[sflag:s12] =	ssyncset.done $0x0  }
0x52: {  	[sflag:s12] =	ssyncadd.s32 $0xFFFFE000  }
0x53: {  	[spmem:s2] =	stream.indirect.scatter.add.f32 [tilespmem:s17], [sflag:$0x2], $0x40, s26, s14, $0xb8;
	[tilespmem:$0x1C600] =	vst v63  }
0x54: {  	_ =	swait.ge [sflag:s12], $0x2000  }
0x55: {  	[sflag:s12] =	ssyncset.done $0x0  }
0x56: {  	[sflag:s12] =	ssyncadd.s32 $0xFFFFE000  }
0x57: {  	[spmem:s2] =	stream.indirect.scatter.add.f32 [tilespmem:s19], [sflag:$0x2], $0x40, s28, s14, $0xb8;
	[tilespmem:$0x1C600] =	vst v63  }
0x58: {  	_ =	swait.ge [sflag:s12], $0x2000  }
0x59: {  	[sflag:s12] =	ssyncset.done $0x0  }
0x5a: {  	[sflag:s12] =	ssyncadd.s32 $0xFFFFE000  }
0x5b: {  	[spmem:s2] =	stream.indirect.scatter.add.f32 [tilespmem:s21], [sflag:$0x2], $0x40, s29, s14, $0xb8;
	[tilespmem:$0x1C600] =	vst v63  }
0x5c: {  	_ =	swait.ge [sflag:s12], $0x2000  }
0x5d: {  	[sflag:s12] =	ssyncset.done $0x0  }
0x5e: {  	[sflag:s12] =	ssyncadd.s32 $0xFFFFE000  }
0x5f: {  	[spmem:s2] =	stream.indirect.scatter.add.f32 [tilespmem:s23], [sflag:$0x2], $0x40, s30, s14, $0xb8;
	[tilespmem:$0x1C600] =	vst v63  }
0x60: {  	_ =	swait.ge [sflag:s12], $0x2000  }
0x61: {  	s1 =	simm.s32 $0x60;
	s0 =	simm.s32 $0xC0;
	[sflag:s12] =	ssyncset.done $0x0  }
.LBB2_4:
0x62: {  	s7 =	sadd.s32 s1, s10  }
0x63: {  	[sflag:s12] =	ssyncadd.s32 $0xFFFFE000;
	s8 =	smov.u32 s0;
	s6 =	sadd.s32 $0x60, s0  }
0x64: {  	[tilespmem:s3], [sflag:$0x2] =	stream.linear.gather [hbm4b:s7+s3], $0x300, $0x38;
	[tilespmem:$0x1C600] =	vst v63  }
0x65: {  	p0 =	sne.s32 s0, $0x660;
	_ =	swait.ge [sflag:s12], $0x300  }
0x66: {  	[sflag:s12] =	ssyncset.done $0x0  }
0x67: {  	s0 =	sadd.s32 s1, s9;
	s1 =	smov.u32 s8;
	[sflag:s12] =	ssyncadd.s32 $0xFFFFFD00  }
0x68: {  	[tilespmem:s13], [sflag:$0x2] =	stream.linear.gather [hbm4b:s0+s3], $0x300, $0x38;
	[tilespmem:$0x1C600] =	vst v63  }
0x69: {  	_ =	swait.ge [sflag:s12], $0x300  }
0x6a: {  	[sflag:s12] =	ssyncset.done $0x0  }
0x6b: {  	[sflag:s12] =	ssyncadd.s32 $0xFFFFFD00  }
0x6c: {  	[tilespmem:s11], [sflag:$0x1] =	stream.indirect.gather [hbm4b:s4+s14], $0x40, s3, s14, $0xb8;
	[tilespmem:$0x1C600] =	vst v63  }
0x6d: {  	_ = 	snop  }
0x6e: {  	[tilespmem:s15], [sflag:$0x1] =	stream.indirect.gather [hbm4b:s4+s14], $0x40, s14, s14, $0xb8;
	[tilespmem:$0x1C600] =	vst v63  }
0x6f: {  	_ = 	snop  }
0x70: {  	[tilespmem:s17], [sflag:$0x1] =	stream.indirect.gather [hbm4b:s4+s14], $0x40, s16, s14, $0xb8;
	[tilespmem:$0x1C600] =	vst v63  }
0x71: {  	_ = 	snop  }
0x72: {  	[tilespmem:s19], [sflag:$0x1] =	stream.indirect.gather [hbm4b:s4+s14], $0x40, s18, s14, $0xb8;
	[tilespmem:$0x1C600] =	vst v63  }
0x73: {  	_ = 	snop  }
0x74: {  	[tilespmem:s21], [sflag:$0x1] =	stream.indirect.gather [hbm4b:s4+s14], $0x40, s20, s14, $0xb8;
	[tilespmem:$0x1C600] =	vst v63  }
0x75: {  	_ = 	snop  }
0x76: {  	[tilespmem:s23], [sflag:$0x1] =	stream.indirect.gather [hbm4b:s4+s14], $0x40, s22, s14, $0xb8;
	[tilespmem:$0x1C600] =	vst v63  }
0x77: {  	_ =	swait.ge [sflag:s24], $0x2000  }
0x78: {  	[sflag:s24] =	ssyncset.done $0x0  }
0x79: {  	[sflag:s24] =	ssyncadd.s32 $0xFFFFE000  }
0x7a: {  	_ =	swait.ge [sflag:s24], $0x2000  }
0x7b: {  	[sflag:s24] =	ssyncset.done $0x0  }
0x7c: {  	[sflag:s24] =	ssyncadd.s32 $0xFFFFE000  }
0x7d: {  	_ =	swait.ge [sflag:s24], $0x2000  }
0x7e: {  	[sflag:s24] =	ssyncset.done $0x0  }
0x7f: {  	[sflag:s24] =	ssyncadd.s32 $0xFFFFE000  }
0x80: {  	_ =	swait.ge [sflag:s24], $0x2000  }
0x81: {  	[sflag:s24] =	ssyncset.done $0x0  }
0x82: {  	[sflag:s24] =	ssyncadd.s32 $0xFFFFE000  }
0x83: {  	_ =	swait.ge [sflag:s24], $0x2000  }
0x84: {  	[sflag:s24] =	ssyncset.done $0x0  }
0x85: {  	[sflag:s24] =	ssyncadd.s32 $0xFFFFE000  }
0x86: {  	_ =	swait.ge [sflag:s24], $0x2000  }
0x87: {  	[sflag:s24] =	ssyncset.done $0x0  }
0x88: {  	[sflag:s24] =	ssyncadd.s32 $0xFFFFE000  }
0x89: {  	[spmem:s2] =	stream.indirect.scatter.add.f32 [tilespmem:s11], [sflag:$0x2], $0x40, s13, s14, $0xb8;
	[tilespmem:$0x1C600] =	vst v63  }
0x8a: {  	_ =	swait.ge [sflag:s12], $0x2000  }
0x8b: {  	[sflag:s12] =	ssyncset.done $0x0  }
0x8c: {  	[sflag:s12] =	ssyncadd.s32 $0xFFFFE000  }
0x8d: {  	[spmem:s2] =	stream.indirect.scatter.add.f32 [tilespmem:s15], [sflag:$0x2], $0x40, s25, s14, $0xb8;
	[tilespmem:$0x1C600] =	vst v63  }
0x8e: {  	_ =	swait.ge [sflag:s12], $0x2000  }
0x8f: {  	[sflag:s12] =	ssyncset.done $0x0  }
0x90: {  	[sflag:s12] =	ssyncadd.s32 $0xFFFFE000  }
0x91: {  	[spmem:s2] =	stream.indirect.scatter.add.f32 [tilespmem:s17], [sflag:$0x2], $0x40, s26, s14, $0xb8;
	[tilespmem:$0x1C600] =	vst v63  }
0x92: {  	_ =	swait.ge [sflag:s12], $0x2000  }
0x93: {  	[sflag:s12] =	ssyncset.done $0x0  }
0x94: {  	[sflag:s12] =	ssyncadd.s32 $0xFFFFE000  }
0x95: {  	[spmem:s2] =	stream.indirect.scatter.add.f32 [tilespmem:s19], [sflag:$0x2], $0x40, s28, s14, $0xb8;
	[tilespmem:$0x1C600] =	vst v63  }
0x96: {  	_ =	swait.ge [sflag:s12], $0x2000  }
0x97: {  	[sflag:s12] =	ssyncset.done $0x0  }
0x98: {  	[sflag:s12] =	ssyncadd.s32 $0xFFFFE000  }
0x99: {  	[spmem:s2] =	stream.indirect.scatter.add.f32 [tilespmem:s21], [sflag:$0x2], $0x40, s29, s14, $0xb8;
	[tilespmem:$0x1C600] =	vst v63  }
0x9a: {  	_ =	swait.ge [sflag:s12], $0x2000  }
.Ltmp1:
0x9b: {  	[sflag:s12] =	ssyncset.done $0x0;
	(pc) =	sbr.rel @p0 .LBB2_4-.Ltmp1, $4  }
0x9c: {  	[sflag:s12] =	ssyncadd.s32 $0xFFFFE000  }
0x9d: {  	[spmem:s2] =	stream.indirect.scatter.add.f32 [tilespmem:s23], [sflag:$0x2], $0x40, s30, s14, $0xb8;
	[tilespmem:$0x1C600] =	vst v63  }
0x9e: {  	_ =	swait.ge [sflag:s12], $0x2000  }
0x9f: {  	s0 =	smov.u32 s6;
	[sflag:s12] =	ssyncset.done $0x0  }
0xa0: {  	s0 =	sadd.s32 s1, s10;
	[sflag:s12] =	ssyncadd.s32 $0xFFFFE000  }
0xa1: {  	[tilespmem:s3], [sflag:$0x2] =	stream.linear.gather [hbm4b:s0+s3], $0x300, $0x38;
	[tilespmem:$0x1C600] =	vst v63  }
0xa2: {  	_ =	swait.ge [sflag:s12], $0x300  }
0xa3: {  	[sflag:s12] =	ssyncset.done $0x0  }
0xa4: {  	s1 =	sadd.s32 s1, s9;
	[sflag:s12] =	ssyncadd.s32 $0xFFFFFD00  }
0xa5: {  	[tilespmem:s13], [sflag:$0x2] =	stream.linear.gather [hbm4b:s1+s3], $0x300, $0x38;
	[tilespmem:$0x1C600] =	vst v63  }
0xa6: {  	_ =	swait.ge [sflag:s12], $0x300  }
0xa7: {  	[sflag:s12] =	ssyncset.done $0x0  }
0xa8: {  	[sflag:s12] =	ssyncadd.s32 $0xFFFFFD00  }
0xa9: {  	[tilespmem:s11], [sflag:$0x1] =	stream.indirect.gather [hbm4b:s4+s14], $0x40, s3, s14, $0xb8;
	[tilespmem:$0x1C600] =	vst v63  }
0xaa: {  	_ = 	snop  }
0xab: {  	[tilespmem:s15], [sflag:$0x1] =	stream.indirect.gather [hbm4b:s4+s14], $0x40, s14, s14, $0xb8;
	[tilespmem:$0x1C600] =	vst v63  }
0xac: {  	_ = 	snop  }
0xad: {  	[tilespmem:s17], [sflag:$0x1] =	stream.indirect.gather [hbm4b:s4+s14], $0x40, s16, s14, $0xb8;
	[tilespmem:$0x1C600] =	vst v63  }
0xae: {  	_ = 	snop  }
0xaf: {  	[tilespmem:s19], [sflag:$0x1] =	stream.indirect.gather [hbm4b:s4+s14], $0x40, s18, s14, $0xb8;
	[tilespmem:$0x1C600] =	vst v63  }
0xb0: {  	_ = 	snop  }
0xb1: {  	[tilespmem:s21], [sflag:$0x1] =	stream.indirect.gather [hbm4b:s4+s14], $0x40, s20, s14, $0xb8;
	[tilespmem:$0x1C600] =	vst v63  }
0xb2: {  	_ = 	snop  }
0xb3: {  	[tilespmem:s23], [sflag:$0x1] =	stream.indirect.gather [hbm4b:s4+s14], $0x40, s22, s14, $0xb8;
	[tilespmem:$0x1C600] =	vst v63  }
0xb4: {  	_ =	swait.ge [sflag:s24], $0x2000  }
0xb5: {  	[sflag:s24] =	ssyncset.done $0x0  }
0xb6: {  	[sflag:s24] =	ssyncadd.s32 $0xFFFFE000  }
0xb7: {  	_ =	swait.ge [sflag:s24], $0x2000  }
0xb8: {  	[sflag:s24] =	ssyncset.done $0x0  }
0xb9: {  	[sflag:s24] =	ssyncadd.s32 $0xFFFFE000  }
0xba: {  	_ =	swait.ge [sflag:s24], $0x2000  }
0xbb: {  	[sflag:s24] =	ssyncset.done $0x0  }
0xbc: {  	[sflag:s24] =	ssyncadd.s32 $0xFFFFE000  }
0xbd: {  	_ =	swait.ge [sflag:s24], $0x2000  }
0xbe: {  	[sflag:s24] =	ssyncset.done $0x0  }
0xbf: {  	[sflag:s24] =	ssyncadd.s32 $0xFFFFE000  }
0xc0: {  	_ =	swait.ge [sflag:s24], $0x2000  }
0xc1: {  	[sflag:s24] =	ssyncset.done $0x0  }
0xc2: {  	[sflag:s24] =	ssyncadd.s32 $0xFFFFE000  }
0xc3: {  	_ =	swait.ge [sflag:s24], $0x2000  }
0xc4: {  	[sflag:s24] =	ssyncset.done $0x0  }
0xc5: {  	[sflag:s24] =	ssyncadd.s32 $0xFFFFE000  }
0xc6: {  	[spmem:s2] =	stream.indirect.scatter.add.f32 [tilespmem:s11], [sflag:$0x2], $0x40, s13, s14, $0xb8;
	[tilespmem:$0x1C600] =	vst v63  }
0xc7: {  	_ =	swait.ge [sflag:s12], $0x2000  }
0xc8: {  	[sflag:s12] =	ssyncset.done $0x0  }
0xc9: {  	[sflag:s12] =	ssyncadd.s32 $0xFFFFE000  }
0xca: {  	[spmem:s2] =	stream.indirect.scatter.add.f32 [tilespmem:s15], [sflag:$0x2], $0x40, s25, s14, $0xb8;
	[tilespmem:$0x1C600] =	vst v63  }
0xcb: {  	_ =	swait.ge [sflag:s12], $0x2000  }
0xcc: {  	[sflag:s12] =	ssyncset.done $0x0  }
0xcd: {  	[sflag:s12] =	ssyncadd.s32 $0xFFFFE000  }
0xce: {  	[spmem:s2] =	stream.indirect.scatter.add.f32 [tilespmem:s17], [sflag:$0x2], $0x40, s26, s14, $0xb8;
	[tilespmem:$0x1C600] =	vst v63  }
0xcf: {  	_ =	swait.ge [sflag:s12], $0x2000  }
0xd0: {  	[sflag:s12] =	ssyncset.done $0x0  }
0xd1: {  	[sflag:s12] =	ssyncadd.s32 $0xFFFFE000  }
0xd2: {  	[spmem:s2] =	stream.indirect.scatter.add.f32 [tilespmem:s19], [sflag:$0x2], $0x40, s28, s14, $0xb8;
	[tilespmem:$0x1C600] =	vst v63  }
0xd3: {  	_ =	swait.ge [sflag:s12], $0x2000  }
0xd4: {  	[sflag:s12] =	ssyncset.done $0x0  }
0xd5: {  	[sflag:s12] =	ssyncadd.s32 $0xFFFFE000  }
0xd6: {  	[spmem:s2] =	stream.indirect.scatter.add.f32 [tilespmem:s21], [sflag:$0x2], $0x40, s29, s14, $0xb8;
	[tilespmem:$0x1C600] =	vst v63  }
0xd7: {  	_ =	swait.ge [sflag:s12], $0x2000  }
0xd8: {  	[sflag:s12] =	ssyncset.done $0x0  }
0xd9: {  	[sflag:s12] =	ssyncadd.s32 $0xFFFFE000  }
0xda: {  	[spmem:s2] =	stream.indirect.scatter.add.f32 [tilespmem:s23], [sflag:$0x2], $0x40, s30, s14, $0xb8;
	[tilespmem:$0x1C600] =	vst v63  }
0xdb: {  	_ =	swait.ge [sflag:s12], $0x2000  }
0xdc: {  	[sflag:s12] =	ssyncset.done $0x0  }
0xdd: {  	s6 =	stileid.u32;
	[sflag:s12] =	ssyncadd.s32 $0xFFFFE000  }
0xde: {  	s0 =	sshll.u32 s6, $0x6;
	[bflag:$0x0] =	sbarrier.arrive $0xFFFF  }
0xdf: {  	s7 =	sshrl.u32 s5, $0x3;
	s0 =	sor.u32 $0x1C02, s0;
	s6 =	rddreg [dreg:$0x5]  }
0xe0: {  	[hbm:s6], [sflag:s0] =	dma.local [spmem:s7], $0x2000  }
0xe1: {  	_ =	swait.ge [sflag:s12], $0x2000  }
0xe2: {  	s31 =	sadd.s32 $0x1, s31;
	s8 =	rddreg [dreg:$0x6]  }
0xe3: {  	p0 =	sne.s32 s31, s8  }
.Ltmp2:
0xe4: {  	_ = 	snop;
	(pc) =	sbr.rel @p0 .LBB2_1-.Ltmp2, $3  }
0xe5: {  	_ =	sdelay $0x1  }
0xe6: {  	[sflag:s12] =	ssyncset.done $0x0  }
0xe7: {  	[sflag:s12] =	ssyncadd.s32 $0xFFFFE000  }
0xe8: {  	_ =	sfence.sel $0x180000  }
0xe9: {  	[bflag:$0x0] =	sbarrier.arrive $0xFFFF  }
0xea: {  	_ =	strace $0x9000004A  }
0xeb: {  	s0 =	stileid.u32;
	[bflag:$0x2] =	sbarrier.arrive $0xFFFF  }
0xec: {  	p0 =	sne.s32 s0, $0x0;
	s0 =	rddreg [dreg:$0x3]  }
0xed: {  	s0 =	sadd.s32 @!p0 $0x100000, s0  }
0xee: {  	[sflag:s0] =	ssyncadd.tile.s32 @!p0 $0x1;
	_ =	shalt  }
.Lfunc_end2:
_tile_overlayer_lowered:
.L_overlay_start_2:
0xef: {  	(tag) =	ssettag $0x2  }
0xf0: {  	s0 =	rddreg [dreg:$0x0];
	s2 =	stileid.u32  }
0xf1: {  	s1 =	rddreg [dreg:$0x1];
	p0 =	sne.s32 s2, $0x0  }
0xf2: {  	s3 =	rddreg [dreg:$0x2];
	[bflag:$0x3] =	sbarrier.arrive $0xFFFF;
	s2 =	simm.s32 @!p0 $0x1C02  }
0xf3: {  	[timem:s3], [sflag:s2] =	dma.local @!p0 [hbm:s0], s1  }
0xf4: {  	s0 =	simm.s32 @!p0 $0x2  }
0xf5: {  	_ =	swait.ge @!p0 [sflag:s0], s1  }
0xf6: {  	s1 =	ssub.s32 @!p0 $0x0, s1;
	[sflag:s0] =	ssyncset.done @!p0 $0x0  }
0xf7: {  	[sflag:s0] =	ssyncadd.s32 @!p0 s1  }
0xf8: {  	[bflag:$0x3] =	sbarrier.arrive $0xFFFF  }
0xf9: {  	_ =	shalt  }

// kernel: kernel.20.cloned.1.call-start
scs
__scs_entry_jumppad:
0x0: {  	(pc) =	sbr.rel $0x88, $3  }
0x1: {  	(tag) =	ssettag $0x0;
	lr =	simm.s32 $0x1  }
0x2: {  	[smem:$0x3F8E] =	sst lr;
	_ =	strace $0xD0000000  }
0x3: {  	_ = 	snop  }
0x4: {  	_ = 	snop  }
0x5: {  	_ = 	snop  }
0x6: {  	_ = 	snop  }
0x7: {  	_ = 	snop  }
__scs_overlays_trampoline_lowered:
0x8: {  	[smem:$0x3F9D] =	sst s0  }
0x9: {  	[smem:$0x3F9E] =	sst s1  }
0xa: {  	[smem:$0x3F9F] =	sst s2  }
0xb: {  	[smem:$0x3FA0] =	sst s3  }
0xc: {  	[smem:$0x3FA1] =	sst s4  }
0xd: {  	[smem:$0x3FA2] =	sst s5  }
0xe: {  	[smem:$0x3FA3] =	sst s6  }
0xf: {  	[smem:$0x3FA4] =	sst s7  }
0x10: {  	[smem:$0x3FA5] =	sst s8  }
0x11: {  	[smem:$0x3FA6] =	sst s9;
	s0 =	simm.s32 @!p0 $0x0  }
0x12: {  	s1 =	sld [smem:$0x3F8C];
	s0 =	simm.s32 @p0 $0x1  }
0x13: {  	[smem:$0x3FA7] =	sst s0;
	s0 =	simm.s32 @!p1 $0x0  }
0x14: {  	s2 =	sld [smem:$0x3F8B];
	s0 =	simm.s32 @p1 $0x1  }
0x15: {  	[smem:$0x3FA8] =	sst s0;
	s0 =	simm.s32 @!p2 $0x0  }
0x16: {  	s3 =	sld [smem:$0x3FDB];
	s0 =	simm.s32 @p2 $0x1  }
0x17: {  	s4 =	simm.s32 $0x1BF5;
	[smem:$0x3FAA] =	sst s0  }
0x18: {  	s0 =	sld [smem:$0x3F8D];
	_ =	swait.ge [sflag:s4], $0x0  }
0x19: {  	s7 =	sld [smem:$0x3F8E]  }
0x1a: {  	s8 =	sadd.s32 $0xFFFFE003, lr  }
0x1b: {  	s9 =	sadd.s32 $0xFFFFFEF7, lr;
	s5 =	simm.s32 $0xFFFFFFFF;
	p2 =	slt.u32 s8, $0xFFFFF086  }
0x1c: {  	p1 =	slt.u32 s9, $0xF7A;
	s5 =	simm.s32 @!p2 $0x0  }
0x1d: {  	s5 =	simm.s32 @p1 $0x1;
	p0 =	seq.s32 s7, s2  }
0x1e: {  	s7 =	smul.u32 @!p0 $0xF7A, s2;
	p2 =	seq.s32 @!p0 s5, $0x0  }
0x1f: {  	s9 =	smul.u32 $0xF7A, s1;
	s8 =	simm.s32 @!p0 $0x1BF5;
	p2 =	por !p2, p0  }
0x20: {  	[sflag:s8] =	ssyncset.s32 @!p0 $0xFFFFF086;
	s6 =	sadd.s32 @!p0 s3, s7;
	s7 =	simm.s32 @!p0 $0x108  }
0x21: {  	s3 =	sadd.s32 s3, s9;
	s6 =	sadd.s32 @!p0 $0x88, s6;
	s7 =	simm.s32 @p2 $0x1082  }
0x22: {  	[simem:s7], [sflag:s8] =	dma.local @!p0 [hbm:s6], $0xF7A  }
0x23: {  	s9 =	sor.u32 $0xD0000000, s2;
	s6 =	simm.s32 $0x108;
	_ =	swait.ge @!p0 [sflag:s8], $0x0  }
0x24: {  	s3 =	sadd.s32 $0x88, s3;
	s6 =	simm.s32 @!p1 $0x1082;
	[sflag:s4] =	ssyncset.s32 $0xFFFFF086  }
0x25: {  	[simem:s6], [sflag:s4] =	dma.local [hbm:s3], $0xF7A  }
0x26: {  	[smem:$0x3F8E] =	sst s1;
	(tag) =	ssettag s2;
	_ =	strace s9  }
0x27: {  	s1 =	sld [smem:$0x3F9E]  }
0x28: {  	s2 =	sld [smem:$0x3F9F]  }
0x29: {  	s4 =	sld [smem:$0x3FA1]  }
0x2a: {  	p0 =	seq.s32 s5, $0x0;
	s5 =	sld [smem:$0x3FA2]  }
0x2b: {  	s6 =	sld [smem:$0x3FA3]  }
0x2c: {  	s7 =	sld [smem:$0x3FA4]  }
0x2d: {  	s3 =	simm.s32 $0x108;
	s8 =	sld [smem:$0x3FA5]  }
0x2e: {  	s3 =	simm.s32 @!p0 $0x1082;
	s9 =	sld [smem:$0x3FA6]  }
0x2f: {  	lr =	sadd.s32 s0, s3;
	s0 =	sld [smem:$0x3F9D]  }
0x30: {  	s3 =	sld [smem:$0x3FA0]  }
0x31: {  	[smem:$0x3FA9] =	sst s10  }
0x32: {  	s10 =	sld [smem:$0x3FA7];
	_ =	sdelay $0x3  }
0x33: {  	p0 =	seq.s32 s10, $0x1;
	s10 =	sld [smem:$0x3FA9];
	_ =	sdelay $0x3  }
0x34: {  	[smem:$0x3FA9] =	sst s10  }
0x35: {  	s10 =	sld [smem:$0x3FA8];
	_ =	sdelay $0x3  }
0x36: {  	p1 =	seq.s32 s10, $0x1;
	s10 =	sld [smem:$0x3FA9];
	_ =	sdelay $0x3  }
0x37: {  	[smem:$0x3FA9] =	sst s10  }
0x38: {  	s10 =	sld [smem:$0x3FAA]  }
0x39: {  	_ = 	snop;
	(pc) =	sbr.ind lr, $3  }
0x3a: {  	_ = 	snop  }
0x3b: {  	_ = 	snop  }
0x3c: {  	p2 =	seq.s32 s10, $0x1;
	s10 =	sld [smem:$0x3FA9]  }
0x3d: {  	_ =	shalt  }
0x3e: {  	_ =	shalt  }
0x3f: {  	_ =	shalt  }
0x40: {  	_ =	shalt  }
0x41: {  	_ =	shalt  }
0x42: {  	_ =	shalt  }
0x43: {  	_ =	shalt  }
0x44: {  	_ =	shalt  }
0x45: {  	_ =	shalt  }
0x46: {  	_ =	shalt  }
0x47: {  	_ =	shalt  }
0x48: {  	_ =	shalt  }
0x49: {  	_ =	shalt  }
0x4a: {  	_ =	shalt  }
0x4b: {  	_ =	shalt  }
0x4c: {  	_ =	shalt  }
0x4d: {  	_ =	shalt  }
0x4e: {  	_ =	shalt  }
0x4f: {  	_ =	shalt  }
0x50: {  	_ =	shalt  }
0x51: {  	_ =	shalt  }
0x52: {  	_ =	shalt  }
0x53: {  	_ =	shalt  }
0x54: {  	_ =	shalt  }
0x55: {  	_ =	shalt  }
0x56: {  	_ =	shalt  }
0x57: {  	_ =	shalt  }
0x58: {  	_ =	shalt  }
0x59: {  	_ =	shalt  }
0x5a: {  	_ =	shalt  }
0x5b: {  	_ =	shalt  }
0x5c: {  	_ =	shalt  }
0x5d: {  	_ =	shalt  }
0x5e: {  	_ =	shalt  }
0x5f: {  	_ =	shalt  }
0x60: {  	_ =	shalt  }
0x61: {  	_ =	shalt  }
0x62: {  	_ =	shalt  }
0x63: {  	_ =	shalt  }
0x64: {  	_ =	shalt  }
0x65: {  	_ =	shalt  }
0x66: {  	_ =	shalt  }
0x67: {  	_ =	shalt  }
0x68: {  	_ =	shalt  }
0x69: {  	_ =	shalt  }
0x6a: {  	_ =	shalt  }
0x6b: {  	_ =	shalt  }
0x6c: {  	_ =	shalt  }
0x6d: {  	_ =	shalt  }
0x6e: {  	_ =	shalt  }
0x6f: {  	_ =	shalt  }
0x70: {  	_ =	shalt  }
0x71: {  	_ =	shalt  }
0x72: {  	_ =	shalt  }
0x73: {  	_ =	shalt  }
0x74: {  	_ =	shalt  }
0x75: {  	_ =	shalt  }
0x76: {  	_ =	shalt  }
0x77: {  	_ =	shalt  }
0x78: {  	_ =	shalt  }
0x79: {  	_ =	shalt  }
0x7a: {  	_ =	shalt  }
0x7b: {  	_ =	shalt  }
0x7c: {  	_ =	shalt  }
0x7d: {  	_ =	shalt  }
0x7e: {  	_ =	shalt  }
0x7f: {  	_ =	shalt  }
0x80: {  	_ =	shalt  }
0x81: {  	_ =	shalt  }
0x82: {  	_ =	shalt  }
0x83: {  	_ =	shalt  }
0x84: {  	_ =	shalt  }
0x85: {  	_ =	shalt  }
0x86: {  	_ =	shalt  }
0x87: {  	_ =	shalt  }
.Lfunc_end0:
.L_simem_size_0:
called_computation.2_lowered:
.L_overlay_start_0:
0x88: {  	s2 =	sld [smem:$0x3FD9]  }
0x89: {  	s3 =	sld [smem:$0x3FFE];
	_ =	sdelay $0x1  }
0x8a: {  	s1 =	srdreg.scid  }
0x8b: {  	s0 =	sand.u32 $0x1, s1  }
0x8c: {  	s16 =	sshll.u32 s0, $0xA;
	s2 =	sadd.s32 s3, s2  }
0x8d: {  	s2 =	sadd.s32 s2, s16  }
0x8e: {  	[smem:$0x3FB5] =	sst s2  }
0x8f: {  	_ = 	snop  }
0x90: {  	(tm) =	ssettm $0x1  }
0x91: {  	s17 =	sld [smem:$0x3FFB];
	_ =	sdelay $0x3  }
0x92: {  	_ =	strace s17  }
0x93: {  	s2 =	sld [smem:$0x3FFC];
	_ =	sdelay $0x3  }
0x94: {  	_ =	strace s2  }
0x95: {  	s2 =	sld [smem:$0x3FFD];
	_ =	sdelay $0x3  }
0x96: {  	_ =	strace s2  }
0x97: {  	_ =	strace $0x8FFFFFFF  }
0x98: {  	s18 =	sld [smem:$0x3FDB];
	_ =	sdelay $0x1  }
0x99: {  	s19 =	simm.s32 $_scs_section_size  }
0x9a: {  	s4 =	simm.s32 $_size__tile_overlayer_lowered;
	s5 =	simm.s32 $_tile_overlayer_lowered  }
0x9b: {  	s22 =	simm.s32 $0x1BFF;
	s21 =	sshll.u32 s5, $0x1;
	s2 =	sadd.s32 s19, s18  }
0x9c: {  	s6 =	simm.s32 $0x0;
	s20 =	sshll.u32 s4, $0x1;
	s4 =	sadd.s32 s21, s2  }
0x9d: {  	[timem:s6], [sflag:s22] =	dma.local [hbm:s4], s20  }
0x9e: {  	_ =	swait.ge [sflag:s22], s20  }
0x9f: {  	s3 =	ssub.s32 $0x0, s20;
	[sflag:s22] =	ssyncset.done $0x0  }
0xa0: {  	[sflag:s22] =	ssyncadd.s32 s3;
	_ =	sdelay $0x1  }
0xa1: {  	s23 =	simm.s32 $0x1B8B  }
0xa2: {  	_ =	swait.ge [sflag:s23], $0x1  }
0xa3: {  	[sflag:s23] =	ssyncset.done $0x0  }
0xa4: {  	s25 =	simm.s32 $0x1B8E;
	s24 =	sld [smem:$0x3FFE];
	[sflag:s23] =	ssyncadd.s32 $0xFFFFFFFF  }
0xa5: {  	s26 =	simm.s32 $execute0_lowered;
	[smem:$0x3FD2] =	sst s25  }
0xa6: {  	s4 =	sshll.u32 s26, $0x1;
	_ =	strace $0x8000004C;
	[dreg:$0x1] =	wrdreg $0xFFFFFFFF  }
0xa7: {  	s28 =	simm.s32 $_size_execute0_lowered;
	s2 =	sadd.s32 s2, s4;
	[dreg:$0x0] =	wrdreg $0x0  }
0xa8: {  	s4 =	sshll.u32 s28, $0x1;
	[dreg:$0x2] =	wrdreg s2  }
0xa9: {  	[dreg:$0x3] =	wrdreg s4  }
0xaa: {  	[dreg:$0x4] =	wrdreg $0xC0  }
0xab: {  	_ =	task [dreg:s6], $0x5FFFF  }
0xac: {  	[dreg:$0x1] =	wrdreg $0xFFFFFFFF  }
0xad: {  	[dreg:$0x0] =	wrdreg $0x60  }
0xae: {  	[dreg:$0x2] =	wrdreg s24  }
0xaf: {  	[dreg:$0x3] =	wrdreg $0x84000  }
0xb0: {  	[dreg:$0x4] =	wrdreg $0x9  }
0xb1: {  	_ =	task.clear_ibuf [dreg:s6], $0x5FFFF;
	_ =	strace $0x9000004C  }
0xb2: {  	s29 =	simm.s32 $0x9;
	_ =	strace $0x8000004E  }
0xb3: {  	_ =	swait.ge [sflag:s29], $0x1  }
0xb4: {  	[sflag:s29] =	ssyncadd.s32 $0xFFFFFFFF  }
0xb5: {  	_ =	strace $0x9000004E  }
0xb6: {  	_ =	sfence  }
0xb7: {  	s30 =	sld [smem:$0x0];
	_ =	sdelay $0x2  }
0xb8: {  	s31 =	sshll.u32 s1, $0xD;
	s1 =	sshrl.u32 s1, $0x2  }
0xb9: {  	s3 =	sand.u32 $0x4000, s31;
	s1 =	sadd.s32 s1, s30  }
0xba: {  	s0 =	sor.u32 s3, s0;
	s1 =	sshll.u32 s1, $0x11  }
0xbb: {  	s0 =	sor.u32 s1, s0  }
0xbc: {  	s0 =	sadd.s32 $0x8F2B, s0  }
0xbd: {  	[sflag:s0] =	ssyncadd.remote.s32 $0x1  }
0xbe: {  	_ =	sfence.sel $0xFFFF  }
0xbf: {  	[dreg:$0x0] =	wrdreg $0xFFFFFFFF;
	(pc) =	sbr.abs _section_cstart, $3  }
0xc0: {  	[dreg:$0x1] =	wrdreg $0xFFFFFFFF  }
0xc1: {  	_ =	task.clear_ibuf [dreg:s6], $0x2FFFF;
	_ =	strace $0x9FFFFFFF  }
0xc2: {  	(tm) =	ssettm $0x7FFFFFFF  }
0xc3: {  	_ =	shalt  }
tec
execute0_lowered:
.L_overlay_start_1:
0x0: {  	(tag) =	ssettag $0x1  }
0x1: {  	s5 =	rddreg [dreg:$0x0]  }
0x2: {  	s1 =	rddreg [dreg:$0x1]  }
0x3: {  	s0 =	rddreg [dreg:$0x2]  }
0x4: {  	s3 =	simm.s32 $0x0;
	s4 =	srdreg.scid;
	s2 =	stileid.u32  }
0x5: {  	s12 =	simm.s32 $0x2;
	s13 =	simm.s32 $0x200;
	s14 =	simm.s32 $0x80  }
0x6: {  	s15 =	simm.s32 $0x2400;
	s16 =	simm.s32 $0x100;
	s17 =	simm.s32 $0x4400  }
0x7: {  	s18 =	simm.s32 $0x180;
	s19 =	simm.s32 $0x6400;
	s20 =	simm.s32 $0x1  }
0x8: {  	s21 =	simm.s32 $0x280;
	s22 =	simm.s32 $0x300;
	s23 =	simm.s32 $0x380  }
0x9: {  	s24 =	simm.s32 $0x0;
	[smem:$0x7FF] =	sst s3;
	s6 =	sand.u32 $0x1, s4  }
0xa: {  	s4 =	sadd.s32 $0x4A4200, s5;
	s7 =	sshll.u32 s2, $0xB;
	s9 =	sshll.u32 s2, $0xD  }
0xb: {  	s30 =	sshll.u32 s2, $0x10;
	_ =	strace $0x8000004D;
	s8 =	ssub.s32 $0x2, s6  }
0xc: {  	s7 =	sadd.s32 s7, s5;
	s9 =	sadd.s32 s9, s5;
	s5 =	sadd.s32 s30, s1  }
0xd: {  	s31 =	sshll.u32 s6, $0xA;
	s11 =	sshll.u32 s6, $0x11;
	s10 =	sshrl.u32 s8, $0x1  }
0xe: {  	s6 =	sadd.s32 $0x8000, s5;
	s9 =	sadd.s32 s11, s9;
	s11 =	simm.s32 $0x400  }
0xf: {  	s8 =	ssub.s32 s8, s10;
	s10 =	sadd.s32 s31, s7;
	s7 =	sadd.s32 $0x1200, s9  }
0x10: {  	v0 =	vimm.f32 $0.0e+00;
	s8 =	smax.u32 s8, $0x1;
	s9 =	sadd.s32 $0x9C200, s10;
	s10 =	sadd.s32 $0x41200, s10  }
.LBB2_1:
0x11: {  	s26 =	simm.s32 $0x100;
	s25 =	simm.s32 $0x0  }
.LBB2_2:
0x12: {  	p0 =	sne.s32 s26, $0x1FF00;
	[tilespmem:s25+$0x430] =	vst v0;
	s28 =	smov.u32 s26;
	s26 =	sadd.s32 $0x100, s26  }
.Ltmp0:
0x13: {  	[tilespmem:s25+$0x420] =	vst v0;
	(pc) =	sbr.rel @p0 .LBB2_2-.Ltmp0, $3  }
0x14: {  	[tilespmem:s25+$0x400] =	vst v0  }
0x15: {  	[tilespmem:s25+$0x410] =	vst v0;
	_ =	sdelay $0x1  }
0x16: {  	s25 =	sshra.s32 s28, $0x2  }
0x17: {  	[tilespmem:s25+$0x430] =	vst v0  }
0x18: {  	[tilespmem:s25+$0x420] =	vst v0  }
0x19: {  	[tilespmem:s25+$0x400] =	vst v0  }
0x1a: {  	[tilespmem:s25+$0x410] =	vst v0  }
0x1b: {  	[spmem:s5] =	stream.linear.scatter [tilespmem:s11], [sflag:$0x2], $0x8000, $0x38;
	[tilespmem:$0x18400] =	vst v63  }
0x1c: {  	_ =	swait.ge [sflag:s12], $0x8000  }
0x1d: {  	[sflag:s12] =	ssyncset.done $0x0  }
0x1e: {  	[sflag:s12] =	ssyncadd.s32 $0xFFFF8000  }
0x1f: {  	[spmem:s6] =	stream.linear.scatter [tilespmem:s11], [sflag:$0x2], $0x8000, $0x38;
	[tilespmem:$0x18400] =	vst v63  }
0x20: {  	_ =	swait.ge [sflag:s12], $0x8000  }
0x21: {  	[sflag:s12] =	ssyncset.done $0x0  }
0x22: {  	[sflag:s12] =	ssyncadd.s32 $0xFFFF8000  }
0x23: {  	s30 =	sadd.s32 $0x0, s10;
	[bflag:$0x0] =	sbarrier.arrive $0xFFFF  }
0x24: {  	[tilespmem:s3], [sflag:$0x2] =	stream.linear.gather [hbm4b:s30+s3], $0x200, $0x38;
	[tilespmem:$0x18400] =	vst v63  }
0x25: {  	_ =	swait.ge [sflag:s12], $0x200  }
0x26: {  	[sflag:s12] =	ssyncset.done $0x0  }
0x27: {  	s31 =	sadd.s32 $0x0, s9;
	[sflag:s12] =	ssyncadd.s32 $0xFFFFFE00  }
0x28: {  	[tilespmem:s13], [sflag:$0x2] =	stream.linear.gather [hbm4b:s31+s3], $0x200, $0x38;
	[tilespmem:$0x18400] =	vst v63  }
0x29: {  	_ =	swait.ge [sflag:s12], $0x200  }
0x2a: {  	[sflag:s12] =	ssyncset.done $0x0  }
0x2b: {  	[sflag:s12] =	ssyncadd.s32 $0xFFFFFE00  }
0x2c: {  	[tilespmem:s11], [sflag:$0x1] =	stream.indirect.gather [hbm4b:s4+s14], $0x40, s3, s14, $0xb8;
	[tilespmem:$0x18400] =	vst v63  }
0x2d: {  	_ = 	snop  }
0x2e: {  	[tilespmem:s15], [sflag:$0x1] =	stream.indirect.gather [hbm4b:s4+s14], $0x40, s14, s14, $0xb8;
	[tilespmem:$0x18400] =	vst v63  }
0x2f: {  	_ = 	snop  }
0x30: {  	[tilespmem:s17], [sflag:$0x1] =	stream.indirect.gather [hbm4b:s4+s14], $0x40, s16, s14, $0xb8;
	[tilespmem:$0x18400] =	vst v63  }
0x31: {  	_ = 	snop  }
0x32: {  	[tilespmem:s19], [sflag:$0x1] =	stream.indirect.gather [hbm4b:s4+s14], $0x40, s18, s14, $0xb8;
	[tilespmem:$0x18400] =	vst v63  }
0x33: {  	_ =	swait.ge [sflag:s20], $0x2000  }
0x34: {  	[sflag:s20] =	ssyncset.done $0x0  }
0x35: {  	[sflag:s20] =	ssyncadd.s32 $0xFFFFE000  }
0x36: {  	_ =	swait.ge [sflag:s20], $0x2000  }
0x37: {  	[sflag:s20] =	ssyncset.done $0x0  }
0x38: {  	[sflag:s20] =	ssyncadd.s32 $0xFFFFE000  }
0x39: {  	_ =	swait.ge [sflag:s20], $0x2000  }
0x3a: {  	[sflag:s20] =	ssyncset.done $0x0  }
0x3b: {  	[sflag:s20] =	ssyncadd.s32 $0xFFFFE000  }
0x3c: {  	_ =	swait.ge [sflag:s20], $0x2000  }
0x3d: {  	[sflag:s20] =	ssyncset.done $0x0  }
0x3e: {  	[sflag:s20] =	ssyncadd.s32 $0xFFFFE000  }
0x3f: {  	[spmem:s1] =	stream.indirect.scatter.add.f32 [tilespmem:s11], [sflag:$0x2], $0x40, s13, s14, $0xb8;
	[tilespmem:$0x18400] =	vst v63  }
0x40: {  	_ =	swait.ge [sflag:s12], $0x2000  }
0x41: {  	[sflag:s12] =	ssyncset.done $0x0  }
0x42: {  	[sflag:s12] =	ssyncadd.s32 $0xFFFFE000  }
0x43: {  	[spmem:s1] =	stream.indirect.scatter.add.f32 [tilespmem:s15], [sflag:$0x2], $0x40, s21, s14, $0xb8;
	[tilespmem:$0x18400] =	vst v63  }
0x44: {  	_ =	swait.ge [sflag:s12], $0x2000  }
0x45: {  	[sflag:s12] =	ssyncset.done $0x0  }
0x46: {  	[sflag:s12] =	ssyncadd.s32 $0xFFFFE000  }
0x47: {  	[spmem:s1] =	stream.indirect.scatter.add.f32 [tilespmem:s17], [sflag:$0x2], $0x40, s22, s14, $0xb8;
	[tilespmem:$0x18400] =	vst v63  }
0x48: {  	_ =	swait.ge [sflag:s12], $0x2000  }
0x49: {  	[sflag:s12] =	ssyncset.done $0x0  }
0x4a: {  	[sflag:s12] =	ssyncadd.s32 $0xFFFFE000  }
0x4b: {  	[spmem:s1] =	stream.indirect.scatter.add.f32 [tilespmem:s19], [sflag:$0x2], $0x40, s23, s14, $0xb8;
	[tilespmem:$0x18400] =	vst v63  }
0x4c: {  	_ =	swait.ge [sflag:s12], $0x2000  }
0x4d: {  	s25 =	simm.s32 $0x40;
	s28 =	simm.s32 $0x80;
	[sflag:s12] =	ssyncset.done $0x0  }
.LBB2_4:
0x4e: {  	s29 =	sadd.s32 s25, s10  }
0x4f: {  	[sflag:s12] =	ssyncadd.s32 $0xFFFFE000;
	s30 =	smov.u32 s28;
	s26 =	sadd.s32 $0x40, s28  }
0x50: {  	[tilespmem:s3], [sflag:$0x2] =	stream.linear.gather [hbm4b:s29+s3], $0x200, $0x38;
	[tilespmem:$0x18400] =	vst v63  }
0x51: {  	p0 =	sne.s32 s28, $0x3C0;
	_ =	swait.ge [sflag:s12], $0x200  }
0x52: {  	[sflag:s12] =	ssyncset.done $0x0  }
0x53: {  	s28 =	sadd.s32 s25, s9;
	s25 =	smov.u32 s30;
	[sflag:s12] =	ssyncadd.s32 $0xFFFFFE00  }
0x54: {  	[tilespmem:s13], [sflag:$0x2] =	stream.linear.gather [hbm4b:s28+s3], $0x200, $0x38;
	[tilespmem:$0x18400] =	vst v63  }
0x55: {  	_ =	swait.ge [sflag:s12], $0x200  }
0x56: {  	[sflag:s12] =	ssyncset.done $0x0  }
0x57: {  	[sflag:s12] =	ssyncadd.s32 $0xFFFFFE00  }
0x58: {  	[tilespmem:s11], [sflag:$0x1] =	stream.indirect.gather [hbm4b:s4+s14], $0x40, s3, s14, $0xb8;
	[tilespmem:$0x18400] =	vst v63  }
0x59: {  	_ = 	snop  }
0x5a: {  	[tilespmem:s15], [sflag:$0x1] =	stream.indirect.gather [hbm4b:s4+s14], $0x40, s14, s14, $0xb8;
	[tilespmem:$0x18400] =	vst v63  }
0x5b: {  	_ = 	snop  }
0x5c: {  	[tilespmem:s17], [sflag:$0x1] =	stream.indirect.gather [hbm4b:s4+s14], $0x40, s16, s14, $0xb8;
	[tilespmem:$0x18400] =	vst v63  }
0x5d: {  	_ = 	snop  }
0x5e: {  	[tilespmem:s19], [sflag:$0x1] =	stream.indirect.gather [hbm4b:s4+s14], $0x40, s18, s14, $0xb8;
	[tilespmem:$0x18400] =	vst v63  }
0x5f: {  	_ =	swait.ge [sflag:s20], $0x2000  }
0x60: {  	[sflag:s20] =	ssyncset.done $0x0  }
0x61: {  	[sflag:s20] =	ssyncadd.s32 $0xFFFFE000  }
0x62: {  	_ =	swait.ge [sflag:s20], $0x2000  }
0x63: {  	[sflag:s20] =	ssyncset.done $0x0  }
0x64: {  	[sflag:s20] =	ssyncadd.s32 $0xFFFFE000  }
0x65: {  	_ =	swait.ge [sflag:s20], $0x2000  }
0x66: {  	[sflag:s20] =	ssyncset.done $0x0  }
0x67: {  	[sflag:s20] =	ssyncadd.s32 $0xFFFFE000  }
0x68: {  	_ =	swait.ge [sflag:s20], $0x2000  }
0x69: {  	[sflag:s20] =	ssyncset.done $0x0  }
0x6a: {  	[sflag:s20] =	ssyncadd.s32 $0xFFFFE000  }
0x6b: {  	[spmem:s1] =	stream.indirect.scatter.add.f32 [tilespmem:s11], [sflag:$0x2], $0x40, s13, s14, $0xb8;
	[tilespmem:$0x18400] =	vst v63  }
0x6c: {  	_ =	swait.ge [sflag:s12], $0x2000  }
0x6d: {  	[sflag:s12] =	ssyncset.done $0x0  }
0x6e: {  	[sflag:s12] =	ssyncadd.s32 $0xFFFFE000  }
0x6f: {  	[spmem:s1] =	stream.indirect.scatter.add.f32 [tilespmem:s15], [sflag:$0x2], $0x40, s21, s14, $0xb8;
	[tilespmem:$0x18400] =	vst v63  }
0x70: {  	_ =	swait.ge [sflag:s12], $0x2000  }
0x71: {  	[sflag:s12] =	ssyncset.done $0x0  }
0x72: {  	[sflag:s12] =	ssyncadd.s32 $0xFFFFE000  }
0x73: {  	[spmem:s1] =	stream.indirect.scatter.add.f32 [tilespmem:s17], [sflag:$0x2], $0x40, s22, s14, $0xb8;
	[tilespmem:$0x18400] =	vst v63  }
0x74: {  	_ =	swait.ge [sflag:s12], $0x2000  }
.Ltmp1:
0x75: {  	[sflag:s12] =	ssyncset.done $0x0;
	(pc) =	sbr.rel @p0 .LBB2_4-.Ltmp1, $4  }
0x76: {  	[sflag:s12] =	ssyncadd.s32 $0xFFFFE000  }
0x77: {  	[spmem:s1] =	stream.indirect.scatter.add.f32 [tilespmem:s19], [sflag:$0x2], $0x40, s23, s14, $0xb8;
	[tilespmem:$0x18400] =	vst v63  }
0x78: {  	_ =	swait.ge [sflag:s12], $0x2000  }
0x79: {  	s28 =	smov.u32 s26;
	[sflag:s12] =	ssyncset.done $0x0  }
0x7a: {  	s26 =	sadd.s32 s25, s10;
	[sflag:s12] =	ssyncadd.s32 $0xFFFFE000  }
0x7b: {  	[tilespmem:s3], [sflag:$0x2] =	stream.linear.gather [hbm4b:s26+s3], $0x200, $0x38;
	[tilespmem:$0x18400] =	vst v63  }
0x7c: {  	_ =	swait.ge [sflag:s12], $0x200  }
0x7d: {  	[sflag:s12] =	ssyncset.done $0x0  }
0x7e: {  	s29 =	sadd.s32 s25, s9;
	[sflag:s12] =	ssyncadd.s32 $0xFFFFFE00  }
0x7f: {  	[tilespmem:s13], [sflag:$0x2] =	stream.linear.gather [hbm4b:s29+s3], $0x200, $0x38;
	[tilespmem:$0x18400] =	vst v63  }
0x80: {  	_ =	swait.ge [sflag:s12], $0x200  }
0x81: {  	[sflag:s12] =	ssyncset.done $0x0  }
0x82: {  	[sflag:s12] =	ssyncadd.s32 $0xFFFFFE00  }
0x83: {  	[tilespmem:s11], [sflag:$0x1] =	stream.indirect.gather [hbm4b:s4+s14], $0x40, s3, s14, $0xb8;
	[tilespmem:$0x18400] =	vst v63  }
0x84: {  	_ = 	snop  }
0x85: {  	[tilespmem:s15], [sflag:$0x1] =	stream.indirect.gather [hbm4b:s4+s14], $0x40, s14, s14, $0xb8;
	[tilespmem:$0x18400] =	vst v63  }
0x86: {  	_ = 	snop  }
0x87: {  	[tilespmem:s17], [sflag:$0x1] =	stream.indirect.gather [hbm4b:s4+s14], $0x40, s16, s14, $0xb8;
	[tilespmem:$0x18400] =	vst v63  }
0x88: {  	_ = 	snop  }
0x89: {  	[tilespmem:s19], [sflag:$0x1] =	stream.indirect.gather [hbm4b:s4+s14], $0x40, s18, s14, $0xb8;
	[tilespmem:$0x18400] =	vst v63  }
0x8a: {  	_ =	swait.ge [sflag:s20], $0x2000  }
0x8b: {  	[sflag:s20] =	ssyncset.done $0x0  }
0x8c: {  	[sflag:s20] =	ssyncadd.s32 $0xFFFFE000  }
0x8d: {  	_ =	swait.ge [sflag:s20], $0x2000  }
0x8e: {  	[sflag:s20] =	ssyncset.done $0x0  }
0x8f: {  	[sflag:s20] =	ssyncadd.s32 $0xFFFFE000  }
0x90: {  	_ =	swait.ge [sflag:s20], $0x2000  }
0x91: {  	[sflag:s20] =	ssyncset.done $0x0  }
0x92: {  	[sflag:s20] =	ssyncadd.s32 $0xFFFFE000  }
0x93: {  	_ =	swait.ge [sflag:s20], $0x2000  }
0x94: {  	[sflag:s20] =	ssyncset.done $0x0  }
0x95: {  	[sflag:s20] =	ssyncadd.s32 $0xFFFFE000  }
0x96: {  	[spmem:s1] =	stream.indirect.scatter.add.f32 [tilespmem:s11], [sflag:$0x2], $0x40, s13, s14, $0xb8;
	[tilespmem:$0x18400] =	vst v63  }
0x97: {  	_ =	swait.ge [sflag:s12], $0x2000  }
0x98: {  	[sflag:s12] =	ssyncset.done $0x0  }
0x99: {  	[sflag:s12] =	ssyncadd.s32 $0xFFFFE000  }
0x9a: {  	[spmem:s1] =	stream.indirect.scatter.add.f32 [tilespmem:s15], [sflag:$0x2], $0x40, s21, s14, $0xb8;
	[tilespmem:$0x18400] =	vst v63  }
0x9b: {  	_ =	swait.ge [sflag:s12], $0x2000  }
0x9c: {  	[sflag:s12] =	ssyncset.done $0x0  }
0x9d: {  	[sflag:s12] =	ssyncadd.s32 $0xFFFFE000  }
0x9e: {  	[spmem:s1] =	stream.indirect.scatter.add.f32 [tilespmem:s17], [sflag:$0x2], $0x40, s22, s14, $0xb8;
	[tilespmem:$0x18400] =	vst v63  }
0x9f: {  	_ =	swait.ge [sflag:s12], $0x2000  }
0xa0: {  	[sflag:s12] =	ssyncset.done $0x0  }
0xa1: {  	[sflag:s12] =	ssyncadd.s32 $0xFFFFE000  }
0xa2: {  	[spmem:s1] =	stream.indirect.scatter.add.f32 [tilespmem:s19], [sflag:$0x2], $0x40, s23, s14, $0xb8;
	[tilespmem:$0x18400] =	vst v63  }
0xa3: {  	_ =	swait.ge [sflag:s12], $0x2000  }
0xa4: {  	s30 =	sshll.u32 s2, $0x6;
	s24 =	sadd.s32 $0x1, s24;
	[sflag:s12] =	ssyncset.done $0x0  }
0xa5: {  	s31 =	sshrl.u32 s5, $0x3;
	p0 =	sne.s32 s24, s8;
	[sflag:s12] =	ssyncadd.s32 $0xFFFFE000  }
.Ltmp2:
0xa6: {  	s25 =	sor.u32 $0x1C02, s30;
	[bflag:$0x0] =	sbarrier.arrive $0xFFFF;
	(pc) =	sbr.rel @p0 .LBB2_1-.Ltmp2, $4  }
0xa7: {  	[hbm:s7], [sflag:s25] =	dma.local [spmem:s31], $0x2000  }
0xa8: {  	_ =	swait.ge [sflag:s12], $0x2000  }
0xa9: {  	[sflag:s12] =	ssyncset.done $0x0  }
0xaa: {  	[sflag:s12] =	ssyncadd.s32 $0xFFFFE000  }
0xab: {  	_ =	sfence.sel $0x180000  }
0xac: {  	[bflag:$0x0] =	sbarrier.arrive $0xFFFF  }
0xad: {  	p0 =	sne.s32 s2, $0x0;
	_ =	strace $0x9000004D  }
0xae: {  	s0 =	sadd.s32 @!p0 $0x100000, s0;
	[bflag:$0x2] =	sbarrier.arrive $0xFFFF  }
0xaf: {  	[sflag:s0] =	ssyncadd.tile.s32 @!p0 $0x1;
	_ =	shalt  }
.Lfunc_end2:
_tile_overlayer_lowered:
.L_overlay_start_2:
0xb0: {  	(tag) =	ssettag $0x2  }
0xb1: {  	s0 =	rddreg [dreg:$0x0];
	s2 =	stileid.u32  }
0xb2: {  	s1 =	rddreg [dreg:$0x1];
	p0 =	sne.s32 s2, $0x0  }
0xb3: {  	s3 =	rddreg [dreg:$0x2];
	[bflag:$0x3] =	sbarrier.arrive $0xFFFF;
	s2 =	simm.s32 @!p0 $0x1C02  }
0xb4: {  	[timem:s3], [sflag:s2] =	dma.local @!p0 [hbm:s0], s1  }
0xb5: {  	s0 =	simm.s32 @!p0 $0x2  }
0xb6: {  	_ =	swait.ge @!p0 [sflag:s0], s1  }
0xb7: {  	s1 =	ssub.s32 @!p0 $0x0, s1;
	[sflag:s0] =	ssyncset.done @!p0 $0x0  }
0xb8: {  	[sflag:s0] =	ssyncadd.s32 @!p0 s1  }
0xb9: {  	[bflag:$0x3] =	sbarrier.arrive $0xFFFF  }
0xba: {  	_ =	shalt  }

</sc_bundles>
